<compile_context>
chip_gen: v7x
topology: tpu7x:2x2x1
jax: 0.10.2.dev20260603
libtpu: 0.0.44.dev20260713+nightly
codegen_flags: <defaults>
</compile_context>

<pallas_src>
import functools

import jax
import jax.numpy as jnp
from jax import lax
from jax.experimental import pallas as pl
from jax.experimental.pallas import tpu as pltpu
from jax.experimental.pallas import tpu_sc as plsc



def _proj_body(x_ref, w_ref, a_ref, h_ref, al_ref):
    h = jnp.dot(x_ref[...], w_ref[...], preferred_element_type=jnp.float32)
    h_ref[...] = h
    al_ref[...] = jnp.dot(h, a_ref[...], preferred_element_type=jnp.float32)


def _proj(x, W, A):
    n, d_in = x.shape
    d_out = W.shape[1]
    a_cols = A.shape[1]
    r = 2000
    return pl.pallas_call(
        _proj_body,
        grid=(n // r,),
        in_specs=[
            pl.BlockSpec((r, d_in), lambda i: (i, 0)),
            pl.BlockSpec((d_in, d_out), lambda i: (0, 0)),
            pl.BlockSpec((d_out, a_cols), lambda i: (0, 0)),
        ],
        out_specs=[
            pl.BlockSpec((r, d_out), lambda i: (i, 0)),
            pl.BlockSpec((r, a_cols), lambda i: (i, 0)),
        ],
        out_shape=[
            jax.ShapeDtypeStruct((n, d_out), jnp.float32),
            jax.ShapeDtypeStruct((n, a_cols), jnp.float32),
        ],
    )(x, W, A)



_NC = 2
_NS = 16
_K = 80


def _sc_edge_call(n, np_, e, h_heads, hc):
    nw = _NC * _NS
    epw = e // nw
    nchunks = epw // _K
    rows_pt = np_ // _NS

    def body(h_hbm, al_hbm, src_hbm, dst_hbm, zacc_hbm, zden_hbm,
             acc_out, den_out,
             acc_sh, den_sh,
             a_s0, a_s1, a_d0, a_d1, sidx0, sidx1, didx0, didx1,
             didxs0, didxs1, w0, w1, rows0, rows1,
             sem_h0, sem_h1, sem_a0, sem_a1, sem_i0, sem_i1,
             sem_s0, sem_s1):
        cid = lax.axis_index("c")
        sid = lax.axis_index("s")
        row0 = sid * rows_pt
        a_s = (a_s0, a_s1)
        a_d = (a_d0, a_d1)
        sidx = (sidx0, sidx1)
        didx = (didx0, didx1)
        didx_s = (didxs0, didxs1)
        w_b = (w0, w1)
        rows = (rows0, rows1)
        sem_h = (sem_h0, sem_h1)
        sem_a = (sem_a0, sem_a1)
        sem_i = (sem_i0, sem_i1)
        sem_s = (sem_s0, sem_s1)

        pltpu.sync_copy(zacc_hbm.at[pl.ds(row0, rows_pt)],
                        acc_sh.at[pl.ds(row0, rows_pt)])
        pltpu.sync_copy(zden_hbm.at[pl.ds(row0, rows_pt)],
                        den_sh.at[pl.ds(row0, rows_pt)])

        def zw(k, c2):
            w0[k, :] = jnp.zeros((16,), jnp.float32)
            w1[k, :] = jnp.zeros((16,), jnp.float32)
            return c2

        lax.fori_loop(0, _K, zw, 0)
        plsc.subcore_barrier()

        base = (cid * _NS + sid) * epw

        def issue_idx(b, ci):
            off = jnp.minimum(base + ci * _K, e - _K)
            pltpu.async_copy(src_hbm.at[pl.ds(off, _K)], sidx[b], sem_i[b])
            pltpu.async_copy(dst_hbm.at[pl.ds(off, _K)], didx[b], sem_i[b])

        def wait_idx(b, ci):
            off = jnp.minimum(base + ci * _K, e - _K)
            pltpu.make_async_copy(
                src_hbm.at[pl.ds(off, _K)], sidx[b], sem_i[b]).wait()
            pltpu.make_async_copy(
                dst_hbm.at[pl.ds(off, _K)], didx[b], sem_i[b]).wait()

        def issue_gathers(b):
            pltpu.async_copy(h_hbm.at[sidx[b]], rows[b], sem_h[b])
            pltpu.async_copy(al_hbm.at[sidx[b]], a_s[b], sem_a[b])
            pltpu.async_copy(al_hbm.at[didx[b]], a_d[b], sem_a[b])

        def wait_gathers(b):
            pltpu.make_async_copy(
                h_hbm.at[sidx[b]], rows[b], sem_h[b]).wait()
            pltpu.make_async_copy(
                al_hbm.at[sidx[b]], a_s[b], sem_a[b]).wait()
            pltpu.make_async_copy(
                al_hbm.at[didx[b]], a_d[b], sem_a[b]).wait()

        def compute_scatter(b):
            a_s_v, a_d_v, w_v, rows_v = a_s[b], a_d[b], w_b[b], rows[b]

            def wgroup(j, c2):
                rows_idx = j * 16 + lax.iota(jnp.int32, 16)
                evs = []
                for hh in range(h_heads):
                    av_s = plsc.load_gather(
                        a_s_v, [rows_idx, jnp.full((16,), hh, jnp.int32)])
                    av_d = plsc.load_gather(
                        a_d_v,
                        [rows_idx, jnp.full((16,), 8 + hh, jnp.int32)])
                    ev = av_s + av_d
                    evs.append(jnp.maximum(ev, 0.2 * ev))
                ws = [jnp.exp(ev) for ev in evs]
                for hh in range(h_heads):
                    plsc.store_scatter(
                        w_v,
                        [rows_idx, jnp.full((16,), hh, jnp.int32)],
                        ws[hh])
                return c2

            lax.fori_loop(0, _K // 16, wgroup, 0)

            def scale(k, c2):
                kk = jnp.full((16,), 0, jnp.int32) + k
                wsps = [
                    plsc.load_gather(
                        w_v, [kk, jnp.full((16,), hh, jnp.int32)])
                    for hh in range(h_heads)
                ]
                for hh in range(h_heads):
                    for rsub in range(2):
                        g = hh * 2 + rsub
                        seg = rows_v[k, pl.ds(g * 16, 16)]
                        rows_v[k, pl.ds(g * 16, 16)] = seg * wsps[hh]
                return c2

            lax.fori_loop(0, _K, scale, 0, unroll=8)
            for j in range(_K // 16):
                didx_s[b][pl.ds(j * 16, 16)] = didx[b][pl.ds(j * 16, 16)]
            pltpu.async_copy(w_v, den_sh.at[didx_s[b]], sem_s[b], add=True)
            pltpu.async_copy(rows_v, acc_sh.at[didx_s[b]], sem_s[b],
                             add=True)

        def wait_scatter(b):
            pltpu.make_async_copy(
                w_b[b], den_sh.at[didx_s[b]], sem_s[b]).wait()
            pltpu.make_async_copy(
                rows[b], acc_sh.at[didx_s[b]], sem_s[b]).wait()

        issue_idx(0, 0)
        wait_idx(0, 0)
        issue_gathers(0)
        issue_idx(1, 1)

        npairs = nchunks // 2

        def pair_body(p, carry):
            c0 = 2 * p
            wait_idx(1, c0 + 1)

            @pl.when(p > 0)
            def _():
                wait_scatter(1)

            issue_gathers(1)
            wait_gathers(0)
            compute_scatter(0)
            issue_idx(0, c0 + 2)
            wait_idx(0, c0 + 2)
            wait_gathers(1)
            compute_scatter(1)
            wait_scatter(0)
            issue_gathers(0)
            issue_idx(1, c0 + 3)
            return carry

        lax.fori_loop(0, npairs, pair_body, 0)
        wait_gathers(0)
        wait_idx(1, nchunks + 1)
        wait_scatter(1)
        plsc.subcore_barrier()
        pltpu.sync_copy(acc_sh.at[pl.ds(row0, rows_pt)],
                        acc_out.at[cid, pl.ds(row0, rows_pt)])
        pltpu.sync_copy(den_sh.at[pl.ds(row0, rows_pt)],
                        den_out.at[cid, pl.ds(row0, rows_pt)])

    return pl.kernel(
        body,
        out_type=(
            jax.ShapeDtypeStruct((_NC, np_, hc), jnp.float32),
            jax.ShapeDtypeStruct((_NC, np_, 16), jnp.float32),
        ),
        mesh=plsc.VectorSubcoreMesh(core_axis_name="c", subcore_axis_name="s"),
        compiler_params=pltpu.CompilerParams(
            needs_layout_passes=False, use_tc_tiling_on_sc=False),
        scratch_types=[
            pltpu.VMEM_SHARED((np_, hc), jnp.float32),
            pltpu.VMEM_SHARED((np_, 16), jnp.float32),
            pltpu.VMEM((_K, 16), jnp.float32),
            pltpu.VMEM((_K, 16), jnp.float32),
            pltpu.VMEM((_K, 16), jnp.float32),
            pltpu.VMEM((_K, 16), jnp.float32),
            pltpu.VMEM((_K,), jnp.int32),
            pltpu.VMEM((_K,), jnp.int32),
            pltpu.VMEM((_K,), jnp.int32),
            pltpu.VMEM((_K,), jnp.int32),
            pltpu.VMEM((_K,), jnp.int32),
            pltpu.VMEM((_K,), jnp.int32),
            pltpu.VMEM((_K, 16), jnp.float32),
            pltpu.VMEM((_K, 16), jnp.float32),
            pltpu.VMEM((_K, hc), jnp.float32),
            pltpu.VMEM((_K, hc), jnp.float32),
            pltpu.SemaphoreType.DMA,
            pltpu.SemaphoreType.DMA,
            pltpu.SemaphoreType.DMA,
            pltpu.SemaphoreType.DMA,
            pltpu.SemaphoreType.DMA,
            pltpu.SemaphoreType.DMA,
            pltpu.SemaphoreType.DMA,
            pltpu.SemaphoreType.DMA,
        ],
    )



def _fin_body(a0, a1, d0, d1, e_ref, b_ref, o_ref):
    den = d0[...] + d1[...]
    recip = 1.0 / (den + 1e-16)
    rexp = jnp.dot(recip, e_ref[...], preferred_element_type=jnp.float32)
    acc = a0[...] + a1[...]
    o_ref[...] = jnp.maximum(acc * rexp + b_ref[...], 0.0)


def _finalize(a0, a1, d0, d1, e_mat, bias2d):
    n, hc = a0.shape
    h_heads = d0.shape[1]
    r = n // 8
    return pl.pallas_call(
        _fin_body,
        grid=(n // r,),
        in_specs=[
            pl.BlockSpec((r, hc), lambda i: (i, 0)),
            pl.BlockSpec((r, hc), lambda i: (i, 0)),
            pl.BlockSpec((r, h_heads), lambda i: (i, 0)),
            pl.BlockSpec((r, h_heads), lambda i: (i, 0)),
            pl.BlockSpec((h_heads, hc), lambda i: (0, 0)),
            pl.BlockSpec((1, hc), lambda i: (0, 0)),
        ],
        out_specs=pl.BlockSpec((r, hc), lambda i: (i, 0)),
        out_shape=jax.ShapeDtypeStruct((n, hc), jnp.float32),
    )(a0, a1, d0, d1, e_mat, bias2d)



def kernel(x, edge_index, W, att_src, att_dst, bias):
    f32 = jnp.float32
    n = x.shape[0]
    e = edge_index.shape[1]
    h_heads, c_out = att_src.shape
    hc = h_heads * c_out

    ei = edge_index.astype(jnp.int32)
    src = ei[0]
    dst = ei[1]

    eye = jnp.eye(h_heads, dtype=f32)
    a_src = (att_src.astype(f32)[:, :, None] * eye[:, None, :]).reshape(hc, h_heads)
    a_dst = (att_dst.astype(f32)[:, :, None] * eye[:, None, :]).reshape(hc, h_heads)
    zpad = jnp.zeros((hc, 8 - h_heads), f32)
    a_mat = jnp.concatenate([a_src, zpad, a_dst, zpad], axis=1)

    h, alpha16 = _proj(x.astype(f32), W.astype(f32), a_mat)

    np_ = ((n + _NS * 8 - 1) // (_NS * 8)) * (_NS * 8)
    zacc = jnp.zeros((np_, hc), f32)
    zden = jnp.zeros((np_, 16), f32)
    acc2, den2 = _sc_edge_call(n, np_, e, h_heads, hc)(
        h, alpha16, src, dst, zacc, zden)

    e_mat = jnp.concatenate(
        [jnp.repeat(eye, c_out, axis=1), jnp.zeros((16 - h_heads, hc), f32)],
        axis=0)
    out = _finalize(acc2[0], acc2[1], den2[0], den2[1],
                    e_mat, bias.astype(f32).reshape(1, hc))
    return out[:n]

# --- scband reference (transcript-rebuilt; emitter-appended) ---
"""Pipeline reference for scband-gatnode-recommendation-79164837199915 (READ-ONLY COPY).

The authoritative reference and input builder live on the scoring server;
editing this copy changes nothing except your own understanding.
"""

import jax, jax.numpy as jnp
import numpy as np

N_NODES = 10000
N_EDGES = 640000
IN_CH = 128
OUT_CH = 32
HEADS = 4

def setup_inputs(seed: int = 0) -> dict:
    key = jax.random.key(seed)
    k1, k2, k3, k4, k5 = jax.random.split(key, 5)
    x = jax.random.normal(k1, (N_NODES, IN_CH), dtype=jnp.float32)
    edge_index = jax.random.randint(k2, (2, N_EDGES), 0, N_NODES, dtype=jnp.int64)
    W = jax.random.normal(k3, (IN_CH, HEADS * OUT_CH), dtype=jnp.float32) * 0.1
    att_src = jax.random.normal(k4, (HEADS, OUT_CH), dtype=jnp.float32) * 0.1
    att_dst = jax.random.normal(k5, (HEADS, OUT_CH), dtype=jnp.float32) * 0.1
    bias = jnp.zeros((HEADS * OUT_CH,), dtype=jnp.float32)
    return {"x": x, "edge_index": edge_index, "W": W, "att_src": att_src, "att_dst": att_dst, "bias": bias}

def reference(x, edge_index, W, att_src, att_dst, bias):
    N = x.shape[0]
    H, C = HEADS, OUT_CH
    src = edge_index[0]
    dst = edge_index[1]
    # linear projection per head
    h = (x @ W).reshape(N, H, C)
    # attention logits
    alpha_src = jnp.sum(h * att_src[None, :, :], axis=-1)  # [N, H]
    alpha_dst = jnp.sum(h * att_dst[None, :, :], axis=-1)  # [N, H]
    e = alpha_src[src] + alpha_dst[dst]                    # [E, H]
    e = jax.nn.leaky_relu(e, negative_slope=0.2)
    # softmax over incoming edges per destination node (numerically stable)
    m = jax.ops.segment_max(e, dst, num_segments=N)        # [N, H]
    e_exp = jnp.exp(e - m[dst])
    denom = jax.ops.segment_sum(e_exp, dst, num_segments=N)  # [N, H]
    alpha = e_exp / (denom[dst] + 1e-16)                   # [E, H]
    # weighted message aggregation (scatter-add over dst)
    msgs = alpha[:, :, None] * h[src]                      # [E, H, C]
    out = jax.ops.segment_sum(msgs, dst, num_segments=N)   # [N, H, C]
    out = out.reshape(N, H * C) + bias
    return jax.nn.relu(out)

if __name__ == "__main__":
    import jax
    _d = setup_inputs()
    print(jax.jit(kernel)(*tuple(_d.values())))

</pallas_src>

<mosaic_0001>
#map = affine_map<(d0, d1) -> (0, 0)>
#map1 = affine_map<(d0, d1) -> (0)>
#map2 = affine_map<(d0, d1) -> (0, 0, 0)>
module attributes {stable_mosaic.version = 14 : i64} {
  func.func @body(%arg0: i32, %arg1: i32, %arg2: memref<10000x128xf32, #tpu.memory_space<hbm>>, %arg3: memref<10000x16xf32, #tpu.memory_space<hbm>>, %arg4: memref<640000xi32, #tpu.memory_space<hbm>>, %arg5: memref<640000xi32, #tpu.memory_space<hbm>>, %arg6: memref<10112x128xf32, #tpu.memory_space<hbm>>, %arg7: memref<10112x16xf32, #tpu.memory_space<hbm>>, %arg8: memref<2x10112x128xf32, #tpu.memory_space<hbm>>, %arg9: memref<2x10112x16xf32, #tpu.memory_space<hbm>>, %arg10: memref<10112x128xf32, #tpu.memory_space<vmem_shared>>, %arg11: memref<10112x16xf32, #tpu.memory_space<vmem_shared>>, %arg12: memref<80x16xf32, #tpu.memory_space<vmem>>, %arg13: memref<80x16xf32, #tpu.memory_space<vmem>>, %arg14: memref<80x16xf32, #tpu.memory_space<vmem>>, %arg15: memref<80x16xf32, #tpu.memory_space<vmem>>, %arg16: memref<80xi32, #tpu.memory_space<vmem>>, %arg17: memref<80xi32, #tpu.memory_space<vmem>>, %arg18: memref<80xi32, #tpu.memory_space<vmem>>, %arg19: memref<80xi32, #tpu.memory_space<vmem>>, %arg20: memref<80xi32, #tpu.memory_space<vmem>>, %arg21: memref<80xi32, #tpu.memory_space<vmem>>, %arg22: memref<80x16xf32, #tpu.memory_space<vmem>>, %arg23: memref<80x16xf32, #tpu.memory_space<vmem>>, %arg24: memref<80x128xf32, #tpu.memory_space<vmem>>, %arg25: memref<80x128xf32, #tpu.memory_space<vmem>>, %arg26: memref<!tpu.dma_semaphore, #tpu.memory_space<semaphore_mem>>, %arg27: memref<!tpu.dma_semaphore, #tpu.memory_space<semaphore_mem>>, %arg28: memref<!tpu.dma_semaphore, #tpu.memory_space<semaphore_mem>>, %arg29: memref<!tpu.dma_semaphore, #tpu.memory_space<semaphore_mem>>, %arg30: memref<!tpu.dma_semaphore, #tpu.memory_space<semaphore_mem>>, %arg31: memref<!tpu.dma_semaphore, #tpu.memory_space<semaphore_mem>>, %arg32: memref<!tpu.dma_semaphore, #tpu.memory_space<semaphore_mem>>, %arg33: memref<!tpu.dma_semaphore, #tpu.memory_space<semaphore_mem>>) attributes {dimension_semantics = [#tpu.dimension_semantics<core_parallel>, #tpu.dimension_semantics<subcore_parallel>], iteration_bounds = array<i64: 2, 16>, scalar_prefetch = 0 : i64, scratch_operands = 24 : i64, tpu.core_type = #tpu.core_type<sc_vector_subcore>, window_params = [{transform_indices = #map}, {transform_indices = #map}, {transform_indices = #map1}, {transform_indices = #map1}, {transform_indices = #map}, {transform_indices = #map}, {transform_indices = #map2}, {transform_indices = #map2}]} {
    %mul3A = arith.constant 632 : i32
    %mul3A_0 = arith.muli %arg1, %mul3A : i32
    "tpu.region"() ({
      %run_scoped3A = tpu.sem_alloc : memref<!tpu.dma_semaphore, #tpu.memory_space<semaphore_mem>>
      %dma_start3A_70 = arith.constant 0 : i32
      %dma_start3A_71 = tpu.memref_slice %arg10[%mul3A_0, %dma_start3A_70] : memref<10112x128xf32, #tpu.memory_space<vmem_shared>> -> memref<632x128xf32, #tpu.memory_space<vmem_shared>>
      %dma_start3A_72 = arith.constant 0 : i32
      %dma_start3A_73 = tpu.memref_slice %arg6[%mul3A_0, %dma_start3A_72] : memref<10112x128xf32, #tpu.memory_space<hbm>> -> memref<632x128xf32, #tpu.memory_space<hbm>>
      tpu.enqueue_dma source(%dma_start3A_73 : memref<632x128xf32, #tpu.memory_space<hbm>>) target(%dma_start3A_71 : memref<632x128xf32, #tpu.memory_space<vmem_shared>>) target_semaphore(%run_scoped3A : memref<!tpu.dma_semaphore, #tpu.memory_space<semaphore_mem>>)
      %dma_wait3A_74 = arith.constant 0 : i32
      %dma_wait3A_75 = tpu.memref_slice %arg10[%mul3A_0, %dma_wait3A_74] : memref<10112x128xf32, #tpu.memory_space<vmem_shared>> -> memref<632x128xf32, #tpu.memory_space<vmem_shared>>
      %dma_wait3A_76 = arith.constant 0 : i32
      %dma_wait3A_77 = tpu.memref_slice %arg6[%mul3A_0, %dma_wait3A_76] : memref<10112x128xf32, #tpu.memory_space<hbm>> -> memref<632x128xf32, #tpu.memory_space<hbm>>
      tpu.wait_dma2 semaphore(%run_scoped3A : memref<!tpu.dma_semaphore, #tpu.memory_space<semaphore_mem>>) src(%dma_wait3A_77 : memref<632x128xf32, #tpu.memory_space<hbm>>) dst(%dma_wait3A_75 : memref<632x128xf32, #tpu.memory_space<vmem_shared>>)
      tpu.yield
    }) : () -> ()
    "tpu.region"() ({
      %run_scoped3A = tpu.sem_alloc : memref<!tpu.dma_semaphore, #tpu.memory_space<semaphore_mem>>
      %dma_start3A_70 = arith.constant 0 : i32
      %dma_start3A_71 = tpu.memref_slice %arg11[%mul3A_0, %dma_start3A_70] : memref<10112x16xf32, #tpu.memory_space<vmem_shared>> -> memref<632x16xf32, #tpu.memory_space<vmem_shared>>
      %dma_start3A_72 = arith.constant 0 : i32
      %dma_start3A_73 = tpu.memref_slice %arg7[%mul3A_0, %dma_start3A_72] : memref<10112x16xf32, #tpu.memory_space<hbm>> -> memref<632x16xf32, #tpu.memory_space<hbm>>
      tpu.enqueue_dma source(%dma_start3A_73 : memref<632x16xf32, #tpu.memory_space<hbm>>) target(%dma_start3A_71 : memref<632x16xf32, #tpu.memory_space<vmem_shared>>) target_semaphore(%run_scoped3A : memref<!tpu.dma_semaphore, #tpu.memory_space<semaphore_mem>>)
      %dma_wait3A_74 = arith.constant 0 : i32
      %dma_wait3A_75 = tpu.memref_slice %arg11[%mul3A_0, %dma_wait3A_74] : memref<10112x16xf32, #tpu.memory_space<vmem_shared>> -> memref<632x16xf32, #tpu.memory_space<vmem_shared>>
      %dma_wait3A_76 = arith.constant 0 : i32
      %dma_wait3A_77 = tpu.memref_slice %arg7[%mul3A_0, %dma_wait3A_76] : memref<10112x16xf32, #tpu.memory_space<hbm>> -> memref<632x16xf32, #tpu.memory_space<hbm>>
      tpu.wait_dma2 semaphore(%run_scoped3A : memref<!tpu.dma_semaphore, #tpu.memory_space<semaphore_mem>>) src(%dma_wait3A_77 : memref<632x16xf32, #tpu.memory_space<hbm>>) dst(%dma_wait3A_75 : memref<632x16xf32, #tpu.memory_space<vmem_shared>>)
      tpu.yield
    }) : () -> ()
    %scan3A = arith.constant 0 : i32
    %scan3A_1 = arith.constant 0 : i32
    %scan3A_2 = arith.constant 80 : i32
    %scan3A_3 = arith.addi %scan3A_1, %scan3A_2 : i32
    %scan3A_4 = arith.constant 1 : i32
    scf.for %scan3A_70 = %scan3A_1 to %scan3A_3 step %scan3A_4  : i32 {
      %broadcast_in_dim3A = arith.constant 0.000000e+00 : f32
      %broadcast_in_dim3A_71 = vector.broadcast %broadcast_in_dim3A : f32 to vector<16xf32>
      %swap3A = arith.index_cast %scan3A_70 : i32 to index
      %swap3A_72 = arith.constant 0 : index
      %swap3A_73 = tpu.vector_load %arg22[%swap3A, %swap3A_72] {strides = array<i32>} : memref<80x16xf32, #tpu.memory_space<vmem>>, vector<16xf32>,
      tpu.vector_store %arg22[%swap3A, %swap3A_72], %broadcast_in_dim3A_71 {strides = array<i32>} : memref<80x16xf32, #tpu.memory_space<vmem>>, vector<16xf32>,
      %broadcast_in_dim3A_74 = arith.constant 0.000000e+00 : f32
      %broadcast_in_dim3A_75 = vector.broadcast %broadcast_in_dim3A_74 : f32 to vector<16xf32>
      %swap3A_76 = arith.index_cast %scan3A_70 : i32 to index
      %swap3A_77 = arith.constant 0 : index
      %swap3A_78 = tpu.vector_load %arg23[%swap3A_76, %swap3A_77] {strides = array<i32>} : memref<80x16xf32, #tpu.memory_space<vmem>>, vector<16xf32>,
      tpu.vector_store %arg23[%swap3A_76, %swap3A_77], %broadcast_in_dim3A_75 {strides = array<i32>} : memref<80x16xf32, #tpu.memory_space<vmem>>, vector<16xf32>,
    }
    %scan3A_5 = arith.constant 80 : i32
    %barrier3A = arith.constant 0 : index
    tpu.barrier barrier_id(%barrier3A)
    %mul3A_6 = arith.constant 16 : i32
    %mul3A_7 = arith.muli %arg0, %mul3A_6 : i32
    %add3A = arith.addi %mul3A_7, %arg1 : i32
    %mul3A_8 = arith.constant 20000 : i32
    %mul3A_9 = arith.muli %add3A, %mul3A_8 : i32
    %add3A_10 = arith.constant 0 : i32
    %add3A_11 = arith.addi %mul3A_9, %add3A_10 : i32
    %min3A = arith.constant 639920 : i32
    %min3A_12 = arith.minsi %add3A_11, %min3A : i32
    %dma_start3A = tpu.memref_slice %arg4[%min3A_12] : memref<640000xi32, #tpu.memory_space<hbm>> -> memref<80xi32, #tpu.memory_space<hbm>>
    %dma_start3A_13 = tpu.memref_slice %arg4[%min3A_12] : memref<640000xi32, #tpu.memory_space<hbm>> -> memref<80xi32, #tpu.memory_space<hbm>>
    tpu.enqueue_dma source(%dma_start3A_13 : memref<80xi32, #tpu.memory_space<hbm>>) target(%arg16 : memref<80xi32, #tpu.memory_space<vmem>>) target_semaphore(%arg30 : memref<!tpu.dma_semaphore, #tpu.memory_space<semaphore_mem>>)
    %dma_start3A_14 = tpu.memref_slice %arg5[%min3A_12] : memref<640000xi32, #tpu.memory_space<hbm>> -> memref<80xi32, #tpu.memory_space<hbm>>
    %dma_start3A_15 = tpu.memref_slice %arg5[%min3A_12] : memref<640000xi32, #tpu.memory_space<hbm>> -> memref<80xi32, #tpu.memory_space<hbm>>
    tpu.enqueue_dma source(%dma_start3A_15 : memref<80xi32, #tpu.memory_space<hbm>>) target(%arg18 : memref<80xi32, #tpu.memory_space<vmem>>) target_semaphore(%arg30 : memref<!tpu.dma_semaphore, #tpu.memory_space<semaphore_mem>>)
    %add3A_16 = arith.constant 0 : i32
    %add3A_17 = arith.addi %mul3A_9, %add3A_16 : i32
    %min3A_18 = arith.constant 639920 : i32
    %min3A_19 = arith.minsi %add3A_17, %min3A_18 : i32
    %dma_wait3A = tpu.memref_slice %arg4[%min3A_19] : memref<640000xi32, #tpu.memory_space<hbm>> -> memref<80xi32, #tpu.memory_space<hbm>>
    %dma_wait3A_20 = tpu.memref_slice %arg4[%min3A_19] : memref<640000xi32, #tpu.memory_space<hbm>> -> memref<80xi32, #tpu.memory_space<hbm>>
    tpu.wait_dma2 semaphore(%arg30 : memref<!tpu.dma_semaphore, #tpu.memory_space<semaphore_mem>>) src(%dma_wait3A_20 : memref<80xi32, #tpu.memory_space<hbm>>) dst(%arg16 : memref<80xi32, #tpu.memory_space<vmem>>)
    %dma_wait3A_21 = tpu.memref_slice %arg5[%min3A_19] : memref<640000xi32, #tpu.memory_space<hbm>> -> memref<80xi32, #tpu.memory_space<hbm>>
    %dma_wait3A_22 = tpu.memref_slice %arg5[%min3A_19] : memref<640000xi32, #tpu.memory_space<hbm>> -> memref<80xi32, #tpu.memory_space<hbm>>
    tpu.wait_dma2 semaphore(%arg30 : memref<!tpu.dma_semaphore, #tpu.memory_space<semaphore_mem>>) src(%dma_wait3A_22 : memref<80xi32, #tpu.memory_space<hbm>>) dst(%arg18 : memref<80xi32, #tpu.memory_space<vmem>>)
    %dma_start3A_23 = arith.constant 0 : i32
    %dma_start3A_24 = arith.constant 0 : i32
    %dma_start3A_25 = tpu.memref_slice %arg2[%dma_start3A_23, %dma_start3A_24] : memref<10000x128xf32, #tpu.memory_space<hbm>> -> memref<10000x128xf32, #tpu.memory_space<hbm>>
    tpu.enqueue_indirect_dma source(%dma_start3A_25 : memref<10000x128xf32, #tpu.memory_space<hbm>>) target(%arg24 : memref<80x128xf32, #tpu.memory_space<vmem>>) offsets(%arg16 : memref<80xi32, #tpu.memory_space<vmem>>) semaphore(%arg26 : memref<!tpu.dma_semaphore, #tpu.memory_space<semaphore_mem>>)
    %dma_start3A_26 = arith.constant 0 : i32
    %dma_start3A_27 = arith.constant 0 : i32
    %dma_start3A_28 = tpu.memref_slice %arg3[%dma_start3A_26, %dma_start3A_27] : memref<10000x16xf32, #tpu.memory_space<hbm>> -> memref<10000x16xf32, #tpu.memory_space<hbm>>
    tpu.enqueue_indirect_dma source(%dma_start3A_28 : memref<10000x16xf32, #tpu.memory_space<hbm>>) target(%arg12 : memref<80x16xf32, #tpu.memory_space<vmem>>) offsets(%arg16 : memref<80xi32, #tpu.memory_space<vmem>>) semaphore(%arg28 : memref<!tpu.dma_semaphore, #tpu.memory_space<semaphore_mem>>)
    %dma_start3A_29 = arith.constant 0 : i32
    %dma_start3A_30 = arith.constant 0 : i32
    %dma_start3A_31 = tpu.memref_slice %arg3[%dma_start3A_29, %dma_start3A_30] : memref<10000x16xf32, #tpu.memory_space<hbm>> -> memref<10000x16xf32, #tpu.memory_space<hbm>>
    tpu.enqueue_indirect_dma source(%dma_start3A_31 : memref<10000x16xf32, #tpu.memory_space<hbm>>) target(%arg14 : memref<80x16xf32, #tpu.memory_space<vmem>>) offsets(%arg18 : memref<80xi32, #tpu.memory_space<vmem>>) semaphore(%arg28 : memref<!tpu.dma_semaphore, #tpu.memory_space<semaphore_mem>>)
    %add3A_32 = arith.constant 80 : i32
    %add3A_33 = arith.addi %mul3A_9, %add3A_32 : i32
    %min3A_34 = arith.constant 639920 : i32
    %min3A_35 = arith.minsi %add3A_33, %min3A_34 : i32
    %dma_start3A_36 = tpu.memref_slice %arg4[%min3A_35] : memref<640000xi32, #tpu.memory_space<hbm>> -> memref<80xi32, #tpu.memory_space<hbm>>
    %dma_start3A_37 = tpu.memref_slice %arg4[%min3A_35] : memref<640000xi32, #tpu.memory_space<hbm>> -> memref<80xi32, #tpu.memory_space<hbm>>
    tpu.enqueue_dma source(%dma_start3A_37 : memref<80xi32, #tpu.memory_space<hbm>>) target(%arg17 : memref<80xi32, #tpu.memory_space<vmem>>) target_semaphore(%arg31 : memref<!tpu.dma_semaphore, #tpu.memory_space<semaphore_mem>>)
    %dma_start3A_38 = tpu.memref_slice %arg5[%min3A_35] : memref<640000xi32, #tpu.memory_space<hbm>> -> memref<80xi32, #tpu.memory_space<hbm>>
    %dma_start3A_39 = tpu.memref_slice %arg5[%min3A_35] : memref<640000xi32, #tpu.memory_space<hbm>> -> memref<80xi32, #tpu.memory_space<hbm>>
    tpu.enqueue_dma source(%dma_start3A_39 : memref<80xi32, #tpu.memory_space<hbm>>) target(%arg19 : memref<80xi32, #tpu.memory_space<vmem>>) target_semaphore(%arg31 : memref<!tpu.dma_semaphore, #tpu.memory_space<semaphore_mem>>)
    %scan3A_40 = arith.constant 0 : i32
    %scan3A_41 = arith.constant 0 : i32
    %scan3A_42 = arith.constant 125 : i32
    %scan3A_43 = arith.addi %scan3A_41, %scan3A_42 : i32
    %scan3A_44 = arith.constant 1 : i32
    scf.for %scan3A_70 = %scan3A_41 to %scan3A_43 step %scan3A_44  : i32 {
      %mul3A_71 = arith.constant 2 : i32
      %mul3A_72 = arith.muli %mul3A_71, %scan3A_70 : i32
      %add3A_73 = arith.constant 1 : i32
      %add3A_74 = arith.addi %mul3A_72, %add3A_73 : i32
      %mul3A_75 = arith.constant 80 : i32
      %mul3A_76 = arith.muli %add3A_74, %mul3A_75 : i32
      %add3A_77 = arith.addi %mul3A_9, %mul3A_76 : i32
      %min3A_78 = arith.constant 639920 : i32
      %min3A_79 = arith.minsi %add3A_77, %min3A_78 : i32
      %dma_wait3A_80 = tpu.memref_slice %arg4[%min3A_79] : memref<640000xi32, #tpu.memory_space<hbm>> -> memref<80xi32, #tpu.memory_space<hbm>>
      %dma_wait3A_81 = tpu.memref_slice %arg4[%min3A_79] : memref<640000xi32, #tpu.memory_space<hbm>> -> memref<80xi32, #tpu.memory_space<hbm>>
      tpu.wait_dma2 semaphore(%arg31 : memref<!tpu.dma_semaphore, #tpu.memory_space<semaphore_mem>>) src(%dma_wait3A_81 : memref<80xi32, #tpu.memory_space<hbm>>) dst(%arg17 : memref<80xi32, #tpu.memory_space<vmem>>)
      %dma_wait3A_82 = tpu.memref_slice %arg5[%min3A_79] : memref<640000xi32, #tpu.memory_space<hbm>> -> memref<80xi32, #tpu.memory_space<hbm>>
      %dma_wait3A_83 = tpu.memref_slice %arg5[%min3A_79] : memref<640000xi32, #tpu.memory_space<hbm>> -> memref<80xi32, #tpu.memory_space<hbm>>
      tpu.wait_dma2 semaphore(%arg31 : memref<!tpu.dma_semaphore, #tpu.memory_space<semaphore_mem>>) src(%dma_wait3A_83 : memref<80xi32, #tpu.memory_space<hbm>>) dst(%arg19 : memref<80xi32, #tpu.memory_space<vmem>>)
      %gt3A = arith.constant 0 : i32
      %gt3A_84 = arith.cmpi sgt, %scan3A_70, %gt3A : i32
      %convert_element_type3A = arith.extui %gt3A_84 : i1 to i32
      %cond3A = arith.constant 0 : i32
      %cond3A_85 = arith.cmpi ne, %convert_element_type3A, %cond3A : i32
      scf.if %cond3A_85 {
        %dma_wait3A_235 = arith.constant 0 : i32
        %dma_wait3A_236 = arith.constant 0 : i32
        %dma_wait3A_237 = tpu.memref_slice %arg11[%dma_wait3A_235, %dma_wait3A_236] : memref<10112x16xf32, #tpu.memory_space<vmem_shared>> -> memref<10112x16xf32, #tpu.memory_space<vmem_shared>>
        tpu.wait_indirect_dma semaphore(%arg33 : memref<!tpu.dma_semaphore, #tpu.memory_space<semaphore_mem>>) src(%arg23 : memref<80x16xf32, #tpu.memory_space<vmem>>) dst(%dma_wait3A_237 : memref<10112x16xf32, #tpu.memory_space<vmem_shared>>)
        %dma_wait3A_238 = arith.constant 0 : i32
        %dma_wait3A_239 = arith.constant 0 : i32
        %dma_wait3A_240 = tpu.memref_slice %arg10[%dma_wait3A_238, %dma_wait3A_239] : memref<10112x128xf32, #tpu.memory_space<vmem_shared>> -> memref<10112x128xf32, #tpu.memory_space<vmem_shared>>
        tpu.wait_indirect_dma semaphore(%arg33 : memref<!tpu.dma_semaphore, #tpu.memory_space<semaphore_mem>>) src(%arg25 : memref<80x128xf32, #tpu.memory_space<vmem>>) dst(%dma_wait3A_240 : memref<10112x128xf32, #tpu.memory_space<vmem_shared>>)
      } else {
      }
      %dma_start3A_86 = arith.constant 0 : i32
      %dma_start3A_87 = arith.constant 0 : i32
      %dma_start3A_88 = tpu.memref_slice %arg2[%dma_start3A_86, %dma_start3A_87] : memref<10000x128xf32, #tpu.memory_space<hbm>> -> memref<10000x128xf32, #tpu.memory_space<hbm>>
      tpu.enqueue_indirect_dma source(%dma_start3A_88 : memref<10000x128xf32, #tpu.memory_space<hbm>>) target(%arg25 : memref<80x128xf32, #tpu.memory_space<vmem>>) offsets(%arg17 : memref<80xi32, #tpu.memory_space<vmem>>) semaphore(%arg27 : memref<!tpu.dma_semaphore, #tpu.memory_space<semaphore_mem>>)
      %dma_start3A_89 = arith.constant 0 : i32
      %dma_start3A_90 = arith.constant 0 : i32
      %dma_start3A_91 = tpu.memref_slice %arg3[%dma_start3A_89, %dma_start3A_90] : memref<10000x16xf32, #tpu.memory_space<hbm>> -> memref<10000x16xf32, #tpu.memory_space<hbm>>
      tpu.enqueue_indirect_dma source(%dma_start3A_91 : memref<10000x16xf32, #tpu.memory_space<hbm>>) target(%arg13 : memref<80x16xf32, #tpu.memory_space<vmem>>) offsets(%arg17 : memref<80xi32, #tpu.memory_space<vmem>>) semaphore(%arg29 : memref<!tpu.dma_semaphore, #tpu.memory_space<semaphore_mem>>)
      %dma_start3A_92 = arith.constant 0 : i32
      %dma_start3A_93 = arith.constant 0 : i32
      %dma_start3A_94 = tpu.memref_slice %arg3[%dma_start3A_92, %dma_start3A_93] : memref<10000x16xf32, #tpu.memory_space<hbm>> -> memref<10000x16xf32, #tpu.memory_space<hbm>>
      tpu.enqueue_indirect_dma source(%dma_start3A_94 : memref<10000x16xf32, #tpu.memory_space<hbm>>) target(%arg15 : memref<80x16xf32, #tpu.memory_space<vmem>>) offsets(%arg19 : memref<80xi32, #tpu.memory_space<vmem>>) semaphore(%arg29 : memref<!tpu.dma_semaphore, #tpu.memory_space<semaphore_mem>>)
      %dma_wait3A_95 = arith.constant 0 : i32
      %dma_wait3A_96 = arith.constant 0 : i32
      %dma_wait3A_97 = tpu.memref_slice %arg2[%dma_wait3A_95, %dma_wait3A_96] : memref<10000x128xf32, #tpu.memory_space<hbm>> -> memref<10000x128xf32, #tpu.memory_space<hbm>>
      tpu.wait_indirect_dma semaphore(%arg26 : memref<!tpu.dma_semaphore, #tpu.memory_space<semaphore_mem>>) src(%dma_wait3A_97 : memref<10000x128xf32, #tpu.memory_space<hbm>>) dst(%arg24 : memref<80x128xf32, #tpu.memory_space<vmem>>)
      %dma_wait3A_98 = arith.constant 0 : i32
      %dma_wait3A_99 = arith.constant 0 : i32
      %dma_wait3A_100 = tpu.memref_slice %arg3[%dma_wait3A_98, %dma_wait3A_99] : memref<10000x16xf32, #tpu.memory_space<hbm>> -> memref<10000x16xf32, #tpu.memory_space<hbm>>
      tpu.wait_indirect_dma semaphore(%arg28 : memref<!tpu.dma_semaphore, #tpu.memory_space<semaphore_mem>>) src(%dma_wait3A_100 : memref<10000x16xf32, #tpu.memory_space<hbm>>) dst(%arg12 : memref<80x16xf32, #tpu.memory_space<vmem>>)
      %dma_wait3A_101 = arith.constant 0 : i32
      %dma_wait3A_102 = arith.constant 0 : i32
      %dma_wait3A_103 = tpu.memref_slice %arg3[%dma_wait3A_101, %dma_wait3A_102] : memref<10000x16xf32, #tpu.memory_space<hbm>> -> memref<10000x16xf32, #tpu.memory_space<hbm>>
      tpu.wait_indirect_dma semaphore(%arg28 : memref<!tpu.dma_semaphore, #tpu.memory_space<semaphore_mem>>) src(%dma_wait3A_103 : memref<10000x16xf32, #tpu.memory_space<hbm>>) dst(%arg14 : memref<80x16xf32, #tpu.memory_space<vmem>>)
      %scan3A_104 = arith.constant 0 : i32
      %scan3A_105 = arith.constant 0 : i32
      %scan3A_106 = arith.constant 5 : i32
      %scan3A_107 = arith.addi %scan3A_105, %scan3A_106 : i32
      %scan3A_108 = arith.constant 1 : i32
      scf.for %scan3A_235 = %scan3A_105 to %scan3A_107 step %scan3A_108  : i32 {
        %mul3A_236 = arith.constant 16 : i32
        %mul3A_237 = arith.muli %scan3A_235, %mul3A_236 : i32
        %iota3A = tpu.iota {dimensions = array<i32: 0>} : vector<16xi32>
        %add3A_238 = vector.broadcast %mul3A_237 : i32 to vector<16xi32>
        %add3A_239 = arith.addi %add3A_238, %iota3A : vector<16xi32>
        %broadcast_in_dim3A = arith.constant 0 : i32
        %broadcast_in_dim3A_240 = vector.broadcast %broadcast_in_dim3A : i32 to vector<16xi32>
        %gather3A = tpu.vector_load_idx %arg12[%add3A_239, %broadcast_in_dim3A_240] : memref<80x16xf32, #tpu.memory_space<vmem>>[vector<16xi32>, vector<16xi32>], vector<16xf32>,
        %broadcast_in_dim3A_241 = arith.constant 8 : i32
        %broadcast_in_dim3A_242 = vector.broadcast %broadcast_in_dim3A_241 : i32 to vector<16xi32>
        %gather3A_243 = tpu.vector_load_idx %arg14[%add3A_239, %broadcast_in_dim3A_242] : memref<80x16xf32, #tpu.memory_space<vmem>>[vector<16xi32>, vector<16xi32>], vector<16xf32>,
        %add3A_244 = arith.addf %gather3A, %gather3A_243 : vector<16xf32>
        %mul3A_245 = arith.constant 2.000000e-01 : f32
        %mul3A_246 = vector.broadcast %mul3A_245 : f32 to vector<16xf32>
        %mul3A_247 = arith.mulf %mul3A_246, %add3A_244 : vector<16xf32>
        %max3A = arith.maximumf %add3A_244, %mul3A_247 : vector<16xf32>
        %broadcast_in_dim3A_248 = arith.constant 1 : i32
        %broadcast_in_dim3A_249 = vector.broadcast %broadcast_in_dim3A_248 : i32 to vector<16xi32>
        %gather3A_250 = tpu.vector_load_idx %arg12[%add3A_239, %broadcast_in_dim3A_249] : memref<80x16xf32, #tpu.memory_space<vmem>>[vector<16xi32>, vector<16xi32>], vector<16xf32>,
        %broadcast_in_dim3A_251 = arith.constant 9 : i32
        %broadcast_in_dim3A_252 = vector.broadcast %broadcast_in_dim3A_251 : i32 to vector<16xi32>
        %gather3A_253 = tpu.vector_load_idx %arg14[%add3A_239, %broadcast_in_dim3A_252] : memref<80x16xf32, #tpu.memory_space<vmem>>[vector<16xi32>, vector<16xi32>], vector<16xf32>,
        %add3A_254 = arith.addf %gather3A_250, %gather3A_253 : vector<16xf32>
        %mul3A_255 = arith.constant 2.000000e-01 : f32
        %mul3A_256 = vector.broadcast %mul3A_255 : f32 to vector<16xf32>
        %mul3A_257 = arith.mulf %mul3A_256, %add3A_254 : vector<16xf32>
        %max3A_258 = arith.maximumf %add3A_254, %mul3A_257 : vector<16xf32>
        %broadcast_in_dim3A_259 = arith.constant 2 : i32
        %broadcast_in_dim3A_260 = vector.broadcast %broadcast_in_dim3A_259 : i32 to vector<16xi32>
        %gather3A_261 = tpu.vector_load_idx %arg12[%add3A_239, %broadcast_in_dim3A_260] : memref<80x16xf32, #tpu.memory_space<vmem>>[vector<16xi32>, vector<16xi32>], vector<16xf32>,
        %broadcast_in_dim3A_262 = arith.constant 10 : i32
        %broadcast_in_dim3A_263 = vector.broadcast %broadcast_in_dim3A_262 : i32 to vector<16xi32>
        %gather3A_264 = tpu.vector_load_idx %arg14[%add3A_239, %broadcast_in_dim3A_263] : memref<80x16xf32, #tpu.memory_space<vmem>>[vector<16xi32>, vector<16xi32>], vector<16xf32>,
        %add3A_265 = arith.addf %gather3A_261, %gather3A_264 : vector<16xf32>
        %mul3A_266 = arith.constant 2.000000e-01 : f32
        %mul3A_267 = vector.broadcast %mul3A_266 : f32 to vector<16xf32>
        %mul3A_268 = arith.mulf %mul3A_267, %add3A_265 : vector<16xf32>
        %max3A_269 = arith.maximumf %add3A_265, %mul3A_268 : vector<16xf32>
        %broadcast_in_dim3A_270 = arith.constant 3 : i32
        %broadcast_in_dim3A_271 = vector.broadcast %broadcast_in_dim3A_270 : i32 to vector<16xi32>
        %gather3A_272 = tpu.vector_load_idx %arg12[%add3A_239, %broadcast_in_dim3A_271] : memref<80x16xf32, #tpu.memory_space<vmem>>[vector<16xi32>, vector<16xi32>], vector<16xf32>,
        %broadcast_in_dim3A_273 = arith.constant 11 : i32
        %broadcast_in_dim3A_274 = vector.broadcast %broadcast_in_dim3A_273 : i32 to vector<16xi32>
        %gather3A_275 = tpu.vector_load_idx %arg14[%add3A_239, %broadcast_in_dim3A_274] : memref<80x16xf32, #tpu.memory_space<vmem>>[vector<16xi32>, vector<16xi32>], vector<16xf32>,
        %add3A_276 = arith.addf %gather3A_272, %gather3A_275 : vector<16xf32>
        %mul3A_277 = arith.constant 2.000000e-01 : f32
        %mul3A_278 = vector.broadcast %mul3A_277 : f32 to vector<16xf32>
        %mul3A_279 = arith.mulf %mul3A_278, %add3A_276 : vector<16xf32>
        %max3A_280 = arith.maximumf %add3A_276, %mul3A_279 : vector<16xf32>
        %exp3A = math.exp %max3A : vector<16xf32>
        %exp3A_281 = math.exp %max3A_258 : vector<16xf32>
        %exp3A_282 = math.exp %max3A_269 : vector<16xf32>
        %exp3A_283 = math.exp %max3A_280 : vector<16xf32>
        %broadcast_in_dim3A_284 = arith.constant 0 : i32
        %broadcast_in_dim3A_285 = vector.broadcast %broadcast_in_dim3A_284 : i32 to vector<16xi32>
        tpu.vector_store_idx %arg22[%add3A_239, %broadcast_in_dim3A_285], %exp3A : memref<80x16xf32, #tpu.memory_space<vmem>>[vector<16xi32>, vector<16xi32>], vector<16xf32>,
        %broadcast_in_dim3A_286 = arith.constant 1 : i32
        %broadcast_in_dim3A_287 = vector.broadcast %broadcast_in_dim3A_286 : i32 to vector<16xi32>
        tpu.vector_store_idx %arg22[%add3A_239, %broadcast_in_dim3A_287], %exp3A_281 : memref<80x16xf32, #tpu.memory_space<vmem>>[vector<16xi32>, vector<16xi32>], vector<16xf32>,
        %broadcast_in_dim3A_288 = arith.constant 2 : i32
        %broadcast_in_dim3A_289 = vector.broadcast %broadcast_in_dim3A_288 : i32 to vector<16xi32>
        tpu.vector_store_idx %arg22[%add3A_239, %broadcast_in_dim3A_289], %exp3A_282 : memref<80x16xf32, #tpu.memory_space<vmem>>[vector<16xi32>, vector<16xi32>], vector<16xf32>,
        %broadcast_in_dim3A_290 = arith.constant 3 : i32
        %broadcast_in_dim3A_291 = vector.broadcast %broadcast_in_dim3A_290 : i32 to vector<16xi32>
        tpu.vector_store_idx %arg22[%add3A_239, %broadcast_in_dim3A_291], %exp3A_283 : memref<80x16xf32, #tpu.memory_space<vmem>>[vector<16xi32>, vector<16xi32>], vector<16xf32>,
      }
      %scan3A_109 = arith.constant 5 : i32
      %scan3A_110 = arith.constant 0 : i32
      %scan3A_111 = arith.constant 0 : i32
      %scan3A_112 = arith.constant 80 : i32
      %scan3A_113 = arith.addi %scan3A_111, %scan3A_112 : i32
      %scan3A_114 = arith.constant 8 : i32
      scf.for %scan3A_235 = %scan3A_111 to %scan3A_113 step %scan3A_114  : i32 {
        %broadcast_in_dim3A = arith.constant 0 : i32
        %broadcast_in_dim3A_236 = vector.broadcast %broadcast_in_dim3A : i32 to vector<16xi32>
        %add3A_237 = vector.broadcast %scan3A_235 : i32 to vector<16xi32>
        %add3A_238 = arith.addi %broadcast_in_dim3A_236, %add3A_237 : vector<16xi32>
        %broadcast_in_dim3A_239 = arith.constant 0 : i32
        %broadcast_in_dim3A_240 = vector.broadcast %broadcast_in_dim3A_239 : i32 to vector<16xi32>
        %gather3A = tpu.vector_load_idx %arg22[%add3A_238, %broadcast_in_dim3A_240] : memref<80x16xf32, #tpu.memory_space<vmem>>[vector<16xi32>, vector<16xi32>], vector<16xf32>,
        %broadcast_in_dim3A_241 = arith.constant 1 : i32
        %broadcast_in_dim3A_242 = vector.broadcast %broadcast_in_dim3A_241 : i32 to vector<16xi32>
        %gather3A_243 = tpu.vector_load_idx %arg22[%add3A_238, %broadcast_in_dim3A_242] : memref<80x16xf32, #tpu.memory_space<vmem>>[vector<16xi32>, vector<16xi32>], vector<16xf32>,
        %broadcast_in_dim3A_244 = arith.constant 2 : i32
        %broadcast_in_dim3A_245 = vector.broadcast %broadcast_in_dim3A_244 : i32 to vector<16xi32>
        %gather3A_246 = tpu.vector_load_idx %arg22[%add3A_238, %broadcast_in_dim3A_245] : memref<80x16xf32, #tpu.memory_space<vmem>>[vector<16xi32>, vector<16xi32>], vector<16xf32>,
        %broadcast_in_dim3A_247 = arith.constant 3 : i32
        %broadcast_in_dim3A_248 = vector.broadcast %broadcast_in_dim3A_247 : i32 to vector<16xi32>
        %gather3A_249 = tpu.vector_load_idx %arg22[%add3A_238, %broadcast_in_dim3A_248] : memref<80x16xf32, #tpu.memory_space<vmem>>[vector<16xi32>, vector<16xi32>], vector<16xf32>,
        %get3A_250 = arith.index_cast %scan3A_235 : i32 to index
        %get3A_251 = arith.constant 0 : index
        %get3A_252 = tpu.vector_load %arg24[%get3A_250, %get3A_251] {strides = array<i32>} : memref<80x128xf32, #tpu.memory_space<vmem>>, vector<16xf32>,
        %mul3A_253 = arith.mulf %get3A_252, %gather3A : vector<16xf32>
        %swap3A_254 = arith.index_cast %scan3A_235 : i32 to index
        %swap3A_255 = arith.constant 0 : index
        %swap3A_256 = tpu.vector_load %arg24[%swap3A_254, %swap3A_255] {strides = array<i32>} : memref<80x128xf32, #tpu.memory_space<vmem>>, vector<16xf32>,
        tpu.vector_store %arg24[%swap3A_254, %swap3A_255], %mul3A_253 {strides = array<i32>} : memref<80x128xf32, #tpu.memory_space<vmem>>, vector<16xf32>,
        %get3A_257 = arith.index_cast %scan3A_235 : i32 to index
        %get3A_258 = arith.constant 16 : index
        %get3A_259 = tpu.vector_load %arg24[%get3A_257, %get3A_258] {strides = array<i32>} : memref<80x128xf32, #tpu.memory_space<vmem>>, vector<16xf32>,
        %mul3A_260 = arith.mulf %get3A_259, %gather3A : vector<16xf32>
        %swap3A_261 = arith.index_cast %scan3A_235 : i32 to index
        %swap3A_262 = arith.constant 16 : index
        %swap3A_263 = tpu.vector_load %arg24[%swap3A_261, %swap3A_262] {strides = array<i32>} : memref<80x128xf32, #tpu.memory_space<vmem>>, vector<16xf32>,
        tpu.vector_store %arg24[%swap3A_261, %swap3A_262], %mul3A_260 {strides = array<i32>} : memref<80x128xf32, #tpu.memory_space<vmem>>, vector<16xf32>,
        %get3A_264 = arith.index_cast %scan3A_235 : i32 to index
        %get3A_265 = arith.constant 32 : index
        %get3A_266 = tpu.vector_load %arg24[%get3A_264, %get3A_265] {strides = array<i32>} : memref<80x128xf32, #tpu.memory_space<vmem>>, vector<16xf32>,
        %mul3A_267 = arith.mulf %get3A_266, %gather3A_243 : vector<16xf32>
        %swap3A_268 = arith.index_cast %scan3A_235 : i32 to index
        %swap3A_269 = arith.constant 32 : index
        %swap3A_270 = tpu.vector_load %arg24[%swap3A_268, %swap3A_269] {strides = array<i32>} : memref<80x128xf32, #tpu.memory_space<vmem>>, vector<16xf32>,
        tpu.vector_store %arg24[%swap3A_268, %swap3A_269], %mul3A_267 {strides = array<i32>} : memref<80x128xf32, #tpu.memory_space<vmem>>, vector<16xf32>,
        %get3A_271 = arith.index_cast %scan3A_235 : i32 to index
        %get3A_272 = arith.constant 48 : index
        %get3A_273 = tpu.vector_load %arg24[%get3A_271, %get3A_272] {strides = array<i32>} : memref<80x128xf32, #tpu.memory_space<vmem>>, vector<16xf32>,
        %mul3A_274 = arith.mulf %get3A_273, %gather3A_243 : vector<16xf32>
        %swap3A_275 = arith.index_cast %scan3A_235 : i32 to index
        %swap3A_276 = arith.constant 48 : index
        %swap3A_277 = tpu.vector_load %arg24[%swap3A_275, %swap3A_276] {strides = array<i32>} : memref<80x128xf32, #tpu.memory_space<vmem>>, vector<16xf32>,
        tpu.vector_store %arg24[%swap3A_275, %swap3A_276], %mul3A_274 {strides = array<i32>} : memref<80x128xf32, #tpu.memory_space<vmem>>, vector<16xf32>,
        %get3A_278 = arith.index_cast %scan3A_235 : i32 to index
        %get3A_279 = arith.constant 64 : index
        %get3A_280 = tpu.vector_load %arg24[%get3A_278, %get3A_279] {strides = array<i32>} : memref<80x128xf32, #tpu.memory_space<vmem>>, vector<16xf32>,
        %mul3A_281 = arith.mulf %get3A_280, %gather3A_246 : vector<16xf32>
        %swap3A_282 = arith.index_cast %scan3A_235 : i32 to index
        %swap3A_283 = arith.constant 64 : index
        %swap3A_284 = tpu.vector_load %arg24[%swap3A_282, %swap3A_283] {strides = array<i32>} : memref<80x128xf32, #tpu.memory_space<vmem>>, vector<16xf32>,
        tpu.vector_store %arg24[%swap3A_282, %swap3A_283], %mul3A_281 {strides = array<i32>} : memref<80x128xf32, #tpu.memory_space<vmem>>, vector<16xf32>,
        %get3A_285 = arith.index_cast %scan3A_235 : i32 to index
        %get3A_286 = arith.constant 80 : index
        %get3A_287 = tpu.vector_load %arg24[%get3A_285, %get3A_286] {strides = array<i32>} : memref<80x128xf32, #tpu.memory_space<vmem>>, vector<16xf32>,
        %mul3A_288 = arith.mulf %get3A_287, %gather3A_246 : vector<16xf32>
        %swap3A_289 = arith.index_cast %scan3A_235 : i32 to index
        %swap3A_290 = arith.constant 80 : index
        %swap3A_291 = tpu.vector_load %arg24[%swap3A_289, %swap3A_290] {strides = array<i32>} : memref<80x128xf32, #tpu.memory_space<vmem>>, vector<16xf32>,
        tpu.vector_store %arg24[%swap3A_289, %swap3A_290], %mul3A_288 {strides = array<i32>} : memref<80x128xf32, #tpu.memory_space<vmem>>, vector<16xf32>,
        %get3A_292 = arith.index_cast %scan3A_235 : i32 to index
        %get3A_293 = arith.constant 96 : index
        %get3A_294 = tpu.vector_load %arg24[%get3A_292, %get3A_293] {strides = array<i32>} : memref<80x128xf32, #tpu.memory_space<vmem>>, vector<16xf32>,
        %mul3A_295 = arith.mulf %get3A_294, %gather3A_249 : vector<16xf32>
        %swap3A_296 = arith.index_cast %scan3A_235 : i32 to index
        %swap3A_297 = arith.constant 96 : index
        %swap3A_298 = tpu.vector_load %arg24[%swap3A_296, %swap3A_297] {strides = array<i32>} : memref<80x128xf32, #tpu.memory_space<vmem>>, vector<16xf32>,
        tpu.vector_store %arg24[%swap3A_296, %swap3A_297], %mul3A_295 {strides = array<i32>} : memref<80x128xf32, #tpu.memory_space<vmem>>, vector<16xf32>,
        %get3A_299 = arith.index_cast %scan3A_235 : i32 to index
        %get3A_300 = arith.constant 112 : index
        %get3A_301 = tpu.vector_load %arg24[%get3A_299, %get3A_300] {strides = array<i32>} : memref<80x128xf32, #tpu.memory_space<vmem>>, vector<16xf32>,
        %mul3A_302 = arith.mulf %get3A_301, %gather3A_249 : vector<16xf32>
        %swap3A_303 = arith.index_cast %scan3A_235 : i32 to index
        %swap3A_304 = arith.constant 112 : index
        %swap3A_305 = tpu.vector_load %arg24[%swap3A_303, %swap3A_304] {strides = array<i32>} : memref<80x128xf32, #tpu.memory_space<vmem>>, vector<16xf32>,
        tpu.vector_store %arg24[%swap3A_303, %swap3A_304], %mul3A_302 {strides = array<i32>} : memref<80x128xf32, #tpu.memory_space<vmem>>, vector<16xf32>,
        %scan3A_306 = arith.constant 1 : i32
        %scan3A_307 = arith.addi %scan3A_235, %scan3A_306 : i32
        %broadcast_in_dim3A_308 = arith.constant 0 : i32
        %broadcast_in_dim3A_309 = vector.broadcast %broadcast_in_dim3A_308 : i32 to vector<16xi32>
        %add3A_310 = vector.broadcast %scan3A_307 : i32 to vector<16xi32>
        %add3A_311 = arith.addi %broadcast_in_dim3A_309, %add3A_310 : vector<16xi32>
        %broadcast_in_dim3A_312 = arith.constant 0 : i32
        %broadcast_in_dim3A_313 = vector.broadcast %broadcast_in_dim3A_312 : i32 to vector<16xi32>
        %gather3A_314 = tpu.vector_load_idx %arg22[%add3A_311, %broadcast_in_dim3A_313] : memref<80x16xf32, #tpu.memory_space<vmem>>[vector<16xi32>, vector<16xi32>], vector<16xf32>,
        %broadcast_in_dim3A_315 = arith.constant 1 : i32
        %broadcast_in_dim3A_316 = vector.broadcast %broadcast_in_dim3A_315 : i32 to vector<16xi32>
        %gather3A_317 = tpu.vector_load_idx %arg22[%add3A_311, %broadcast_in_dim3A_316] : memref<80x16xf32, #tpu.memory_space<vmem>>[vector<16xi32>, vector<16xi32>], vector<16xf32>,
        %broadcast_in_dim3A_318 = arith.constant 2 : i32
        %broadcast_in_dim3A_319 = vector.broadcast %broadcast_in_dim3A_318 : i32 to vector<16xi32>
        %gather3A_320 = tpu.vector_load_idx %arg22[%add3A_311, %broadcast_in_dim3A_319] : memref<80x16xf32, #tpu.memory_space<vmem>>[vector<16xi32>, vector<16xi32>], vector<16xf32>,
        %broadcast_in_dim3A_321 = arith.constant 3 : i32
        %broadcast_in_dim3A_322 = vector.broadcast %broadcast_in_dim3A_321 : i32 to vector<16xi32>
        %gather3A_323 = tpu.vector_load_idx %arg22[%add3A_311, %broadcast_in_dim3A_322] : memref<80x16xf32, #tpu.memory_space<vmem>>[vector<16xi32>, vector<16xi32>], vector<16xf32>,
        %get3A_324 = arith.index_cast %scan3A_307 : i32 to index
        %get3A_325 = arith.constant 0 : index
        %get3A_326 = tpu.vector_load %arg24[%get3A_324, %get3A_325] {strides = array<i32>} : memref<80x128xf32, #tpu.memory_space<vmem>>, vector<16xf32>,
        %mul3A_327 = arith.mulf %get3A_326, %gather3A_314 : vector<16xf32>
        %swap3A_328 = arith.index_cast %scan3A_307 : i32 to index
        %swap3A_329 = arith.constant 0 : index
        %swap3A_330 = tpu.vector_load %arg24[%swap3A_328, %swap3A_329] {strides = array<i32>} : memref<80x128xf32, #tpu.memory_space<vmem>>, vector<16xf32>,
        tpu.vector_store %arg24[%swap3A_328, %swap3A_329], %mul3A_327 {strides = array<i32>} : memref<80x128xf32, #tpu.memory_space<vmem>>, vector<16xf32>,
        %get3A_331 = arith.index_cast %scan3A_307 : i32 to index
        %get3A_332 = arith.constant 16 : index
        %get3A_333 = tpu.vector_load %arg24[%get3A_331, %get3A_332] {strides = array<i32>} : memref<80x128xf32, #tpu.memory_space<vmem>>, vector<16xf32>,
        %mul3A_334 = arith.mulf %get3A_333, %gather3A_314 : vector<16xf32>
        %swap3A_335 = arith.index_cast %scan3A_307 : i32 to index
        %swap3A_336 = arith.constant 16 : index
        %swap3A_337 = tpu.vector_load %arg24[%swap3A_335, %swap3A_336] {strides = array<i32>} : memref<80x128xf32, #tpu.memory_space<vmem>>, vector<16xf32>,
        tpu.vector_store %arg24[%swap3A_335, %swap3A_336], %mul3A_334 {strides = array<i32>} : memref<80x128xf32, #tpu.memory_space<vmem>>, vector<16xf32>,
        %get3A_338 = arith.index_cast %scan3A_307 : i32 to index
        %get3A_339 = arith.constant 32 : index
        %get3A_340 = tpu.vector_load %arg24[%get3A_338, %get3A_339] {strides = array<i32>} : memref<80x128xf32, #tpu.memory_space<vmem>>, vector<16xf32>,
        %mul3A_341 = arith.mulf %get3A_340, %gather3A_317 : vector<16xf32>
        %swap3A_342 = arith.index_cast %scan3A_307 : i32 to index
        %swap3A_343 = arith.constant 32 : index
        %swap3A_344 = tpu.vector_load %arg24[%swap3A_342, %swap3A_343] {strides = array<i32>} : memref<80x128xf32, #tpu.memory_space<vmem>>, vector<16xf32>,
        tpu.vector_store %arg24[%swap3A_342, %swap3A_343], %mul3A_341 {strides = array<i32>} : memref<80x128xf32, #tpu.memory_space<vmem>>, vector<16xf32>,
        %get3A_345 = arith.index_cast %scan3A_307 : i32 to index
        %get3A_346 = arith.constant 48 : index
        %get3A_347 = tpu.vector_load %arg24[%get3A_345, %get3A_346] {strides = array<i32>} : memref<80x128xf32, #tpu.memory_space<vmem>>, vector<16xf32>,
        %mul3A_348 = arith.mulf %get3A_347, %gather3A_317 : vector<16xf32>
        %swap3A_349 = arith.index_cast %scan3A_307 : i32 to index
        %swap3A_350 = arith.constant 48 : index
        %swap3A_351 = tpu.vector_load %arg24[%swap3A_349, %swap3A_350] {strides = array<i32>} : memref<80x128xf32, #tpu.memory_space<vmem>>, vector<16xf32>,
        tpu.vector_store %arg24[%swap3A_349, %swap3A_350], %mul3A_348 {strides = array<i32>} : memref<80x128xf32, #tpu.memory_space<vmem>>, vector<16xf32>,
        %get3A_352 = arith.index_cast %scan3A_307 : i32 to index
        %get3A_353 = arith.constant 64 : index
        %get3A_354 = tpu.vector_load %arg24[%get3A_352, %get3A_353] {strides = array<i32>} : memref<80x128xf32, #tpu.memory_space<vmem>>, vector<16xf32>,
        %mul3A_355 = arith.mulf %get3A_354, %gather3A_320 : vector<16xf32>
        %swap3A_356 = arith.index_cast %scan3A_307 : i32 to index
        %swap3A_357 = arith.constant 64 : index
        %swap3A_358 = tpu.vector_load %arg24[%swap3A_356, %swap3A_357] {strides = array<i32>} : memref<80x128xf32, #tpu.memory_space<vmem>>, vector<16xf32>,
        tpu.vector_store %arg24[%swap3A_356, %swap3A_357], %mul3A_355 {strides = array<i32>} : memref<80x128xf32, #tpu.memory_space<vmem>>, vector<16xf32>,
        %get3A_359 = arith.index_cast %scan3A_307 : i32 to index
        %get3A_360 = arith.constant 80 : index
        %get3A_361 = tpu.vector_load %arg24[%get3A_359, %get3A_360] {strides = array<i32>} : memref<80x128xf32, #tpu.memory_space<vmem>>, vector<16xf32>,
        %mul3A_362 = arith.mulf %get3A_361, %gather3A_320 : vector<16xf32>
        %swap3A_363 = arith.index_cast %scan3A_307 : i32 to index
        %swap3A_364 = arith.constant 80 : index
        %swap3A_365 = tpu.vector_load %arg24[%swap3A_363, %swap3A_364] {strides = array<i32>} : memref<80x128xf32, #tpu.memory_space<vmem>>, vector<16xf32>,
        tpu.vector_store %arg24[%swap3A_363, %swap3A_364], %mul3A_362 {strides = array<i32>} : memref<80x128xf32, #tpu.memory_space<vmem>>, vector<16xf32>,
        %get3A_366 = arith.index_cast %scan3A_307 : i32 to index
        %get3A_367 = arith.constant 96 : index
        %get3A_368 = tpu.vector_load %arg24[%get3A_366, %get3A_367] {strides = array<i32>} : memref<80x128xf32, #tpu.memory_space<vmem>>, vector<16xf32>,
        %mul3A_369 = arith.mulf %get3A_368, %gather3A_323 : vector<16xf32>
        %swap3A_370 = arith.index_cast %scan3A_307 : i32 to index
        %swap3A_371 = arith.constant 96 : index
        %swap3A_372 = tpu.vector_load %arg24[%swap3A_370, %swap3A_371] {strides = array<i32>} : memref<80x128xf32, #tpu.memory_space<vmem>>, vector<16xf32>,
        tpu.vector_store %arg24[%swap3A_370, %swap3A_371], %mul3A_369 {strides = array<i32>} : memref<80x128xf32, #tpu.memory_space<vmem>>, vector<16xf32>,
        %get3A_373 = arith.index_cast %scan3A_307 : i32 to index
        %get3A_374 = arith.constant 112 : index
        %get3A_375 = tpu.vector_load %arg24[%get3A_373, %get3A_374] {strides = array<i32>} : memref<80x128xf32, #tpu.memory_space<vmem>>, vector<16xf32>,
        %mul3A_376 = arith.mulf %get3A_375, %gather3A_323 : vector<16xf32>
        %swap3A_377 = arith.index_cast %scan3A_307 : i32 to index
        %swap3A_378 = arith.constant 112 : index
        %swap3A_379 = tpu.vector_load %arg24[%swap3A_377, %swap3A_378] {strides = array<i32>} : memref<80x128xf32, #tpu.memory_space<vmem>>, vector<16xf32>,
        tpu.vector_store %arg24[%swap3A_377, %swap3A_378], %mul3A_376 {strides = array<i32>} : memref<80x128xf32, #tpu.memory_space<vmem>>, vector<16xf32>,
        %scan3A_380 = arith.constant 2 : i32
        %scan3A_381 = arith.addi %scan3A_235, %scan3A_380 : i32
        %broadcast_in_dim3A_382 = arith.constant 0 : i32
        %broadcast_in_dim3A_383 = vector.broadcast %broadcast_in_dim3A_382 : i32 to vector<16xi32>
        %add3A_384 = vector.broadcast %scan3A_381 : i32 to vector<16xi32>
        %add3A_385 = arith.addi %broadcast_in_dim3A_383, %add3A_384 : vector<16xi32>
        %broadcast_in_dim3A_386 = arith.constant 0 : i32
        %broadcast_in_dim3A_387 = vector.broadcast %broadcast_in_dim3A_386 : i32 to vector<16xi32>
        %gather3A_388 = tpu.vector_load_idx %arg22[%add3A_385, %broadcast_in_dim3A_387] : memref<80x16xf32, #tpu.memory_space<vmem>>[vector<16xi32>, vector<16xi32>], vector<16xf32>,
        %broadcast_in_dim3A_389 = arith.constant 1 : i32
        %broadcast_in_dim3A_390 = vector.broadcast %broadcast_in_dim3A_389 : i32 to vector<16xi32>
        %gather3A_391 = tpu.vector_load_idx %arg22[%add3A_385, %broadcast_in_dim3A_390] : memref<80x16xf32, #tpu.memory_space<vmem>>[vector<16xi32>, vector<16xi32>], vector<16xf32>,
        %broadcast_in_dim3A_392 = arith.constant 2 : i32
        %broadcast_in_dim3A_393 = vector.broadcast %broadcast_in_dim3A_392 : i32 to vector<16xi32>
        %gather3A_394 = tpu.vector_load_idx %arg22[%add3A_385, %broadcast_in_dim3A_393] : memref<80x16xf32, #tpu.memory_space<vmem>>[vector<16xi32>, vector<16xi32>], vector<16xf32>,
        %broadcast_in_dim3A_395 = arith.constant 3 : i32
        %broadcast_in_dim3A_396 = vector.broadcast %broadcast_in_dim3A_395 : i32 to vector<16xi32>
        %gather3A_397 = tpu.vector_load_idx %arg22[%add3A_385, %broadcast_in_dim3A_396] : memref<80x16xf32, #tpu.memory_space<vmem>>[vector<16xi32>, vector<16xi32>], vector<16xf32>,
        %get3A_398 = arith.index_cast %scan3A_381 : i32 to index
        %get3A_399 = arith.constant 0 : index
        %get3A_400 = tpu.vector_load %arg24[%get3A_398, %get3A_399] {strides = array<i32>} : memref<80x128xf32, #tpu.memory_space<vmem>>, vector<16xf32>,
        %mul3A_401 = arith.mulf %get3A_400, %gather3A_388 : vector<16xf32>
        %swap3A_402 = arith.index_cast %scan3A_381 : i32 to index
        %swap3A_403 = arith.constant 0 : index
        %swap3A_404 = tpu.vector_load %arg24[%swap3A_402, %swap3A_403] {strides = array<i32>} : memref<80x128xf32, #tpu.memory_space<vmem>>, vector<16xf32>,
        tpu.vector_store %arg24[%swap3A_402, %swap3A_403], %mul3A_401 {strides = array<i32>} : memref<80x128xf32, #tpu.memory_space<vmem>>, vector<16xf32>,
        %get3A_405 = arith.index_cast %scan3A_381 : i32 to index
        %get3A_406 = arith.constant 16 : index
        %get3A_407 = tpu.vector_load %arg24[%get3A_405, %get3A_406] {strides = array<i32>} : memref<80x128xf32, #tpu.memory_space<vmem>>, vector<16xf32>,
        %mul3A_408 = arith.mulf %get3A_407, %gather3A_388 : vector<16xf32>
        %swap3A_409 = arith.index_cast %scan3A_381 : i32 to index
        %swap3A_410 = arith.constant 16 : index
        %swap3A_411 = tpu.vector_load %arg24[%swap3A_409, %swap3A_410] {strides = array<i32>} : memref<80x128xf32, #tpu.memory_space<vmem>>, vector<16xf32>,
        tpu.vector_store %arg24[%swap3A_409, %swap3A_410], %mul3A_408 {strides = array<i32>} : memref<80x128xf32, #tpu.memory_space<vmem>>, vector<16xf32>,
        %get3A_412 = arith.index_cast %scan3A_381 : i32 to index
        %get3A_413 = arith.constant 32 : index
        %get3A_414 = tpu.vector_load %arg24[%get3A_412, %get3A_413] {strides = array<i32>} : memref<80x128xf32, #tpu.memory_space<vmem>>, vector<16xf32>,
        %mul3A_415 = arith.mulf %get3A_414, %gather3A_391 : vector<16xf32>
        %swap3A_416 = arith.index_cast %scan3A_381 : i32 to index
        %swap3A_417 = arith.constant 32 : index
        %swap3A_418 = tpu.vector_load %arg24[%swap3A_416, %swap3A_417] {strides = array<i32>} : memref<80x128xf32, #tpu.memory_space<vmem>>, vector<16xf32>,
        tpu.vector_store %arg24[%swap3A_416, %swap3A_417], %mul3A_415 {strides = array<i32>} : memref<80x128xf32, #tpu.memory_space<vmem>>, vector<16xf32>,
        %get3A_419 = arith.index_cast %scan3A_381 : i32 to index
        %get3A_420 = arith.constant 48 : index
        %get3A_421 = tpu.vector_load %arg24[%get3A_419, %get3A_420] {strides = array<i32>} : memref<80x128xf32, #tpu.memory_space<vmem>>, vector<16xf32>,
        %mul3A_422 = arith.mulf %get3A_421, %gather3A_391 : vector<16xf32>
        %swap3A_423 = arith.index_cast %scan3A_381 : i32 to index
        %swap3A_424 = arith.constant 48 : index
        %swap3A_425 = tpu.vector_load %arg24[%swap3A_423, %swap3A_424] {strides = array<i32>} : memref<80x128xf32, #tpu.memory_space<vmem>>, vector<16xf32>,
        tpu.vector_store %arg24[%swap3A_423, %swap3A_424], %mul3A_422 {strides = array<i32>} : memref<80x128xf32, #tpu.memory_space<vmem>>, vector<16xf32>,
        %get3A_426 = arith.index_cast %scan3A_381 : i32 to index
        %get3A_427 = arith.constant 64 : index
        %get3A_428 = tpu.vector_load %arg24[%get3A_426, %get3A_427] {strides = array<i32>} : memref<80x128xf32, #tpu.memory_space<vmem>>, vector<16xf32>,
        %mul3A_429 = arith.mulf %get3A_428, %gather3A_394 : vector<16xf32>
        %swap3A_430 = arith.index_cast %scan3A_381 : i32 to index
        %swap3A_431 = arith.constant 64 : index
        %swap3A_432 = tpu.vector_load %arg24[%swap3A_430, %swap3A_431] {strides = array<i32>} : memref<80x128xf32, #tpu.memory_space<vmem>>, vector<16xf32>,
        tpu.vector_store %arg24[%swap3A_430, %swap3A_431], %mul3A_429 {strides = array<i32>} : memref<80x128xf32, #tpu.memory_space<vmem>>, vector<16xf32>,
        %get3A_433 = arith.index_cast %scan3A_381 : i32 to index
        %get3A_434 = arith.constant 80 : index
        %get3A_435 = tpu.vector_load %arg24[%get3A_433, %get3A_434] {strides = array<i32>} : memref<80x128xf32, #tpu.memory_space<vmem>>, vector<16xf32>,
        %mul3A_436 = arith.mulf %get3A_435, %gather3A_394 : vector<16xf32>
        %swap3A_437 = arith.index_cast %scan3A_381 : i32 to index
        %swap3A_438 = arith.constant 80 : index
        %swap3A_439 = tpu.vector_load %arg24[%swap3A_437, %swap3A_438] {strides = array<i32>} : memref<80x128xf32, #tpu.memory_space<vmem>>, vector<16xf32>,
        tpu.vector_store %arg24[%swap3A_437, %swap3A_438], %mul3A_436 {strides = array<i32>} : memref<80x128xf32, #tpu.memory_space<vmem>>, vector<16xf32>,
        %get3A_440 = arith.index_cast %scan3A_381 : i32 to index
        %get3A_441 = arith.constant 96 : index
        %get3A_442 = tpu.vector_load %arg24[%get3A_440, %get3A_441] {strides = array<i32>} : memref<80x128xf32, #tpu.memory_space<vmem>>, vector<16xf32>,
        %mul3A_443 = arith.mulf %get3A_442, %gather3A_397 : vector<16xf32>
        %swap3A_444 = arith.index_cast %scan3A_381 : i32 to index
        %swap3A_445 = arith.constant 96 : index
        %swap3A_446 = tpu.vector_load %arg24[%swap3A_444, %swap3A_445] {strides = array<i32>} : memref<80x128xf32, #tpu.memory_space<vmem>>, vector<16xf32>,
        tpu.vector_store %arg24[%swap3A_444, %swap3A_445], %mul3A_443 {strides = array<i32>} : memref<80x128xf32, #tpu.memory_space<vmem>>, vector<16xf32>,
        %get3A_447 = arith.index_cast %scan3A_381 : i32 to index
        %get3A_448 = arith.constant 112 : index
        %get3A_449 = tpu.vector_load %arg24[%get3A_447, %get3A_448] {strides = array<i32>} : memref<80x128xf32, #tpu.memory_space<vmem>>, vector<16xf32>,
        %mul3A_450 = arith.mulf %get3A_449, %gather3A_397 : vector<16xf32>
        %swap3A_451 = arith.index_cast %scan3A_381 : i32 to index
        %swap3A_452 = arith.constant 112 : index
        %swap3A_453 = tpu.vector_load %arg24[%swap3A_451, %swap3A_452] {strides = array<i32>} : memref<80x128xf32, #tpu.memory_space<vmem>>, vector<16xf32>,
        tpu.vector_store %arg24[%swap3A_451, %swap3A_452], %mul3A_450 {strides = array<i32>} : memref<80x128xf32, #tpu.memory_space<vmem>>, vector<16xf32>,
        %scan3A_454 = arith.constant 3 : i32
        %scan3A_455 = arith.addi %scan3A_235, %scan3A_454 : i32
        %broadcast_in_dim3A_456 = arith.constant 0 : i32
        %broadcast_in_dim3A_457 = vector.broadcast %broadcast_in_dim3A_456 : i32 to vector<16xi32>
        %add3A_458 = vector.broadcast %scan3A_455 : i32 to vector<16xi32>
        %add3A_459 = arith.addi %broadcast_in_dim3A_457, %add3A_458 : vector<16xi32>
        %broadcast_in_dim3A_460 = arith.constant 0 : i32
        %broadcast_in_dim3A_461 = vector.broadcast %broadcast_in_dim3A_460 : i32 to vector<16xi32>
        %gather3A_462 = tpu.vector_load_idx %arg22[%add3A_459, %broadcast_in_dim3A_461] : memref<80x16xf32, #tpu.memory_space<vmem>>[vector<16xi32>, vector<16xi32>], vector<16xf32>,
        %broadcast_in_dim3A_463 = arith.constant 1 : i32
        %broadcast_in_dim3A_464 = vector.broadcast %broadcast_in_dim3A_463 : i32 to vector<16xi32>
        %gather3A_465 = tpu.vector_load_idx %arg22[%add3A_459, %broadcast_in_dim3A_464] : memref<80x16xf32, #tpu.memory_space<vmem>>[vector<16xi32>, vector<16xi32>], vector<16xf32>,
        %broadcast_in_dim3A_466 = arith.constant 2 : i32
        %broadcast_in_dim3A_467 = vector.broadcast %broadcast_in_dim3A_466 : i32 to vector<16xi32>
        %gather3A_468 = tpu.vector_load_idx %arg22[%add3A_459, %broadcast_in_dim3A_467] : memref<80x16xf32, #tpu.memory_space<vmem>>[vector<16xi32>, vector<16xi32>], vector<16xf32>,
        %broadcast_in_dim3A_469 = arith.constant 3 : i32
        %broadcast_in_dim3A_470 = vector.broadcast %broadcast_in_dim3A_469 : i32 to vector<16xi32>
        %gather3A_471 = tpu.vector_load_idx %arg22[%add3A_459, %broadcast_in_dim3A_470] : memref<80x16xf32, #tpu.memory_space<vmem>>[vector<16xi32>, vector<16xi32>], vector<16xf32>,
        %get3A_472 = arith.index_cast %scan3A_455 : i32 to index
        %get3A_473 = arith.constant 0 : index
        %get3A_474 = tpu.vector_load %arg24[%get3A_472, %get3A_473] {strides = array<i32>} : memref<80x128xf32, #tpu.memory_space<vmem>>, vector<16xf32>,
        %mul3A_475 = arith.mulf %get3A_474, %gather3A_462 : vector<16xf32>
        %swap3A_476 = arith.index_cast %scan3A_455 : i32 to index
        %swap3A_477 = arith.constant 0 : index
        %swap3A_478 = tpu.vector_load %arg24[%swap3A_476, %swap3A_477] {strides = array<i32>} : memref<80x128xf32, #tpu.memory_space<vmem>>, vector<16xf32>,
        tpu.vector_store %arg24[%swap3A_476, %swap3A_477], %mul3A_475 {strides = array<i32>} : memref<80x128xf32, #tpu.memory_space<vmem>>, vector<16xf32>,
        %get3A_479 = arith.index_cast %scan3A_455 : i32 to index
        %get3A_480 = arith.constant 16 : index
        %get3A_481 = tpu.vector_load %arg24[%get3A_479, %get3A_480] {strides = array<i32>} : memref<80x128xf32, #tpu.memory_space<vmem>>, vector<16xf32>,
        %mul3A_482 = arith.mulf %get3A_481, %gather3A_462 : vector<16xf32>
        %swap3A_483 = arith.index_cast %scan3A_455 : i32 to index
        %swap3A_484 = arith.constant 16 : index
        %swap3A_485 = tpu.vector_load %arg24[%swap3A_483, %swap3A_484] {strides = array<i32>} : memref<80x128xf32, #tpu.memory_space<vmem>>, vector<16xf32>,
        tpu.vector_store %arg24[%swap3A_483, %swap3A_484], %mul3A_482 {strides = array<i32>} : memref<80x128xf32, #tpu.memory_space<vmem>>, vector<16xf32>,
        %get3A_486 = arith.index_cast %scan3A_455 : i32 to index
        %get3A_487 = arith.constant 32 : index
        %get3A_488 = tpu.vector_load %arg24[%get3A_486, %get3A_487] {strides = array<i32>} : memref<80x128xf32, #tpu.memory_space<vmem>>, vector<16xf32>,
        %mul3A_489 = arith.mulf %get3A_488, %gather3A_465 : vector<16xf32>
        %swap3A_490 = arith.index_cast %scan3A_455 : i32 to index
        %swap3A_491 = arith.constant 32 : index
        %swap3A_492 = tpu.vector_load %arg24[%swap3A_490, %swap3A_491] {strides = array<i32>} : memref<80x128xf32, #tpu.memory_space<vmem>>, vector<16xf32>,
        tpu.vector_store %arg24[%swap3A_490, %swap3A_491], %mul3A_489 {strides = array<i32>} : memref<80x128xf32, #tpu.memory_space<vmem>>, vector<16xf32>,
        %get3A_493 = arith.index_cast %scan3A_455 : i32 to index
        %get3A_494 = arith.constant 48 : index
        %get3A_495 = tpu.vector_load %arg24[%get3A_493, %get3A_494] {strides = array<i32>} : memref<80x128xf32, #tpu.memory_space<vmem>>, vector<16xf32>,
        %mul3A_496 = arith.mulf %get3A_495, %gather3A_465 : vector<16xf32>
        %swap3A_497 = arith.index_cast %scan3A_455 : i32 to index
        %swap3A_498 = arith.constant 48 : index
        %swap3A_499 = tpu.vector_load %arg24[%swap3A_497, %swap3A_498] {strides = array<i32>} : memref<80x128xf32, #tpu.memory_space<vmem>>, vector<16xf32>,
        tpu.vector_store %arg24[%swap3A_497, %swap3A_498], %mul3A_496 {strides = array<i32>} : memref<80x128xf32, #tpu.memory_space<vmem>>, vector<16xf32>,
        %get3A_500 = arith.index_cast %scan3A_455 : i32 to index
        %get3A_501 = arith.constant 64 : index
        %get3A_502 = tpu.vector_load %arg24[%get3A_500, %get3A_501] {strides = array<i32>} : memref<80x128xf32, #tpu.memory_space<vmem>>, vector<16xf32>,
        %mul3A_503 = arith.mulf %get3A_502, %gather3A_468 : vector<16xf32>
        %swap3A_504 = arith.index_cast %scan3A_455 : i32 to index
        %swap3A_505 = arith.constant 64 : index
        %swap3A_506 = tpu.vector_load %arg24[%swap3A_504, %swap3A_505] {strides = array<i32>} : memref<80x128xf32, #tpu.memory_space<vmem>>, vector<16xf32>,
        tpu.vector_store %arg24[%swap3A_504, %swap3A_505], %mul3A_503 {strides = array<i32>} : memref<80x128xf32, #tpu.memory_space<vmem>>, vector<16xf32>,
        %get3A_507 = arith.index_cast %scan3A_455 : i32 to index
        %get3A_508 = arith.constant 80 : index
        %get3A_509 = tpu.vector_load %arg24[%get3A_507, %get3A_508] {strides = array<i32>} : memref<80x128xf32, #tpu.memory_space<vmem>>, vector<16xf32>,
        %mul3A_510 = arith.mulf %get3A_509, %gather3A_468 : vector<16xf32>
        %swap3A_511 = arith.index_cast %scan3A_455 : i32 to index
        %swap3A_512 = arith.constant 80 : index
        %swap3A_513 = tpu.vector_load %arg24[%swap3A_511, %swap3A_512] {strides = array<i32>} : memref<80x128xf32, #tpu.memory_space<vmem>>, vector<16xf32>,
        tpu.vector_store %arg24[%swap3A_511, %swap3A_512], %mul3A_510 {strides = array<i32>} : memref<80x128xf32, #tpu.memory_space<vmem>>, vector<16xf32>,
        %get3A_514 = arith.index_cast %scan3A_455 : i32 to index
        %get3A_515 = arith.constant 96 : index
        %get3A_516 = tpu.vector_load %arg24[%get3A_514, %get3A_515] {strides = array<i32>} : memref<80x128xf32, #tpu.memory_space<vmem>>, vector<16xf32>,
        %mul3A_517 = arith.mulf %get3A_516, %gather3A_471 : vector<16xf32>
        %swap3A_518 = arith.index_cast %scan3A_455 : i32 to index
        %swap3A_519 = arith.constant 96 : index
        %swap3A_520 = tpu.vector_load %arg24[%swap3A_518, %swap3A_519] {strides = array<i32>} : memref<80x128xf32, #tpu.memory_space<vmem>>, vector<16xf32>,
        tpu.vector_store %arg24[%swap3A_518, %swap3A_519], %mul3A_517 {strides = array<i32>} : memref<80x128xf32, #tpu.memory_space<vmem>>, vector<16xf32>,
        %get3A_521 = arith.index_cast %scan3A_455 : i32 to index
        %get3A_522 = arith.constant 112 : index
        %get3A_523 = tpu.vector_load %arg24[%get3A_521, %get3A_522] {strides = array<i32>} : memref<80x128xf32, #tpu.memory_space<vmem>>, vector<16xf32>,
        %mul3A_524 = arith.mulf %get3A_523, %gather3A_471 : vector<16xf32>
        %swap3A_525 = arith.index_cast %scan3A_455 : i32 to index
        %swap3A_526 = arith.constant 112 : index
        %swap3A_527 = tpu.vector_load %arg24[%swap3A_525, %swap3A_526] {strides = array<i32>} : memref<80x128xf32, #tpu.memory_space<vmem>>, vector<16xf32>,
        tpu.vector_store %arg24[%swap3A_525, %swap3A_526], %mul3A_524 {strides = array<i32>} : memref<80x128xf32, #tpu.memory_space<vmem>>, vector<16xf32>,
        %scan3A_528 = arith.constant 4 : i32
        %scan3A_529 = arith.addi %scan3A_235, %scan3A_528 : i32
        %broadcast_in_dim3A_530 = arith.constant 0 : i32
        %broadcast_in_dim3A_531 = vector.broadcast %broadcast_in_dim3A_530 : i32 to vector<16xi32>
        %add3A_532 = vector.broadcast %scan3A_529 : i32 to vector<16xi32>
        %add3A_533 = arith.addi %broadcast_in_dim3A_531, %add3A_532 : vector<16xi32>
        %broadcast_in_dim3A_534 = arith.constant 0 : i32
        %broadcast_in_dim3A_535 = vector.broadcast %broadcast_in_dim3A_534 : i32 to vector<16xi32>
        %gather3A_536 = tpu.vector_load_idx %arg22[%add3A_533, %broadcast_in_dim3A_535] : memref<80x16xf32, #tpu.memory_space<vmem>>[vector<16xi32>, vector<16xi32>], vector<16xf32>,
        %broadcast_in_dim3A_537 = arith.constant 1 : i32
        %broadcast_in_dim3A_538 = vector.broadcast %broadcast_in_dim3A_537 : i32 to vector<16xi32>
        %gather3A_539 = tpu.vector_load_idx %arg22[%add3A_533, %broadcast_in_dim3A_538] : memref<80x16xf32, #tpu.memory_space<vmem>>[vector<16xi32>, vector<16xi32>], vector<16xf32>,
        %broadcast_in_dim3A_540 = arith.constant 2 : i32
        %broadcast_in_dim3A_541 = vector.broadcast %broadcast_in_dim3A_540 : i32 to vector<16xi32>
        %gather3A_542 = tpu.vector_load_idx %arg22[%add3A_533, %broadcast_in_dim3A_541] : memref<80x16xf32, #tpu.memory_space<vmem>>[vector<16xi32>, vector<16xi32>], vector<16xf32>,
        %broadcast_in_dim3A_543 = arith.constant 3 : i32
        %broadcast_in_dim3A_544 = vector.broadcast %broadcast_in_dim3A_543 : i32 to vector<16xi32>
        %gather3A_545 = tpu.vector_load_idx %arg22[%add3A_533, %broadcast_in_dim3A_544] : memref<80x16xf32, #tpu.memory_space<vmem>>[vector<16xi32>, vector<16xi32>], vector<16xf32>,
        %get3A_546 = arith.index_cast %scan3A_529 : i32 to index
        %get3A_547 = arith.constant 0 : index
        %get3A_548 = tpu.vector_load %arg24[%get3A_546, %get3A_547] {strides = array<i32>} : memref<80x128xf32, #tpu.memory_space<vmem>>, vector<16xf32>,
        %mul3A_549 = arith.mulf %get3A_548, %gather3A_536 : vector<16xf32>
        %swap3A_550 = arith.index_cast %scan3A_529 : i32 to index
        %swap3A_551 = arith.constant 0 : index
        %swap3A_552 = tpu.vector_load %arg24[%swap3A_550, %swap3A_551] {strides = array<i32>} : memref<80x128xf32, #tpu.memory_space<vmem>>, vector<16xf32>,
        tpu.vector_store %arg24[%swap3A_550, %swap3A_551], %mul3A_549 {strides = array<i32>} : memref<80x128xf32, #tpu.memory_space<vmem>>, vector<16xf32>,
        %get3A_553 = arith.index_cast %scan3A_529 : i32 to index
        %get3A_554 = arith.constant 16 : index
        %get3A_555 = tpu.vector_load %arg24[%get3A_553, %get3A_554] {strides = array<i32>} : memref<80x128xf32, #tpu.memory_space<vmem>>, vector<16xf32>,
        %mul3A_556 = arith.mulf %get3A_555, %gather3A_536 : vector<16xf32>
        %swap3A_557 = arith.index_cast %scan3A_529 : i32 to index
        %swap3A_558 = arith.constant 16 : index
        %swap3A_559 = tpu.vector_load %arg24[%swap3A_557, %swap3A_558] {strides = array<i32>} : memref<80x128xf32, #tpu.memory_space<vmem>>, vector<16xf32>,
        tpu.vector_store %arg24[%swap3A_557, %swap3A_558], %mul3A_556 {strides = array<i32>} : memref<80x128xf32, #tpu.memory_space<vmem>>, vector<16xf32>,
        %get3A_560 = arith.index_cast %scan3A_529 : i32 to index
        %get3A_561 = arith.constant 32 : index
        %get3A_562 = tpu.vector_load %arg24[%get3A_560, %get3A_561] {strides = array<i32>} : memref<80x128xf32, #tpu.memory_space<vmem>>, vector<16xf32>,
        %mul3A_563 = arith.mulf %get3A_562, %gather3A_539 : vector<16xf32>
        %swap3A_564 = arith.index_cast %scan3A_529 : i32 to index
        %swap3A_565 = arith.constant 32 : index
        %swap3A_566 = tpu.vector_load %arg24[%swap3A_564, %swap3A_565] {strides = array<i32>} : memref<80x128xf32, #tpu.memory_space<vmem>>, vector<16xf32>,
        tpu.vector_store %arg24[%swap3A_564, %swap3A_565], %mul3A_563 {strides = array<i32>} : memref<80x128xf32, #tpu.memory_space<vmem>>, vector<16xf32>,
        %get3A_567 = arith.index_cast %scan3A_529 : i32 to index
        %get3A_568 = arith.constant 48 : index
        %get3A_569 = tpu.vector_load %arg24[%get3A_567, %get3A_568] {strides = array<i32>} : memref<80x128xf32, #tpu.memory_space<vmem>>, vector<16xf32>,
        %mul3A_570 = arith.mulf %get3A_569, %gather3A_539 : vector<16xf32>
        %swap3A_571 = arith.index_cast %scan3A_529 : i32 to index
        %swap3A_572 = arith.constant 48 : index
        %swap3A_573 = tpu.vector_load %arg24[%swap3A_571, %swap3A_572] {strides = array<i32>} : memref<80x128xf32, #tpu.memory_space<vmem>>, vector<16xf32>,
        tpu.vector_store %arg24[%swap3A_571, %swap3A_572], %mul3A_570 {strides = array<i32>} : memref<80x128xf32, #tpu.memory_space<vmem>>, vector<16xf32>,
        %get3A_574 = arith.index_cast %scan3A_529 : i32 to index
        %get3A_575 = arith.constant 64 : index
        %get3A_576 = tpu.vector_load %arg24[%get3A_574, %get3A_575] {strides = array<i32>} : memref<80x128xf32, #tpu.memory_space<vmem>>, vector<16xf32>,
        %mul3A_577 = arith.mulf %get3A_576, %gather3A_542 : vector<16xf32>
        %swap3A_578 = arith.index_cast %scan3A_529 : i32 to index
        %swap3A_579 = arith.constant 64 : index
        %swap3A_580 = tpu.vector_load %arg24[%swap3A_578, %swap3A_579] {strides = array<i32>} : memref<80x128xf32, #tpu.memory_space<vmem>>, vector<16xf32>,
        tpu.vector_store %arg24[%swap3A_578, %swap3A_579], %mul3A_577 {strides = array<i32>} : memref<80x128xf32, #tpu.memory_space<vmem>>, vector<16xf32>,
        %get3A_581 = arith.index_cast %scan3A_529 : i32 to index
        %get3A_582 = arith.constant 80 : index
        %get3A_583 = tpu.vector_load %arg24[%get3A_581, %get3A_582] {strides = array<i32>} : memref<80x128xf32, #tpu.memory_space<vmem>>, vector<16xf32>,
        %mul3A_584 = arith.mulf %get3A_583, %gather3A_542 : vector<16xf32>
        %swap3A_585 = arith.index_cast %scan3A_529 : i32 to index
        %swap3A_586 = arith.constant 80 : index
        %swap3A_587 = tpu.vector_load %arg24[%swap3A_585, %swap3A_586] {strides = array<i32>} : memref<80x128xf32, #tpu.memory_space<vmem>>, vector<16xf32>,
        tpu.vector_store %arg24[%swap3A_585, %swap3A_586], %mul3A_584 {strides = array<i32>} : memref<80x128xf32, #tpu.memory_space<vmem>>, vector<16xf32>,
        %get3A_588 = arith.index_cast %scan3A_529 : i32 to index
        %get3A_589 = arith.constant 96 : index
        %get3A_590 = tpu.vector_load %arg24[%get3A_588, %get3A_589] {strides = array<i32>} : memref<80x128xf32, #tpu.memory_space<vmem>>, vector<16xf32>,
        %mul3A_591 = arith.mulf %get3A_590, %gather3A_545 : vector<16xf32>
        %swap3A_592 = arith.index_cast %scan3A_529 : i32 to index
        %swap3A_593 = arith.constant 96 : index
        %swap3A_594 = tpu.vector_load %arg24[%swap3A_592, %swap3A_593] {strides = array<i32>} : memref<80x128xf32, #tpu.memory_space<vmem>>, vector<16xf32>,
        tpu.vector_store %arg24[%swap3A_592, %swap3A_593], %mul3A_591 {strides = array<i32>} : memref<80x128xf32, #tpu.memory_space<vmem>>, vector<16xf32>,
        %get3A_595 = arith.index_cast %scan3A_529 : i32 to index
        %get3A_596 = arith.constant 112 : index
        %get3A_597 = tpu.vector_load %arg24[%get3A_595, %get3A_596] {strides = array<i32>} : memref<80x128xf32, #tpu.memory_space<vmem>>, vector<16xf32>,
        %mul3A_598 = arith.mulf %get3A_597, %gather3A_545 : vector<16xf32>
        %swap3A_599 = arith.index_cast %scan3A_529 : i32 to index
        %swap3A_600 = arith.constant 112 : index
        %swap3A_601 = tpu.vector_load %arg24[%swap3A_599, %swap3A_600] {strides = array<i32>} : memref<80x128xf32, #tpu.memory_space<vmem>>, vector<16xf32>,
        tpu.vector_store %arg24[%swap3A_599, %swap3A_600], %mul3A_598 {strides = array<i32>} : memref<80x128xf32, #tpu.memory_space<vmem>>, vector<16xf32>,
        %scan3A_602 = arith.constant 5 : i32
        %scan3A_603 = arith.addi %scan3A_235, %scan3A_602 : i32
        %broadcast_in_dim3A_604 = arith.constant 0 : i32
        %broadcast_in_dim3A_605 = vector.broadcast %broadcast_in_dim3A_604 : i32 to vector<16xi32>
        %add3A_606 = vector.broadcast %scan3A_603 : i32 to vector<16xi32>
        %add3A_607 = arith.addi %broadcast_in_dim3A_605, %add3A_606 : vector<16xi32>
        %broadcast_in_dim3A_608 = arith.constant 0 : i32
        %broadcast_in_dim3A_609 = vector.broadcast %broadcast_in_dim3A_608 : i32 to vector<16xi32>
        %gather3A_610 = tpu.vector_load_idx %arg22[%add3A_607, %broadcast_in_dim3A_609] : memref<80x16xf32, #tpu.memory_space<vmem>>[vector<16xi32>, vector<16xi32>], vector<16xf32>,
        %broadcast_in_dim3A_611 = arith.constant 1 : i32
        %broadcast_in_dim3A_612 = vector.broadcast %broadcast_in_dim3A_611 : i32 to vector<16xi32>
        %gather3A_613 = tpu.vector_load_idx %arg22[%add3A_607, %broadcast_in_dim3A_612] : memref<80x16xf32, #tpu.memory_space<vmem>>[vector<16xi32>, vector<16xi32>], vector<16xf32>,
        %broadcast_in_dim3A_614 = arith.constant 2 : i32
        %broadcast_in_dim3A_615 = vector.broadcast %broadcast_in_dim3A_614 : i32 to vector<16xi32>
        %gather3A_616 = tpu.vector_load_idx %arg22[%add3A_607, %broadcast_in_dim3A_615] : memref<80x16xf32, #tpu.memory_space<vmem>>[vector<16xi32>, vector<16xi32>], vector<16xf32>,
        %broadcast_in_dim3A_617 = arith.constant 3 : i32
        %broadcast_in_dim3A_618 = vector.broadcast %broadcast_in_dim3A_617 : i32 to vector<16xi32>
        %gather3A_619 = tpu.vector_load_idx %arg22[%add3A_607, %broadcast_in_dim3A_618] : memref<80x16xf32, #tpu.memory_space<vmem>>[vector<16xi32>, vector<16xi32>], vector<16xf32>,
        %get3A_620 = arith.index_cast %scan3A_603 : i32 to index
        %get3A_621 = arith.constant 0 : index
        %get3A_622 = tpu.vector_load %arg24[%get3A_620, %get3A_621] {strides = array<i32>} : memref<80x128xf32, #tpu.memory_space<vmem>>, vector<16xf32>,
        %mul3A_623 = arith.mulf %get3A_622, %gather3A_610 : vector<16xf32>
        %swap3A_624 = arith.index_cast %scan3A_603 : i32 to index
        %swap3A_625 = arith.constant 0 : index
        %swap3A_626 = tpu.vector_load %arg24[%swap3A_624, %swap3A_625] {strides = array<i32>} : memref<80x128xf32, #tpu.memory_space<vmem>>, vector<16xf32>,
        tpu.vector_store %arg24[%swap3A_624, %swap3A_625], %mul3A_623 {strides = array<i32>} : memref<80x128xf32, #tpu.memory_space<vmem>>, vector<16xf32>,
        %get3A_627 = arith.index_cast %scan3A_603 : i32 to index
        %get3A_628 = arith.constant 16 : index
        %get3A_629 = tpu.vector_load %arg24[%get3A_627, %get3A_628] {strides = array<i32>} : memref<80x128xf32, #tpu.memory_space<vmem>>, vector<16xf32>,
        %mul3A_630 = arith.mulf %get3A_629, %gather3A_610 : vector<16xf32>
        %swap3A_631 = arith.index_cast %scan3A_603 : i32 to index
        %swap3A_632 = arith.constant 16 : index
        %swap3A_633 = tpu.vector_load %arg24[%swap3A_631, %swap3A_632] {strides = array<i32>} : memref<80x128xf32, #tpu.memory_space<vmem>>, vector<16xf32>,
        tpu.vector_store %arg24[%swap3A_631, %swap3A_632], %mul3A_630 {strides = array<i32>} : memref<80x128xf32, #tpu.memory_space<vmem>>, vector<16xf32>,
        %get3A_634 = arith.index_cast %scan3A_603 : i32 to index
        %get3A_635 = arith.constant 32 : index
        %get3A_636 = tpu.vector_load %arg24[%get3A_634, %get3A_635] {strides = array<i32>} : memref<80x128xf32, #tpu.memory_space<vmem>>, vector<16xf32>,
        %mul3A_637 = arith.mulf %get3A_636, %gather3A_613 : vector<16xf32>
        %swap3A_638 = arith.index_cast %scan3A_603 : i32 to index
        %swap3A_639 = arith.constant 32 : index
        %swap3A_640 = tpu.vector_load %arg24[%swap3A_638, %swap3A_639] {strides = array<i32>} : memref<80x128xf32, #tpu.memory_space<vmem>>, vector<16xf32>,
        tpu.vector_store %arg24[%swap3A_638, %swap3A_639], %mul3A_637 {strides = array<i32>} : memref<80x128xf32, #tpu.memory_space<vmem>>, vector<16xf32>,
        %get3A_641 = arith.index_cast %scan3A_603 : i32 to index
        %get3A_642 = arith.constant 48 : index
        %get3A_643 = tpu.vector_load %arg24[%get3A_641, %get3A_642] {strides = array<i32>} : memref<80x128xf32, #tpu.memory_space<vmem>>, vector<16xf32>,
        %mul3A_644 = arith.mulf %get3A_643, %gather3A_613 : vector<16xf32>
        %swap3A_645 = arith.index_cast %scan3A_603 : i32 to index
        %swap3A_646 = arith.constant 48 : index
        %swap3A_647 = tpu.vector_load %arg24[%swap3A_645, %swap3A_646] {strides = array<i32>} : memref<80x128xf32, #tpu.memory_space<vmem>>, vector<16xf32>,
        tpu.vector_store %arg24[%swap3A_645, %swap3A_646], %mul3A_644 {strides = array<i32>} : memref<80x128xf32, #tpu.memory_space<vmem>>, vector<16xf32>,
        %get3A_648 = arith.index_cast %scan3A_603 : i32 to index
        %get3A_649 = arith.constant 64 : index
        %get3A_650 = tpu.vector_load %arg24[%get3A_648, %get3A_649] {strides = array<i32>} : memref<80x128xf32, #tpu.memory_space<vmem>>, vector<16xf32>,
        %mul3A_651 = arith.mulf %get3A_650, %gather3A_616 : vector<16xf32>
        %swap3A_652 = arith.index_cast %scan3A_603 : i32 to index
        %swap3A_653 = arith.constant 64 : index
        %swap3A_654 = tpu.vector_load %arg24[%swap3A_652, %swap3A_653] {strides = array<i32>} : memref<80x128xf32, #tpu.memory_space<vmem>>, vector<16xf32>,
        tpu.vector_store %arg24[%swap3A_652, %swap3A_653], %mul3A_651 {strides = array<i32>} : memref<80x128xf32, #tpu.memory_space<vmem>>, vector<16xf32>,
        %get3A_655 = arith.index_cast %scan3A_603 : i32 to index
        %get3A_656 = arith.constant 80 : index
        %get3A_657 = tpu.vector_load %arg24[%get3A_655, %get3A_656] {strides = array<i32>} : memref<80x128xf32, #tpu.memory_space<vmem>>, vector<16xf32>,
        %mul3A_658 = arith.mulf %get3A_657, %gather3A_616 : vector<16xf32>
        %swap3A_659 = arith.index_cast %scan3A_603 : i32 to index
        %swap3A_660 = arith.constant 80 : index
        %swap3A_661 = tpu.vector_load %arg24[%swap3A_659, %swap3A_660] {strides = array<i32>} : memref<80x128xf32, #tpu.memory_space<vmem>>, vector<16xf32>,
        tpu.vector_store %arg24[%swap3A_659, %swap3A_660], %mul3A_658 {strides = array<i32>} : memref<80x128xf32, #tpu.memory_space<vmem>>, vector<16xf32>,
        %get3A_662 = arith.index_cast %scan3A_603 : i32 to index
        %get3A_663 = arith.constant 96 : index
        %get3A_664 = tpu.vector_load %arg24[%get3A_662, %get3A_663] {strides = array<i32>} : memref<80x128xf32, #tpu.memory_space<vmem>>, vector<16xf32>,
        %mul3A_665 = arith.mulf %get3A_664, %gather3A_619 : vector<16xf32>
        %swap3A_666 = arith.index_cast %scan3A_603 : i32 to index
        %swap3A_667 = arith.constant 96 : index
        %swap3A_668 = tpu.vector_load %arg24[%swap3A_666, %swap3A_667] {strides = array<i32>} : memref<80x128xf32, #tpu.memory_space<vmem>>, vector<16xf32>,
        tpu.vector_store %arg24[%swap3A_666, %swap3A_667], %mul3A_665 {strides = array<i32>} : memref<80x128xf32, #tpu.memory_space<vmem>>, vector<16xf32>,
        %get3A_669 = arith.index_cast %scan3A_603 : i32 to index
        %get3A_670 = arith.constant 112 : index
        %get3A_671 = tpu.vector_load %arg24[%get3A_669, %get3A_670] {strides = array<i32>} : memref<80x128xf32, #tpu.memory_space<vmem>>, vector<16xf32>,
        %mul3A_672 = arith.mulf %get3A_671, %gather3A_619 : vector<16xf32>
        %swap3A_673 = arith.index_cast %scan3A_603 : i32 to index
        %swap3A_674 = arith.constant 112 : index
        %swap3A_675 = tpu.vector_load %arg24[%swap3A_673, %swap3A_674] {strides = array<i32>} : memref<80x128xf32, #tpu.memory_space<vmem>>, vector<16xf32>,
        tpu.vector_store %arg24[%swap3A_673, %swap3A_674], %mul3A_672 {strides = array<i32>} : memref<80x128xf32, #tpu.memory_space<vmem>>, vector<16xf32>,
        %scan3A_676 = arith.constant 6 : i32
        %scan3A_677 = arith.addi %scan3A_235, %scan3A_676 : i32
        %broadcast_in_dim3A_678 = arith.constant 0 : i32
        %broadcast_in_dim3A_679 = vector.broadcast %broadcast_in_dim3A_678 : i32 to vector<16xi32>
        %add3A_680 = vector.broadcast %scan3A_677 : i32 to vector<16xi32>
        %add3A_681 = arith.addi %broadcast_in_dim3A_679, %add3A_680 : vector<16xi32>
        %broadcast_in_dim3A_682 = arith.constant 0 : i32
        %broadcast_in_dim3A_683 = vector.broadcast %broadcast_in_dim3A_682 : i32 to vector<16xi32>
        %gather3A_684 = tpu.vector_load_idx %arg22[%add3A_681, %broadcast_in_dim3A_683] : memref<80x16xf32, #tpu.memory_space<vmem>>[vector<16xi32>, vector<16xi32>], vector<16xf32>,
        %broadcast_in_dim3A_685 = arith.constant 1 : i32
        %broadcast_in_dim3A_686 = vector.broadcast %broadcast_in_dim3A_685 : i32 to vector<16xi32>
        %gather3A_687 = tpu.vector_load_idx %arg22[%add3A_681, %broadcast_in_dim3A_686] : memref<80x16xf32, #tpu.memory_space<vmem>>[vector<16xi32>, vector<16xi32>], vector<16xf32>,
        %broadcast_in_dim3A_688 = arith.constant 2 : i32
        %broadcast_in_dim3A_689 = vector.broadcast %broadcast_in_dim3A_688 : i32 to vector<16xi32>
        %gather3A_690 = tpu.vector_load_idx %arg22[%add3A_681, %broadcast_in_dim3A_689] : memref<80x16xf32, #tpu.memory_space<vmem>>[vector<16xi32>, vector<16xi32>], vector<16xf32>,
        %broadcast_in_dim3A_691 = arith.constant 3 : i32
        %broadcast_in_dim3A_692 = vector.broadcast %broadcast_in_dim3A_691 : i32 to vector<16xi32>
        %gather3A_693 = tpu.vector_load_idx %arg22[%add3A_681, %broadcast_in_dim3A_692] : memref<80x16xf32, #tpu.memory_space<vmem>>[vector<16xi32>, vector<16xi32>], vector<16xf32>,
        %get3A_694 = arith.index_cast %scan3A_677 : i32 to index
        %get3A_695 = arith.constant 0 : index
        %get3A_696 = tpu.vector_load %arg24[%get3A_694, %get3A_695] {strides = array<i32>} : memref<80x128xf32, #tpu.memory_space<vmem>>, vector<16xf32>,
        %mul3A_697 = arith.mulf %get3A_696, %gather3A_684 : vector<16xf32>
        %swap3A_698 = arith.index_cast %scan3A_677 : i32 to index
        %swap3A_699 = arith.constant 0 : index
        %swap3A_700 = tpu.vector_load %arg24[%swap3A_698, %swap3A_699] {strides = array<i32>} : memref<80x128xf32, #tpu.memory_space<vmem>>, vector<16xf32>,
        tpu.vector_store %arg24[%swap3A_698, %swap3A_699], %mul3A_697 {strides = array<i32>} : memref<80x128xf32, #tpu.memory_space<vmem>>, vector<16xf32>,
        %get3A_701 = arith.index_cast %scan3A_677 : i32 to index
        %get3A_702 = arith.constant 16 : index
        %get3A_703 = tpu.vector_load %arg24[%get3A_701, %get3A_702] {strides = array<i32>} : memref<80x128xf32, #tpu.memory_space<vmem>>, vector<16xf32>,
        %mul3A_704 = arith.mulf %get3A_703, %gather3A_684 : vector<16xf32>
        %swap3A_705 = arith.index_cast %scan3A_677 : i32 to index
        %swap3A_706 = arith.constant 16 : index
        %swap3A_707 = tpu.vector_load %arg24[%swap3A_705, %swap3A_706] {strides = array<i32>} : memref<80x128xf32, #tpu.memory_space<vmem>>, vector<16xf32>,
        tpu.vector_store %arg24[%swap3A_705, %swap3A_706], %mul3A_704 {strides = array<i32>} : memref<80x128xf32, #tpu.memory_space<vmem>>, vector<16xf32>,
        %get3A_708 = arith.index_cast %scan3A_677 : i32 to index
        %get3A_709 = arith.constant 32 : index
        %get3A_710 = tpu.vector_load %arg24[%get3A_708, %get3A_709] {strides = array<i32>} : memref<80x128xf32, #tpu.memory_space<vmem>>, vector<16xf32>,
        %mul3A_711 = arith.mulf %get3A_710, %gather3A_687 : vector<16xf32>
        %swap3A_712 = arith.index_cast %scan3A_677 : i32 to index
        %swap3A_713 = arith.constant 32 : index
        %swap3A_714 = tpu.vector_load %arg24[%swap3A_712, %swap3A_713] {strides = array<i32>} : memref<80x128xf32, #tpu.memory_space<vmem>>, vector<16xf32>,
        tpu.vector_store %arg24[%swap3A_712, %swap3A_713], %mul3A_711 {strides = array<i32>} : memref<80x128xf32, #tpu.memory_space<vmem>>, vector<16xf32>,
        %get3A_715 = arith.index_cast %scan3A_677 : i32 to index
        %get3A_716 = arith.constant 48 : index
        %get3A_717 = tpu.vector_load %arg24[%get3A_715, %get3A_716] {strides = array<i32>} : memref<80x128xf32, #tpu.memory_space<vmem>>, vector<16xf32>,
        %mul3A_718 = arith.mulf %get3A_717, %gather3A_687 : vector<16xf32>
        %swap3A_719 = arith.index_cast %scan3A_677 : i32 to index
        %swap3A_720 = arith.constant 48 : index
        %swap3A_721 = tpu.vector_load %arg24[%swap3A_719, %swap3A_720] {strides = array<i32>} : memref<80x128xf32, #tpu.memory_space<vmem>>, vector<16xf32>,
        tpu.vector_store %arg24[%swap3A_719, %swap3A_720], %mul3A_718 {strides = array<i32>} : memref<80x128xf32, #tpu.memory_space<vmem>>, vector<16xf32>,
        %get3A_722 = arith.index_cast %scan3A_677 : i32 to index
        %get3A_723 = arith.constant 64 : index
        %get3A_724 = tpu.vector_load %arg24[%get3A_722, %get3A_723] {strides = array<i32>} : memref<80x128xf32, #tpu.memory_space<vmem>>, vector<16xf32>,
        %mul3A_725 = arith.mulf %get3A_724, %gather3A_690 : vector<16xf32>
        %swap3A_726 = arith.index_cast %scan3A_677 : i32 to index
        %swap3A_727 = arith.constant 64 : index
        %swap3A_728 = tpu.vector_load %arg24[%swap3A_726, %swap3A_727] {strides = array<i32>} : memref<80x128xf32, #tpu.memory_space<vmem>>, vector<16xf32>,
        tpu.vector_store %arg24[%swap3A_726, %swap3A_727], %mul3A_725 {strides = array<i32>} : memref<80x128xf32, #tpu.memory_space<vmem>>, vector<16xf32>,
        %get3A_729 = arith.index_cast %scan3A_677 : i32 to index
        %get3A_730 = arith.constant 80 : index
        %get3A_731 = tpu.vector_load %arg24[%get3A_729, %get3A_730] {strides = array<i32>} : memref<80x128xf32, #tpu.memory_space<vmem>>, vector<16xf32>,
        %mul3A_732 = arith.mulf %get3A_731, %gather3A_690 : vector<16xf32>
        %swap3A_733 = arith.index_cast %scan3A_677 : i32 to index
        %swap3A_734 = arith.constant 80 : index
        %swap3A_735 = tpu.vector_load %arg24[%swap3A_733, %swap3A_734] {strides = array<i32>} : memref<80x128xf32, #tpu.memory_space<vmem>>, vector<16xf32>,
        tpu.vector_store %arg24[%swap3A_733, %swap3A_734], %mul3A_732 {strides = array<i32>} : memref<80x128xf32, #tpu.memory_space<vmem>>, vector<16xf32>,
        %get3A_736 = arith.index_cast %scan3A_677 : i32 to index
        %get3A_737 = arith.constant 96 : index
        %get3A_738 = tpu.vector_load %arg24[%get3A_736, %get3A_737] {strides = array<i32>} : memref<80x128xf32, #tpu.memory_space<vmem>>, vector<16xf32>,
        %mul3A_739 = arith.mulf %get3A_738, %gather3A_693 : vector<16xf32>
        %swap3A_740 = arith.index_cast %scan3A_677 : i32 to index
        %swap3A_741 = arith.constant 96 : index
        %swap3A_742 = tpu.vector_load %arg24[%swap3A_740, %swap3A_741] {strides = array<i32>} : memref<80x128xf32, #tpu.memory_space<vmem>>, vector<16xf32>,
        tpu.vector_store %arg24[%swap3A_740, %swap3A_741], %mul3A_739 {strides = array<i32>} : memref<80x128xf32, #tpu.memory_space<vmem>>, vector<16xf32>,
        %get3A_743 = arith.index_cast %scan3A_677 : i32 to index
        %get3A_744 = arith.constant 112 : index
        %get3A_745 = tpu.vector_load %arg24[%get3A_743, %get3A_744] {strides = array<i32>} : memref<80x128xf32, #tpu.memory_space<vmem>>, vector<16xf32>,
        %mul3A_746 = arith.mulf %get3A_745, %gather3A_693 : vector<16xf32>
        %swap3A_747 = arith.index_cast %scan3A_677 : i32 to index
        %swap3A_748 = arith.constant 112 : index
        %swap3A_749 = tpu.vector_load %arg24[%swap3A_747, %swap3A_748] {strides = array<i32>} : memref<80x128xf32, #tpu.memory_space<vmem>>, vector<16xf32>,
        tpu.vector_store %arg24[%swap3A_747, %swap3A_748], %mul3A_746 {strides = array<i32>} : memref<80x128xf32, #tpu.memory_space<vmem>>, vector<16xf32>,
        %scan3A_750 = arith.constant 7 : i32
        %scan3A_751 = arith.addi %scan3A_235, %scan3A_750 : i32
        %broadcast_in_dim3A_752 = arith.constant 0 : i32
        %broadcast_in_dim3A_753 = vector.broadcast %broadcast_in_dim3A_752 : i32 to vector<16xi32>
        %add3A_754 = vector.broadcast %scan3A_751 : i32 to vector<16xi32>
        %add3A_755 = arith.addi %broadcast_in_dim3A_753, %add3A_754 : vector<16xi32>
        %broadcast_in_dim3A_756 = arith.constant 0 : i32
        %broadcast_in_dim3A_757 = vector.broadcast %broadcast_in_dim3A_756 : i32 to vector<16xi32>
        %gather3A_758 = tpu.vector_load_idx %arg22[%add3A_755, %broadcast_in_dim3A_757] : memref<80x16xf32, #tpu.memory_space<vmem>>[vector<16xi32>, vector<16xi32>], vector<16xf32>,
        %broadcast_in_dim3A_759 = arith.constant 1 : i32
        %broadcast_in_dim3A_760 = vector.broadcast %broadcast_in_dim3A_759 : i32 to vector<16xi32>
        %gather3A_761 = tpu.vector_load_idx %arg22[%add3A_755, %broadcast_in_dim3A_760] : memref<80x16xf32, #tpu.memory_space<vmem>>[vector<16xi32>, vector<16xi32>], vector<16xf32>,
        %broadcast_in_dim3A_762 = arith.constant 2 : i32
        %broadcast_in_dim3A_763 = vector.broadcast %broadcast_in_dim3A_762 : i32 to vector<16xi32>
        %gather3A_764 = tpu.vector_load_idx %arg22[%add3A_755, %broadcast_in_dim3A_763] : memref<80x16xf32, #tpu.memory_space<vmem>>[vector<16xi32>, vector<16xi32>], vector<16xf32>,
        %broadcast_in_dim3A_765 = arith.constant 3 : i32
        %broadcast_in_dim3A_766 = vector.broadcast %broadcast_in_dim3A_765 : i32 to vector<16xi32>
        %gather3A_767 = tpu.vector_load_idx %arg22[%add3A_755, %broadcast_in_dim3A_766] : memref<80x16xf32, #tpu.memory_space<vmem>>[vector<16xi32>, vector<16xi32>], vector<16xf32>,
        %get3A_768 = arith.index_cast %scan3A_751 : i32 to index
        %get3A_769 = arith.constant 0 : index
        %get3A_770 = tpu.vector_load %arg24[%get3A_768, %get3A_769] {strides = array<i32>} : memref<80x128xf32, #tpu.memory_space<vmem>>, vector<16xf32>,
        %mul3A_771 = arith.mulf %get3A_770, %gather3A_758 : vector<16xf32>
        %swap3A_772 = arith.index_cast %scan3A_751 : i32 to index
        %swap3A_773 = arith.constant 0 : index
        %swap3A_774 = tpu.vector_load %arg24[%swap3A_772, %swap3A_773] {strides = array<i32>} : memref<80x128xf32, #tpu.memory_space<vmem>>, vector<16xf32>,
        tpu.vector_store %arg24[%swap3A_772, %swap3A_773], %mul3A_771 {strides = array<i32>} : memref<80x128xf32, #tpu.memory_space<vmem>>, vector<16xf32>,
        %get3A_775 = arith.index_cast %scan3A_751 : i32 to index
        %get3A_776 = arith.constant 16 : index
        %get3A_777 = tpu.vector_load %arg24[%get3A_775, %get3A_776] {strides = array<i32>} : memref<80x128xf32, #tpu.memory_space<vmem>>, vector<16xf32>,
        %mul3A_778 = arith.mulf %get3A_777, %gather3A_758 : vector<16xf32>
        %swap3A_779 = arith.index_cast %scan3A_751 : i32 to index
        %swap3A_780 = arith.constant 16 : index
        %swap3A_781 = tpu.vector_load %arg24[%swap3A_779, %swap3A_780] {strides = array<i32>} : memref<80x128xf32, #tpu.memory_space<vmem>>, vector<16xf32>,
        tpu.vector_store %arg24[%swap3A_779, %swap3A_780], %mul3A_778 {strides = array<i32>} : memref<80x128xf32, #tpu.memory_space<vmem>>, vector<16xf32>,
        %get3A_782 = arith.index_cast %scan3A_751 : i32 to index
        %get3A_783 = arith.constant 32 : index
        %get3A_784 = tpu.vector_load %arg24[%get3A_782, %get3A_783] {strides = array<i32>} : memref<80x128xf32, #tpu.memory_space<vmem>>, vector<16xf32>,
        %mul3A_785 = arith.mulf %get3A_784, %gather3A_761 : vector<16xf32>
        %swap3A_786 = arith.index_cast %scan3A_751 : i32 to index
        %swap3A_787 = arith.constant 32 : index
        %swap3A_788 = tpu.vector_load %arg24[%swap3A_786, %swap3A_787] {strides = array<i32>} : memref<80x128xf32, #tpu.memory_space<vmem>>, vector<16xf32>,
        tpu.vector_store %arg24[%swap3A_786, %swap3A_787], %mul3A_785 {strides = array<i32>} : memref<80x128xf32, #tpu.memory_space<vmem>>, vector<16xf32>,
        %get3A_789 = arith.index_cast %scan3A_751 : i32 to index
        %get3A_790 = arith.constant 48 : index
        %get3A_791 = tpu.vector_load %arg24[%get3A_789, %get3A_790] {strides = array<i32>} : memref<80x128xf32, #tpu.memory_space<vmem>>, vector<16xf32>,
        %mul3A_792 = arith.mulf %get3A_791, %gather3A_761 : vector<16xf32>
        %swap3A_793 = arith.index_cast %scan3A_751 : i32 to index
        %swap3A_794 = arith.constant 48 : index
        %swap3A_795 = tpu.vector_load %arg24[%swap3A_793, %swap3A_794] {strides = array<i32>} : memref<80x128xf32, #tpu.memory_space<vmem>>, vector<16xf32>,
        tpu.vector_store %arg24[%swap3A_793, %swap3A_794], %mul3A_792 {strides = array<i32>} : memref<80x128xf32, #tpu.memory_space<vmem>>, vector<16xf32>,
        %get3A_796 = arith.index_cast %scan3A_751 : i32 to index
        %get3A_797 = arith.constant 64 : index
        %get3A_798 = tpu.vector_load %arg24[%get3A_796, %get3A_797] {strides = array<i32>} : memref<80x128xf32, #tpu.memory_space<vmem>>, vector<16xf32>,
        %mul3A_799 = arith.mulf %get3A_798, %gather3A_764 : vector<16xf32>
        %swap3A_800 = arith.index_cast %scan3A_751 : i32 to index
        %swap3A_801 = arith.constant 64 : index
        %swap3A_802 = tpu.vector_load %arg24[%swap3A_800, %swap3A_801] {strides = array<i32>} : memref<80x128xf32, #tpu.memory_space<vmem>>, vector<16xf32>,
        tpu.vector_store %arg24[%swap3A_800, %swap3A_801], %mul3A_799 {strides = array<i32>} : memref<80x128xf32, #tpu.memory_space<vmem>>, vector<16xf32>,
        %get3A_803 = arith.index_cast %scan3A_751 : i32 to index
        %get3A_804 = arith.constant 80 : index
        %get3A_805 = tpu.vector_load %arg24[%get3A_803, %get3A_804] {strides = array<i32>} : memref<80x128xf32, #tpu.memory_space<vmem>>, vector<16xf32>,
        %mul3A_806 = arith.mulf %get3A_805, %gather3A_764 : vector<16xf32>
        %swap3A_807 = arith.index_cast %scan3A_751 : i32 to index
        %swap3A_808 = arith.constant 80 : index
        %swap3A_809 = tpu.vector_load %arg24[%swap3A_807, %swap3A_808] {strides = array<i32>} : memref<80x128xf32, #tpu.memory_space<vmem>>, vector<16xf32>,
        tpu.vector_store %arg24[%swap3A_807, %swap3A_808], %mul3A_806 {strides = array<i32>} : memref<80x128xf32, #tpu.memory_space<vmem>>, vector<16xf32>,
        %get3A_810 = arith.index_cast %scan3A_751 : i32 to index
        %get3A_811 = arith.constant 96 : index
        %get3A_812 = tpu.vector_load %arg24[%get3A_810, %get3A_811] {strides = array<i32>} : memref<80x128xf32, #tpu.memory_space<vmem>>, vector<16xf32>,
        %mul3A_813 = arith.mulf %get3A_812, %gather3A_767 : vector<16xf32>
        %swap3A_814 = arith.index_cast %scan3A_751 : i32 to index
        %swap3A_815 = arith.constant 96 : index
        %swap3A_816 = tpu.vector_load %arg24[%swap3A_814, %swap3A_815] {strides = array<i32>} : memref<80x128xf32, #tpu.memory_space<vmem>>, vector<16xf32>,
        tpu.vector_store %arg24[%swap3A_814, %swap3A_815], %mul3A_813 {strides = array<i32>} : memref<80x128xf32, #tpu.memory_space<vmem>>, vector<16xf32>,
        %get3A_817 = arith.index_cast %scan3A_751 : i32 to index
        %get3A_818 = arith.constant 112 : index
        %get3A_819 = tpu.vector_load %arg24[%get3A_817, %get3A_818] {strides = array<i32>} : memref<80x128xf32, #tpu.memory_space<vmem>>, vector<16xf32>,
        %mul3A_820 = arith.mulf %get3A_819, %gather3A_767 : vector<16xf32>
        %swap3A_821 = arith.index_cast %scan3A_751 : i32 to index
        %swap3A_822 = arith.constant 112 : index
        %swap3A_823 = tpu.vector_load %arg24[%swap3A_821, %swap3A_822] {strides = array<i32>} : memref<80x128xf32, #tpu.memory_space<vmem>>, vector<16xf32>,
        tpu.vector_store %arg24[%swap3A_821, %swap3A_822], %mul3A_820 {strides = array<i32>} : memref<80x128xf32, #tpu.memory_space<vmem>>, vector<16xf32>,
      }
      %scan3A_115 = arith.constant 80 : i32
      %get3A = arith.constant 0 : index
      %get3A_116 = tpu.vector_load %arg18[%get3A] {strides = array<i32>} : memref<80xi32, #tpu.memory_space<vmem>>, vector<16xi32>,
      %swap3A = arith.constant 0 : index
      %swap3A_117 = tpu.vector_load %arg20[%swap3A] {strides = array<i32>} : memref<80xi32, #tpu.memory_space<vmem>>, vector<16xi32>,
      tpu.vector_store %arg20[%swap3A], %get3A_116 {strides = array<i32>} : memref<80xi32, #tpu.memory_space<vmem>>, vector<16xi32>,
      %get3A_118 = arith.constant 16 : index
      %get3A_119 = tpu.vector_load %arg18[%get3A_118] {strides = array<i32>} : memref<80xi32, #tpu.memory_space<vmem>>, vector<16xi32>,
      %swap3A_120 = arith.constant 16 : index
      %swap3A_121 = tpu.vector_load %arg20[%swap3A_120] {strides = array<i32>} : memref<80xi32, #tpu.memory_space<vmem>>, vector<16xi32>,
      tpu.vector_store %arg20[%swap3A_120], %get3A_119 {strides = array<i32>} : memref<80xi32, #tpu.memory_space<vmem>>, vector<16xi32>,
      %get3A_122 = arith.constant 32 : index
      %get3A_123 = tpu.vector_load %arg18[%get3A_122] {strides = array<i32>} : memref<80xi32, #tpu.memory_space<vmem>>, vector<16xi32>,
      %swap3A_124 = arith.constant 32 : index
      %swap3A_125 = tpu.vector_load %arg20[%swap3A_124] {strides = array<i32>} : memref<80xi32, #tpu.memory_space<vmem>>, vector<16xi32>,
      tpu.vector_store %arg20[%swap3A_124], %get3A_123 {strides = array<i32>} : memref<80xi32, #tpu.memory_space<vmem>>, vector<16xi32>,
      %get3A_126 = arith.constant 48 : index
      %get3A_127 = tpu.vector_load %arg18[%get3A_126] {strides = array<i32>} : memref<80xi32, #tpu.memory_space<vmem>>, vector<16xi32>,
      %swap3A_128 = arith.constant 48 : index
      %swap3A_129 = tpu.vector_load %arg20[%swap3A_128] {strides = array<i32>} : memref<80xi32, #tpu.memory_space<vmem>>, vector<16xi32>,
      tpu.vector_store %arg20[%swap3A_128], %get3A_127 {strides = array<i32>} : memref<80xi32, #tpu.memory_space<vmem>>, vector<16xi32>,
      %get3A_130 = arith.constant 64 : index
      %get3A_131 = tpu.vector_load %arg18[%get3A_130] {strides = array<i32>} : memref<80xi32, #tpu.memory_space<vmem>>, vector<16xi32>,
      %swap3A_132 = arith.constant 64 : index
      %swap3A_133 = tpu.vector_load %arg20[%swap3A_132] {strides = array<i32>} : memref<80xi32, #tpu.memory_space<vmem>>, vector<16xi32>,
      tpu.vector_store %arg20[%swap3A_132], %get3A_131 {strides = array<i32>} : memref<80xi32, #tpu.memory_space<vmem>>, vector<16xi32>,
      %dma_start3A_134 = arith.constant 0 : i32
      %dma_start3A_135 = arith.constant 0 : i32
      %dma_start3A_136 = tpu.memref_slice %arg11[%dma_start3A_134, %dma_start3A_135] : memref<10112x16xf32, #tpu.memory_space<vmem_shared>> -> memref<10112x16xf32, #tpu.memory_space<vmem_shared>>
      tpu.enqueue_indirect_dma source(%arg22 : memref<80x16xf32, #tpu.memory_space<vmem>>) target(%dma_start3A_136 : memref<10112x16xf32, #tpu.memory_space<vmem_shared>>) offsets(%arg20 : memref<80xi32, #tpu.memory_space<vmem>>) semaphore(%arg32 : memref<!tpu.dma_semaphore, #tpu.memory_space<semaphore_mem>>) {add = true}
      %dma_start3A_137 = arith.constant 0 : i32
      %dma_start3A_138 = arith.constant 0 : i32
      %dma_start3A_139 = tpu.memref_slice %arg10[%dma_start3A_137, %dma_start3A_138] : memref<10112x128xf32, #tpu.memory_space<vmem_shared>> -> memref<10112x128xf32, #tpu.memory_space<vmem_shared>>
      tpu.enqueue_indirect_dma source(%arg24 : memref<80x128xf32, #tpu.memory_space<vmem>>) target(%dma_start3A_139 : memref<10112x128xf32, #tpu.memory_space<vmem_shared>>) offsets(%arg20 : memref<80xi32, #tpu.memory_space<vmem>>) semaphore(%arg32 : memref<!tpu.dma_semaphore, #tpu.memory_space<semaphore_mem>>) {add = true}
      %add3A_140 = arith.constant 2 : i32
      %add3A_141 = arith.addi %mul3A_72, %add3A_140 : i32
      %mul3A_142 = arith.constant 80 : i32
      %mul3A_143 = arith.muli %add3A_141, %mul3A_142 : i32
      %add3A_144 = arith.addi %mul3A_9, %mul3A_143 : i32
      %min3A_145 = arith.constant 639920 : i32
      %min3A_146 = arith.minsi %add3A_144, %min3A_145 : i32
      %dma_start3A_147 = tpu.memref_slice %arg4[%min3A_146] : memref<640000xi32, #tpu.memory_space<hbm>> -> memref<80xi32, #tpu.memory_space<hbm>>
      %dma_start3A_148 = tpu.memref_slice %arg4[%min3A_146] : memref<640000xi32, #tpu.memory_space<hbm>> -> memref<80xi32, #tpu.memory_space<hbm>>
      tpu.enqueue_dma source(%dma_start3A_148 : memref<80xi32, #tpu.memory_space<hbm>>) target(%arg16 : memref<80xi32, #tpu.memory_space<vmem>>) target_semaphore(%arg30 : memref<!tpu.dma_semaphore, #tpu.memory_space<semaphore_mem>>)
      %dma_start3A_149 = tpu.memref_slice %arg5[%min3A_146] : memref<640000xi32, #tpu.memory_space<hbm>> -> memref<80xi32, #tpu.memory_space<hbm>>
      %dma_start3A_150 = tpu.memref_slice %arg5[%min3A_146] : memref<640000xi32, #tpu.memory_space<hbm>> -> memref<80xi32, #tpu.memory_space<hbm>>
      tpu.enqueue_dma source(%dma_start3A_150 : memref<80xi32, #tpu.memory_space<hbm>>) target(%arg18 : memref<80xi32, #tpu.memory_space<vmem>>) target_semaphore(%arg30 : memref<!tpu.dma_semaphore, #tpu.memory_space<semaphore_mem>>)
      %add3A_151 = arith.constant 2 : i32
      %add3A_152 = arith.addi %mul3A_72, %add3A_151 : i32
      %mul3A_153 = arith.constant 80 : i32
      %mul3A_154 = arith.muli %add3A_152, %mul3A_153 : i32
      %add3A_155 = arith.addi %mul3A_9, %mul3A_154 : i32
      %min3A_156 = arith.constant 639920 : i32
      %min3A_157 = arith.minsi %add3A_155, %min3A_156 : i32
      %dma_wait3A_158 = tpu.memref_slice %arg4[%min3A_157] : memref<640000xi32, #tpu.memory_space<hbm>> -> memref<80xi32, #tpu.memory_space<hbm>>
      %dma_wait3A_159 = tpu.memref_slice %arg4[%min3A_157] : memref<640000xi32, #tpu.memory_space<hbm>> -> memref<80xi32, #tpu.memory_space<hbm>>
      tpu.wait_dma2 semaphore(%arg30 : memref<!tpu.dma_semaphore, #tpu.memory_space<semaphore_mem>>) src(%dma_wait3A_159 : memref<80xi32, #tpu.memory_space<hbm>>) dst(%arg16 : memref<80xi32, #tpu.memory_space<vmem>>)
      %dma_wait3A_160 = tpu.memref_slice %arg5[%min3A_157] : memref<640000xi32, #tpu.memory_space<hbm>> -> memref<80xi32, #tpu.memory_space<hbm>>
      %dma_wait3A_161 = tpu.memref_slice %arg5[%min3A_157] : memref<640000xi32, #tpu.memory_space<hbm>> -> memref<80xi32, #tpu.memory_space<hbm>>
      tpu.wait_dma2 semaphore(%arg30 : memref<!tpu.dma_semaphore, #tpu.memory_space<semaphore_mem>>) src(%dma_wait3A_161 : memref<80xi32, #tpu.memory_space<hbm>>) dst(%arg18 : memref<80xi32, #tpu.memory_space<vmem>>)
      %dma_wait3A_162 = arith.constant 0 : i32
      %dma_wait3A_163 = arith.constant 0 : i32
      %dma_wait3A_164 = tpu.memref_slice %arg2[%dma_wait3A_162, %dma_wait3A_163] : memref<10000x128xf32, #tpu.memory_space<hbm>> -> memref<10000x128xf32, #tpu.memory_space<hbm>>
      tpu.wait_indirect_dma semaphore(%arg27 : memref<!tpu.dma_semaphore, #tpu.memory_space<semaphore_mem>>) src(%dma_wait3A_164 : memref<10000x128xf32, #tpu.memory_space<hbm>>) dst(%arg25 : memref<80x128xf32, #tpu.memory_space<vmem>>)
      %dma_wait3A_165 = arith.constant 0 : i32
      %dma_wait3A_166 = arith.constant 0 : i32
      %dma_wait3A_167 = tpu.memref_slice %arg3[%dma_wait3A_165, %dma_wait3A_166] : memref<10000x16xf32, #tpu.memory_space<hbm>> -> memref<10000x16xf32, #tpu.memory_space<hbm>>
      tpu.wait_indirect_dma semaphore(%arg29 : memref<!tpu.dma_semaphore, #tpu.memory_space<semaphore_mem>>) src(%dma_wait3A_167 : memref<10000x16xf32, #tpu.memory_space<hbm>>) dst(%arg13 : memref<80x16xf32, #tpu.memory_space<vmem>>)
      %dma_wait3A_168 = arith.constant 0 : i32
      %dma_wait3A_169 = arith.constant 0 : i32
      %dma_wait3A_170 = tpu.memref_slice %arg3[%dma_wait3A_168, %dma_wait3A_169] : memref<10000x16xf32, #tpu.memory_space<hbm>> -> memref<10000x16xf32, #tpu.memory_space<hbm>>
      tpu.wait_indirect_dma semaphore(%arg29 : memref<!tpu.dma_semaphore, #tpu.memory_space<semaphore_mem>>) src(%dma_wait3A_170 : memref<10000x16xf32, #tpu.memory_space<hbm>>) dst(%arg15 : memref<80x16xf32, #tpu.memory_space<vmem>>)
      %scan3A_171 = arith.constant 0 : i32
      %scan3A_172 = arith.constant 0 : i32
      %scan3A_173 = arith.constant 5 : i32
      %scan3A_174 = arith.addi %scan3A_172, %scan3A_173 : i32
      %scan3A_175 = arith.constant 1 : i32
      scf.for %scan3A_235 = %scan3A_172 to %scan3A_174 step %scan3A_175  : i32 {
        %mul3A_236 = arith.constant 16 : i32
        %mul3A_237 = arith.muli %scan3A_235, %mul3A_236 : i32
        %iota3A = tpu.iota {dimensions = array<i32: 0>} : vector<16xi32>
        %add3A_238 = vector.broadcast %mul3A_237 : i32 to vector<16xi32>
        %add3A_239 = arith.addi %add3A_238, %iota3A : vector<16xi32>
        %broadcast_in_dim3A = arith.constant 0 : i32
        %broadcast_in_dim3A_240 = vector.broadcast %broadcast_in_dim3A : i32 to vector<16xi32>
        %gather3A = tpu.vector_load_idx %arg13[%add3A_239, %broadcast_in_dim3A_240] : memref<80x16xf32, #tpu.memory_space<vmem>>[vector<16xi32>, vector<16xi32>], vector<16xf32>,
        %broadcast_in_dim3A_241 = arith.constant 8 : i32
        %broadcast_in_dim3A_242 = vector.broadcast %broadcast_in_dim3A_241 : i32 to vector<16xi32>
        %gather3A_243 = tpu.vector_load_idx %arg15[%add3A_239, %broadcast_in_dim3A_242] : memref<80x16xf32, #tpu.memory_space<vmem>>[vector<16xi32>, vector<16xi32>], vector<16xf32>,
        %add3A_244 = arith.addf %gather3A, %gather3A_243 : vector<16xf32>
        %mul3A_245 = arith.constant 2.000000e-01 : f32
        %mul3A_246 = vector.broadcast %mul3A_245 : f32 to vector<16xf32>
        %mul3A_247 = arith.mulf %mul3A_246, %add3A_244 : vector<16xf32>
        %max3A = arith.maximumf %add3A_244, %mul3A_247 : vector<16xf32>
        %broadcast_in_dim3A_248 = arith.constant 1 : i32
        %broadcast_in_dim3A_249 = vector.broadcast %broadcast_in_dim3A_248 : i32 to vector<16xi32>
        %gather3A_250 = tpu.vector_load_idx %arg13[%add3A_239, %broadcast_in_dim3A_249] : memref<80x16xf32, #tpu.memory_space<vmem>>[vector<16xi32>, vector<16xi32>], vector<16xf32>,
        %broadcast_in_dim3A_251 = arith.constant 9 : i32
        %broadcast_in_dim3A_252 = vector.broadcast %broadcast_in_dim3A_251 : i32 to vector<16xi32>
        %gather3A_253 = tpu.vector_load_idx %arg15[%add3A_239, %broadcast_in_dim3A_252] : memref<80x16xf32, #tpu.memory_space<vmem>>[vector<16xi32>, vector<16xi32>], vector<16xf32>,
        %add3A_254 = arith.addf %gather3A_250, %gather3A_253 : vector<16xf32>
        %mul3A_255 = arith.constant 2.000000e-01 : f32
        %mul3A_256 = vector.broadcast %mul3A_255 : f32 to vector<16xf32>
        %mul3A_257 = arith.mulf %mul3A_256, %add3A_254 : vector<16xf32>
        %max3A_258 = arith.maximumf %add3A_254, %mul3A_257 : vector<16xf32>
        %broadcast_in_dim3A_259 = arith.constant 2 : i32
        %broadcast_in_dim3A_260 = vector.broadcast %broadcast_in_dim3A_259 : i32 to vector<16xi32>
        %gather3A_261 = tpu.vector_load_idx %arg13[%add3A_239, %broadcast_in_dim3A_260] : memref<80x16xf32, #tpu.memory_space<vmem>>[vector<16xi32>, vector<16xi32>], vector<16xf32>,
        %broadcast_in_dim3A_262 = arith.constant 10 : i32
        %broadcast_in_dim3A_263 = vector.broadcast %broadcast_in_dim3A_262 : i32 to vector<16xi32>
        %gather3A_264 = tpu.vector_load_idx %arg15[%add3A_239, %broadcast_in_dim3A_263] : memref<80x16xf32, #tpu.memory_space<vmem>>[vector<16xi32>, vector<16xi32>], vector<16xf32>,
        %add3A_265 = arith.addf %gather3A_261, %gather3A_264 : vector<16xf32>
        %mul3A_266 = arith.constant 2.000000e-01 : f32
        %mul3A_267 = vector.broadcast %mul3A_266 : f32 to vector<16xf32>
        %mul3A_268 = arith.mulf %mul3A_267, %add3A_265 : vector<16xf32>
        %max3A_269 = arith.maximumf %add3A_265, %mul3A_268 : vector<16xf32>
        %broadcast_in_dim3A_270 = arith.constant 3 : i32
        %broadcast_in_dim3A_271 = vector.broadcast %broadcast_in_dim3A_270 : i32 to vector<16xi32>
        %gather3A_272 = tpu.vector_load_idx %arg13[%add3A_239, %broadcast_in_dim3A_271] : memref<80x16xf32, #tpu.memory_space<vmem>>[vector<16xi32>, vector<16xi32>], vector<16xf32>,
        %broadcast_in_dim3A_273 = arith.constant 11 : i32
        %broadcast_in_dim3A_274 = vector.broadcast %broadcast_in_dim3A_273 : i32 to vector<16xi32>
        %gather3A_275 = tpu.vector_load_idx %arg15[%add3A_239, %broadcast_in_dim3A_274] : memref<80x16xf32, #tpu.memory_space<vmem>>[vector<16xi32>, vector<16xi32>], vector<16xf32>,
        %add3A_276 = arith.addf %gather3A_272, %gather3A_275 : vector<16xf32>
        %mul3A_277 = arith.constant 2.000000e-01 : f32
        %mul3A_278 = vector.broadcast %mul3A_277 : f32 to vector<16xf32>
        %mul3A_279 = arith.mulf %mul3A_278, %add3A_276 : vector<16xf32>
        %max3A_280 = arith.maximumf %add3A_276, %mul3A_279 : vector<16xf32>
        %exp3A = math.exp %max3A : vector<16xf32>
        %exp3A_281 = math.exp %max3A_258 : vector<16xf32>
        %exp3A_282 = math.exp %max3A_269 : vector<16xf32>
        %exp3A_283 = math.exp %max3A_280 : vector<16xf32>
        %broadcast_in_dim3A_284 = arith.constant 0 : i32
        %broadcast_in_dim3A_285 = vector.broadcast %broadcast_in_dim3A_284 : i32 to vector<16xi32>
        tpu.vector_store_idx %arg23[%add3A_239, %broadcast_in_dim3A_285], %exp3A : memref<80x16xf32, #tpu.memory_space<vmem>>[vector<16xi32>, vector<16xi32>], vector<16xf32>,
        %broadcast_in_dim3A_286 = arith.constant 1 : i32
        %broadcast_in_dim3A_287 = vector.broadcast %broadcast_in_dim3A_286 : i32 to vector<16xi32>
        tpu.vector_store_idx %arg23[%add3A_239, %broadcast_in_dim3A_287], %exp3A_281 : memref<80x16xf32, #tpu.memory_space<vmem>>[vector<16xi32>, vector<16xi32>], vector<16xf32>,
        %broadcast_in_dim3A_288 = arith.constant 2 : i32
        %broadcast_in_dim3A_289 = vector.broadcast %broadcast_in_dim3A_288 : i32 to vector<16xi32>
        tpu.vector_store_idx %arg23[%add3A_239, %broadcast_in_dim3A_289], %exp3A_282 : memref<80x16xf32, #tpu.memory_space<vmem>>[vector<16xi32>, vector<16xi32>], vector<16xf32>,
        %broadcast_in_dim3A_290 = arith.constant 3 : i32
        %broadcast_in_dim3A_291 = vector.broadcast %broadcast_in_dim3A_290 : i32 to vector<16xi32>
        tpu.vector_store_idx %arg23[%add3A_239, %broadcast_in_dim3A_291], %exp3A_283 : memref<80x16xf32, #tpu.memory_space<vmem>>[vector<16xi32>, vector<16xi32>], vector<16xf32>,
      }
      %scan3A_176 = arith.constant 5 : i32
      %scan3A_177 = arith.constant 0 : i32
      %scan3A_178 = arith.constant 0 : i32
      %scan3A_179 = arith.constant 80 : i32
      %scan3A_180 = arith.addi %scan3A_178, %scan3A_179 : i32
      %scan3A_181 = arith.constant 8 : i32
      scf.for %scan3A_235 = %scan3A_178 to %scan3A_180 step %scan3A_181  : i32 {
        %broadcast_in_dim3A = arith.constant 0 : i32
        %broadcast_in_dim3A_236 = vector.broadcast %broadcast_in_dim3A : i32 to vector<16xi32>
        %add3A_237 = vector.broadcast %scan3A_235 : i32 to vector<16xi32>
        %add3A_238 = arith.addi %broadcast_in_dim3A_236, %add3A_237 : vector<16xi32>
        %broadcast_in_dim3A_239 = arith.constant 0 : i32
        %broadcast_in_dim3A_240 = vector.broadcast %broadcast_in_dim3A_239 : i32 to vector<16xi32>
        %gather3A = tpu.vector_load_idx %arg23[%add3A_238, %broadcast_in_dim3A_240] : memref<80x16xf32, #tpu.memory_space<vmem>>[vector<16xi32>, vector<16xi32>], vector<16xf32>,
        %broadcast_in_dim3A_241 = arith.constant 1 : i32
        %broadcast_in_dim3A_242 = vector.broadcast %broadcast_in_dim3A_241 : i32 to vector<16xi32>
        %gather3A_243 = tpu.vector_load_idx %arg23[%add3A_238, %broadcast_in_dim3A_242] : memref<80x16xf32, #tpu.memory_space<vmem>>[vector<16xi32>, vector<16xi32>], vector<16xf32>,
        %broadcast_in_dim3A_244 = arith.constant 2 : i32
        %broadcast_in_dim3A_245 = vector.broadcast %broadcast_in_dim3A_244 : i32 to vector<16xi32>
        %gather3A_246 = tpu.vector_load_idx %arg23[%add3A_238, %broadcast_in_dim3A_245] : memref<80x16xf32, #tpu.memory_space<vmem>>[vector<16xi32>, vector<16xi32>], vector<16xf32>,
        %broadcast_in_dim3A_247 = arith.constant 3 : i32
        %broadcast_in_dim3A_248 = vector.broadcast %broadcast_in_dim3A_247 : i32 to vector<16xi32>
        %gather3A_249 = tpu.vector_load_idx %arg23[%add3A_238, %broadcast_in_dim3A_248] : memref<80x16xf32, #tpu.memory_space<vmem>>[vector<16xi32>, vector<16xi32>], vector<16xf32>,
        %get3A_250 = arith.index_cast %scan3A_235 : i32 to index
        %get3A_251 = arith.constant 0 : index
        %get3A_252 = tpu.vector_load %arg25[%get3A_250, %get3A_251] {strides = array<i32>} : memref<80x128xf32, #tpu.memory_space<vmem>>, vector<16xf32>,
        %mul3A_253 = arith.mulf %get3A_252, %gather3A : vector<16xf32>
        %swap3A_254 = arith.index_cast %scan3A_235 : i32 to index
        %swap3A_255 = arith.constant 0 : index
        %swap3A_256 = tpu.vector_load %arg25[%swap3A_254, %swap3A_255] {strides = array<i32>} : memref<80x128xf32, #tpu.memory_space<vmem>>, vector<16xf32>,
        tpu.vector_store %arg25[%swap3A_254, %swap3A_255], %mul3A_253 {strides = array<i32>} : memref<80x128xf32, #tpu.memory_space<vmem>>, vector<16xf32>,
        %get3A_257 = arith.index_cast %scan3A_235 : i32 to index
        %get3A_258 = arith.constant 16 : index
        %get3A_259 = tpu.vector_load %arg25[%get3A_257, %get3A_258] {strides = array<i32>} : memref<80x128xf32, #tpu.memory_space<vmem>>, vector<16xf32>,
        %mul3A_260 = arith.mulf %get3A_259, %gather3A : vector<16xf32>
        %swap3A_261 = arith.index_cast %scan3A_235 : i32 to index
        %swap3A_262 = arith.constant 16 : index
        %swap3A_263 = tpu.vector_load %arg25[%swap3A_261, %swap3A_262] {strides = array<i32>} : memref<80x128xf32, #tpu.memory_space<vmem>>, vector<16xf32>,
        tpu.vector_store %arg25[%swap3A_261, %swap3A_262], %mul3A_260 {strides = array<i32>} : memref<80x128xf32, #tpu.memory_space<vmem>>, vector<16xf32>,
        %get3A_264 = arith.index_cast %scan3A_235 : i32 to index
        %get3A_265 = arith.constant 32 : index
        %get3A_266 = tpu.vector_load %arg25[%get3A_264, %get3A_265] {strides = array<i32>} : memref<80x128xf32, #tpu.memory_space<vmem>>, vector<16xf32>,
        %mul3A_267 = arith.mulf %get3A_266, %gather3A_243 : vector<16xf32>
        %swap3A_268 = arith.index_cast %scan3A_235 : i32 to index
        %swap3A_269 = arith.constant 32 : index
        %swap3A_270 = tpu.vector_load %arg25[%swap3A_268, %swap3A_269] {strides = array<i32>} : memref<80x128xf32, #tpu.memory_space<vmem>>, vector<16xf32>,
        tpu.vector_store %arg25[%swap3A_268, %swap3A_269], %mul3A_267 {strides = array<i32>} : memref<80x128xf32, #tpu.memory_space<vmem>>, vector<16xf32>,
        %get3A_271 = arith.index_cast %scan3A_235 : i32 to index
        %get3A_272 = arith.constant 48 : index
        %get3A_273 = tpu.vector_load %arg25[%get3A_271, %get3A_272] {strides = array<i32>} : memref<80x128xf32, #tpu.memory_space<vmem>>, vector<16xf32>,
        %mul3A_274 = arith.mulf %get3A_273, %gather3A_243 : vector<16xf32>
        %swap3A_275 = arith.index_cast %scan3A_235 : i32 to index
        %swap3A_276 = arith.constant 48 : index
        %swap3A_277 = tpu.vector_load %arg25[%swap3A_275, %swap3A_276] {strides = array<i32>} : memref<80x128xf32, #tpu.memory_space<vmem>>, vector<16xf32>,
        tpu.vector_store %arg25[%swap3A_275, %swap3A_276], %mul3A_274 {strides = array<i32>} : memref<80x128xf32, #tpu.memory_space<vmem>>, vector<16xf32>,
        %get3A_278 = arith.index_cast %scan3A_235 : i32 to index
        %get3A_279 = arith.constant 64 : index
        %get3A_280 = tpu.vector_load %arg25[%get3A_278, %get3A_279] {strides = array<i32>} : memref<80x128xf32, #tpu.memory_space<vmem>>, vector<16xf32>,
        %mul3A_281 = arith.mulf %get3A_280, %gather3A_246 : vector<16xf32>
        %swap3A_282 = arith.index_cast %scan3A_235 : i32 to index
        %swap3A_283 = arith.constant 64 : index
        %swap3A_284 = tpu.vector_load %arg25[%swap3A_282, %swap3A_283] {strides = array<i32>} : memref<80x128xf32, #tpu.memory_space<vmem>>, vector<16xf32>,
        tpu.vector_store %arg25[%swap3A_282, %swap3A_283], %mul3A_281 {strides = array<i32>} : memref<80x128xf32, #tpu.memory_space<vmem>>, vector<16xf32>,
        %get3A_285 = arith.index_cast %scan3A_235 : i32 to index
        %get3A_286 = arith.constant 80 : index
        %get3A_287 = tpu.vector_load %arg25[%get3A_285, %get3A_286] {strides = array<i32>} : memref<80x128xf32, #tpu.memory_space<vmem>>, vector<16xf32>,
        %mul3A_288 = arith.mulf %get3A_287, %gather3A_246 : vector<16xf32>
        %swap3A_289 = arith.index_cast %scan3A_235 : i32 to index
        %swap3A_290 = arith.constant 80 : index
        %swap3A_291 = tpu.vector_load %arg25[%swap3A_289, %swap3A_290] {strides = array<i32>} : memref<80x128xf32, #tpu.memory_space<vmem>>, vector<16xf32>,
        tpu.vector_store %arg25[%swap3A_289, %swap3A_290], %mul3A_288 {strides = array<i32>} : memref<80x128xf32, #tpu.memory_space<vmem>>, vector<16xf32>,
        %get3A_292 = arith.index_cast %scan3A_235 : i32 to index
        %get3A_293 = arith.constant 96 : index
        %get3A_294 = tpu.vector_load %arg25[%get3A_292, %get3A_293] {strides = array<i32>} : memref<80x128xf32, #tpu.memory_space<vmem>>, vector<16xf32>,
        %mul3A_295 = arith.mulf %get3A_294, %gather3A_249 : vector<16xf32>
        %swap3A_296 = arith.index_cast %scan3A_235 : i32 to index
        %swap3A_297 = arith.constant 96 : index
        %swap3A_298 = tpu.vector_load %arg25[%swap3A_296, %swap3A_297] {strides = array<i32>} : memref<80x128xf32, #tpu.memory_space<vmem>>, vector<16xf32>,
        tpu.vector_store %arg25[%swap3A_296, %swap3A_297], %mul3A_295 {strides = array<i32>} : memref<80x128xf32, #tpu.memory_space<vmem>>, vector<16xf32>,
        %get3A_299 = arith.index_cast %scan3A_235 : i32 to index
        %get3A_300 = arith.constant 112 : index
        %get3A_301 = tpu.vector_load %arg25[%get3A_299, %get3A_300] {strides = array<i32>} : memref<80x128xf32, #tpu.memory_space<vmem>>, vector<16xf32>,
        %mul3A_302 = arith.mulf %get3A_301, %gather3A_249 : vector<16xf32>
        %swap3A_303 = arith.index_cast %scan3A_235 : i32 to index
        %swap3A_304 = arith.constant 112 : index
        %swap3A_305 = tpu.vector_load %arg25[%swap3A_303, %swap3A_304] {strides = array<i32>} : memref<80x128xf32, #tpu.memory_space<vmem>>, vector<16xf32>,
        tpu.vector_store %arg25[%swap3A_303, %swap3A_304], %mul3A_302 {strides = array<i32>} : memref<80x128xf32, #tpu.memory_space<vmem>>, vector<16xf32>,
        %scan3A_306 = arith.constant 1 : i32
        %scan3A_307 = arith.addi %scan3A_235, %scan3A_306 : i32
        %broadcast_in_dim3A_308 = arith.constant 0 : i32
        %broadcast_in_dim3A_309 = vector.broadcast %broadcast_in_dim3A_308 : i32 to vector<16xi32>
        %add3A_310 = vector.broadcast %scan3A_307 : i32 to vector<16xi32>
        %add3A_311 = arith.addi %broadcast_in_dim3A_309, %add3A_310 : vector<16xi32>
        %broadcast_in_dim3A_312 = arith.constant 0 : i32
        %broadcast_in_dim3A_313 = vector.broadcast %broadcast_in_dim3A_312 : i32 to vector<16xi32>
        %gather3A_314 = tpu.vector_load_idx %arg23[%add3A_311, %broadcast_in_dim3A_313] : memref<80x16xf32, #tpu.memory_space<vmem>>[vector<16xi32>, vector<16xi32>], vector<16xf32>,
        %broadcast_in_dim3A_315 = arith.constant 1 : i32
        %broadcast_in_dim3A_316 = vector.broadcast %broadcast_in_dim3A_315 : i32 to vector<16xi32>
        %gather3A_317 = tpu.vector_load_idx %arg23[%add3A_311, %broadcast_in_dim3A_316] : memref<80x16xf32, #tpu.memory_space<vmem>>[vector<16xi32>, vector<16xi32>], vector<16xf32>,
        %broadcast_in_dim3A_318 = arith.constant 2 : i32
        %broadcast_in_dim3A_319 = vector.broadcast %broadcast_in_dim3A_318 : i32 to vector<16xi32>
        %gather3A_320 = tpu.vector_load_idx %arg23[%add3A_311, %broadcast_in_dim3A_319] : memref<80x16xf32, #tpu.memory_space<vmem>>[vector<16xi32>, vector<16xi32>], vector<16xf32>,
        %broadcast_in_dim3A_321 = arith.constant 3 : i32
        %broadcast_in_dim3A_322 = vector.broadcast %broadcast_in_dim3A_321 : i32 to vector<16xi32>
        %gather3A_323 = tpu.vector_load_idx %arg23[%add3A_311, %broadcast_in_dim3A_322] : memref<80x16xf32, #tpu.memory_space<vmem>>[vector<16xi32>, vector<16xi32>], vector<16xf32>,
        %get3A_324 = arith.index_cast %scan3A_307 : i32 to index
        %get3A_325 = arith.constant 0 : index
        %get3A_326 = tpu.vector_load %arg25[%get3A_324, %get3A_325] {strides = array<i32>} : memref<80x128xf32, #tpu.memory_space<vmem>>, vector<16xf32>,
        %mul3A_327 = arith.mulf %get3A_326, %gather3A_314 : vector<16xf32>
        %swap3A_328 = arith.index_cast %scan3A_307 : i32 to index
        %swap3A_329 = arith.constant 0 : index
        %swap3A_330 = tpu.vector_load %arg25[%swap3A_328, %swap3A_329] {strides = array<i32>} : memref<80x128xf32, #tpu.memory_space<vmem>>, vector<16xf32>,
        tpu.vector_store %arg25[%swap3A_328, %swap3A_329], %mul3A_327 {strides = array<i32>} : memref<80x128xf32, #tpu.memory_space<vmem>>, vector<16xf32>,
        %get3A_331 = arith.index_cast %scan3A_307 : i32 to index
        %get3A_332 = arith.constant 16 : index
        %get3A_333 = tpu.vector_load %arg25[%get3A_331, %get3A_332] {strides = array<i32>} : memref<80x128xf32, #tpu.memory_space<vmem>>, vector<16xf32>,
        %mul3A_334 = arith.mulf %get3A_333, %gather3A_314 : vector<16xf32>
        %swap3A_335 = arith.index_cast %scan3A_307 : i32 to index
        %swap3A_336 = arith.constant 16 : index
        %swap3A_337 = tpu.vector_load %arg25[%swap3A_335, %swap3A_336] {strides = array<i32>} : memref<80x128xf32, #tpu.memory_space<vmem>>, vector<16xf32>,
        tpu.vector_store %arg25[%swap3A_335, %swap3A_336], %mul3A_334 {strides = array<i32>} : memref<80x128xf32, #tpu.memory_space<vmem>>, vector<16xf32>,
        %get3A_338 = arith.index_cast %scan3A_307 : i32 to index
        %get3A_339 = arith.constant 32 : index
        %get3A_340 = tpu.vector_load %arg25[%get3A_338, %get3A_339] {strides = array<i32>} : memref<80x128xf32, #tpu.memory_space<vmem>>, vector<16xf32>,
        %mul3A_341 = arith.mulf %get3A_340, %gather3A_317 : vector<16xf32>
        %swap3A_342 = arith.index_cast %scan3A_307 : i32 to index
        %swap3A_343 = arith.constant 32 : index
        %swap3A_344 = tpu.vector_load %arg25[%swap3A_342, %swap3A_343] {strides = array<i32>} : memref<80x128xf32, #tpu.memory_space<vmem>>, vector<16xf32>,
        tpu.vector_store %arg25[%swap3A_342, %swap3A_343], %mul3A_341 {strides = array<i32>} : memref<80x128xf32, #tpu.memory_space<vmem>>, vector<16xf32>,
        %get3A_345 = arith.index_cast %scan3A_307 : i32 to index
        %get3A_346 = arith.constant 48 : index
        %get3A_347 = tpu.vector_load %arg25[%get3A_345, %get3A_346] {strides = array<i32>} : memref<80x128xf32, #tpu.memory_space<vmem>>, vector<16xf32>,
        %mul3A_348 = arith.mulf %get3A_347, %gather3A_317 : vector<16xf32>
        %swap3A_349 = arith.index_cast %scan3A_307 : i32 to index
        %swap3A_350 = arith.constant 48 : index
        %swap3A_351 = tpu.vector_load %arg25[%swap3A_349, %swap3A_350] {strides = array<i32>} : memref<80x128xf32, #tpu.memory_space<vmem>>, vector<16xf32>,
        tpu.vector_store %arg25[%swap3A_349, %swap3A_350], %mul3A_348 {strides = array<i32>} : memref<80x128xf32, #tpu.memory_space<vmem>>, vector<16xf32>,
        %get3A_352 = arith.index_cast %scan3A_307 : i32 to index
        %get3A_353 = arith.constant 64 : index
        %get3A_354 = tpu.vector_load %arg25[%get3A_352, %get3A_353] {strides = array<i32>} : memref<80x128xf32, #tpu.memory_space<vmem>>, vector<16xf32>,
        %mul3A_355 = arith.mulf %get3A_354, %gather3A_320 : vector<16xf32>
        %swap3A_356 = arith.index_cast %scan3A_307 : i32 to index
        %swap3A_357 = arith.constant 64 : index
        %swap3A_358 = tpu.vector_load %arg25[%swap3A_356, %swap3A_357] {strides = array<i32>} : memref<80x128xf32, #tpu.memory_space<vmem>>, vector<16xf32>,
        tpu.vector_store %arg25[%swap3A_356, %swap3A_357], %mul3A_355 {strides = array<i32>} : memref<80x128xf32, #tpu.memory_space<vmem>>, vector<16xf32>,
        %get3A_359 = arith.index_cast %scan3A_307 : i32 to index
        %get3A_360 = arith.constant 80 : index
        %get3A_361 = tpu.vector_load %arg25[%get3A_359, %get3A_360] {strides = array<i32>} : memref<80x128xf32, #tpu.memory_space<vmem>>, vector<16xf32>,
        %mul3A_362 = arith.mulf %get3A_361, %gather3A_320 : vector<16xf32>
        %swap3A_363 = arith.index_cast %scan3A_307 : i32 to index
        %swap3A_364 = arith.constant 80 : index
        %swap3A_365 = tpu.vector_load %arg25[%swap3A_363, %swap3A_364] {strides = array<i32>} : memref<80x128xf32, #tpu.memory_space<vmem>>, vector<16xf32>,
        tpu.vector_store %arg25[%swap3A_363, %swap3A_364], %mul3A_362 {strides = array<i32>} : memref<80x128xf32, #tpu.memory_space<vmem>>, vector<16xf32>,
        %get3A_366 = arith.index_cast %scan3A_307 : i32 to index
        %get3A_367 = arith.constant 96 : index
        %get3A_368 = tpu.vector_load %arg25[%get3A_366, %get3A_367] {strides = array<i32>} : memref<80x128xf32, #tpu.memory_space<vmem>>, vector<16xf32>,
        %mul3A_369 = arith.mulf %get3A_368, %gather3A_323 : vector<16xf32>
        %swap3A_370 = arith.index_cast %scan3A_307 : i32 to index
        %swap3A_371 = arith.constant 96 : index
        %swap3A_372 = tpu.vector_load %arg25[%swap3A_370, %swap3A_371] {strides = array<i32>} : memref<80x128xf32, #tpu.memory_space<vmem>>, vector<16xf32>,
        tpu.vector_store %arg25[%swap3A_370, %swap3A_371], %mul3A_369 {strides = array<i32>} : memref<80x128xf32, #tpu.memory_space<vmem>>, vector<16xf32>,
        %get3A_373 = arith.index_cast %scan3A_307 : i32 to index
        %get3A_374 = arith.constant 112 : index
        %get3A_375 = tpu.vector_load %arg25[%get3A_373, %get3A_374] {strides = array<i32>} : memref<80x128xf32, #tpu.memory_space<vmem>>, vector<16xf32>,
        %mul3A_376 = arith.mulf %get3A_375, %gather3A_323 : vector<16xf32>
        %swap3A_377 = arith.index_cast %scan3A_307 : i32 to index
        %swap3A_378 = arith.constant 112 : index
        %swap3A_379 = tpu.vector_load %arg25[%swap3A_377, %swap3A_378] {strides = array<i32>} : memref<80x128xf32, #tpu.memory_space<vmem>>, vector<16xf32>,
        tpu.vector_store %arg25[%swap3A_377, %swap3A_378], %mul3A_376 {strides = array<i32>} : memref<80x128xf32, #tpu.memory_space<vmem>>, vector<16xf32>,
        %scan3A_380 = arith.constant 2 : i32
        %scan3A_381 = arith.addi %scan3A_235, %scan3A_380 : i32
        %broadcast_in_dim3A_382 = arith.constant 0 : i32
        %broadcast_in_dim3A_383 = vector.broadcast %broadcast_in_dim3A_382 : i32 to vector<16xi32>
        %add3A_384 = vector.broadcast %scan3A_381 : i32 to vector<16xi32>
        %add3A_385 = arith.addi %broadcast_in_dim3A_383, %add3A_384 : vector<16xi32>
        %broadcast_in_dim3A_386 = arith.constant 0 : i32
        %broadcast_in_dim3A_387 = vector.broadcast %broadcast_in_dim3A_386 : i32 to vector<16xi32>
        %gather3A_388 = tpu.vector_load_idx %arg23[%add3A_385, %broadcast_in_dim3A_387] : memref<80x16xf32, #tpu.memory_space<vmem>>[vector<16xi32>, vector<16xi32>], vector<16xf32>,
        %broadcast_in_dim3A_389 = arith.constant 1 : i32
        %broadcast_in_dim3A_390 = vector.broadcast %broadcast_in_dim3A_389 : i32 to vector<16xi32>
        %gather3A_391 = tpu.vector_load_idx %arg23[%add3A_385, %broadcast_in_dim3A_390] : memref<80x16xf32, #tpu.memory_space<vmem>>[vector<16xi32>, vector<16xi32>], vector<16xf32>,
        %broadcast_in_dim3A_392 = arith.constant 2 : i32
        %broadcast_in_dim3A_393 = vector.broadcast %broadcast_in_dim3A_392 : i32 to vector<16xi32>
        %gather3A_394 = tpu.vector_load_idx %arg23[%add3A_385, %broadcast_in_dim3A_393] : memref<80x16xf32, #tpu.memory_space<vmem>>[vector<16xi32>, vector<16xi32>], vector<16xf32>,
        %broadcast_in_dim3A_395 = arith.constant 3 : i32
        %broadcast_in_dim3A_396 = vector.broadcast %broadcast_in_dim3A_395 : i32 to vector<16xi32>
        %gather3A_397 = tpu.vector_load_idx %arg23[%add3A_385, %broadcast_in_dim3A_396] : memref<80x16xf32, #tpu.memory_space<vmem>>[vector<16xi32>, vector<16xi32>], vector<16xf32>,
        %get3A_398 = arith.index_cast %scan3A_381 : i32 to index
        %get3A_399 = arith.constant 0 : index
        %get3A_400 = tpu.vector_load %arg25[%get3A_398, %get3A_399] {strides = array<i32>} : memref<80x128xf32, #tpu.memory_space<vmem>>, vector<16xf32>,
        %mul3A_401 = arith.mulf %get3A_400, %gather3A_388 : vector<16xf32>
        %swap3A_402 = arith.index_cast %scan3A_381 : i32 to index
        %swap3A_403 = arith.constant 0 : index
        %swap3A_404 = tpu.vector_load %arg25[%swap3A_402, %swap3A_403] {strides = array<i32>} : memref<80x128xf32, #tpu.memory_space<vmem>>, vector<16xf32>,
        tpu.vector_store %arg25[%swap3A_402, %swap3A_403], %mul3A_401 {strides = array<i32>} : memref<80x128xf32, #tpu.memory_space<vmem>>, vector<16xf32>,
        %get3A_405 = arith.index_cast %scan3A_381 : i32 to index
        %get3A_406 = arith.constant 16 : index
        %get3A_407 = tpu.vector_load %arg25[%get3A_405, %get3A_406] {strides = array<i32>} : memref<80x128xf32, #tpu.memory_space<vmem>>, vector<16xf32>,
        %mul3A_408 = arith.mulf %get3A_407, %gather3A_388 : vector<16xf32>
        %swap3A_409 = arith.index_cast %scan3A_381 : i32 to index
        %swap3A_410 = arith.constant 16 : index
        %swap3A_411 = tpu.vector_load %arg25[%swap3A_409, %swap3A_410] {strides = array<i32>} : memref<80x128xf32, #tpu.memory_space<vmem>>, vector<16xf32>,
        tpu.vector_store %arg25[%swap3A_409, %swap3A_410], %mul3A_408 {strides = array<i32>} : memref<80x128xf32, #tpu.memory_space<vmem>>, vector<16xf32>,
        %get3A_412 = arith.index_cast %scan3A_381 : i32 to index
        %get3A_413 = arith.constant 32 : index
        %get3A_414 = tpu.vector_load %arg25[%get3A_412, %get3A_413] {strides = array<i32>} : memref<80x128xf32, #tpu.memory_space<vmem>>, vector<16xf32>,
        %mul3A_415 = arith.mulf %get3A_414, %gather3A_391 : vector<16xf32>
        %swap3A_416 = arith.index_cast %scan3A_381 : i32 to index
        %swap3A_417 = arith.constant 32 : index
        %swap3A_418 = tpu.vector_load %arg25[%swap3A_416, %swap3A_417] {strides = array<i32>} : memref<80x128xf32, #tpu.memory_space<vmem>>, vector<16xf32>,
        tpu.vector_store %arg25[%swap3A_416, %swap3A_417], %mul3A_415 {strides = array<i32>} : memref<80x128xf32, #tpu.memory_space<vmem>>, vector<16xf32>,
        %get3A_419 = arith.index_cast %scan3A_381 : i32 to index
        %get3A_420 = arith.constant 48 : index
        %get3A_421 = tpu.vector_load %arg25[%get3A_419, %get3A_420] {strides = array<i32>} : memref<80x128xf32, #tpu.memory_space<vmem>>, vector<16xf32>,
        %mul3A_422 = arith.mulf %get3A_421, %gather3A_391 : vector<16xf32>
        %swap3A_423 = arith.index_cast %scan3A_381 : i32 to index
        %swap3A_424 = arith.constant 48 : index
        %swap3A_425 = tpu.vector_load %arg25[%swap3A_423, %swap3A_424] {strides = array<i32>} : memref<80x128xf32, #tpu.memory_space<vmem>>, vector<16xf32>,
        tpu.vector_store %arg25[%swap3A_423, %swap3A_424], %mul3A_422 {strides = array<i32>} : memref<80x128xf32, #tpu.memory_space<vmem>>, vector<16xf32>,
        %get3A_426 = arith.index_cast %scan3A_381 : i32 to index
        %get3A_427 = arith.constant 64 : index
        %get3A_428 = tpu.vector_load %arg25[%get3A_426, %get3A_427] {strides = array<i32>} : memref<80x128xf32, #tpu.memory_space<vmem>>, vector<16xf32>,
        %mul3A_429 = arith.mulf %get3A_428, %gather3A_394 : vector<16xf32>
        %swap3A_430 = arith.index_cast %scan3A_381 : i32 to index
        %swap3A_431 = arith.constant 64 : index
        %swap3A_432 = tpu.vector_load %arg25[%swap3A_430, %swap3A_431] {strides = array<i32>} : memref<80x128xf32, #tpu.memory_space<vmem>>, vector<16xf32>,
        tpu.vector_store %arg25[%swap3A_430, %swap3A_431], %mul3A_429 {strides = array<i32>} : memref<80x128xf32, #tpu.memory_space<vmem>>, vector<16xf32>,
        %get3A_433 = arith.index_cast %scan3A_381 : i32 to index
        %get3A_434 = arith.constant 80 : index
        %get3A_435 = tpu.vector_load %arg25[%get3A_433, %get3A_434] {strides = array<i32>} : memref<80x128xf32, #tpu.memory_space<vmem>>, vector<16xf32>,
        %mul3A_436 = arith.mulf %get3A_435, %gather3A_394 : vector<16xf32>
        %swap3A_437 = arith.index_cast %scan3A_381 : i32 to index
        %swap3A_438 = arith.constant 80 : index
        %swap3A_439 = tpu.vector_load %arg25[%swap3A_437, %swap3A_438] {strides = array<i32>} : memref<80x128xf32, #tpu.memory_space<vmem>>, vector<16xf32>,
        tpu.vector_store %arg25[%swap3A_437, %swap3A_438], %mul3A_436 {strides = array<i32>} : memref<80x128xf32, #tpu.memory_space<vmem>>, vector<16xf32>,
        %get3A_440 = arith.index_cast %scan3A_381 : i32 to index
        %get3A_441 = arith.constant 96 : index
        %get3A_442 = tpu.vector_load %arg25[%get3A_440, %get3A_441] {strides = array<i32>} : memref<80x128xf32, #tpu.memory_space<vmem>>, vector<16xf32>,
        %mul3A_443 = arith.mulf %get3A_442, %gather3A_397 : vector<16xf32>
        %swap3A_444 = arith.index_cast %scan3A_381 : i32 to index
        %swap3A_445 = arith.constant 96 : index
        %swap3A_446 = tpu.vector_load %arg25[%swap3A_444, %swap3A_445] {strides = array<i32>} : memref<80x128xf32, #tpu.memory_space<vmem>>, vector<16xf32>,
        tpu.vector_store %arg25[%swap3A_444, %swap3A_445], %mul3A_443 {strides = array<i32>} : memref<80x128xf32, #tpu.memory_space<vmem>>, vector<16xf32>,
        %get3A_447 = arith.index_cast %scan3A_381 : i32 to index
        %get3A_448 = arith.constant 112 : index
        %get3A_449 = tpu.vector_load %arg25[%get3A_447, %get3A_448] {strides = array<i32>} : memref<80x128xf32, #tpu.memory_space<vmem>>, vector<16xf32>,
        %mul3A_450 = arith.mulf %get3A_449, %gather3A_397 : vector<16xf32>
        %swap3A_451 = arith.index_cast %scan3A_381 : i32 to index
        %swap3A_452 = arith.constant 112 : index
        %swap3A_453 = tpu.vector_load %arg25[%swap3A_451, %swap3A_452] {strides = array<i32>} : memref<80x128xf32, #tpu.memory_space<vmem>>, vector<16xf32>,
        tpu.vector_store %arg25[%swap3A_451, %swap3A_452], %mul3A_450 {strides = array<i32>} : memref<80x128xf32, #tpu.memory_space<vmem>>, vector<16xf32>,
        %scan3A_454 = arith.constant 3 : i32
        %scan3A_455 = arith.addi %scan3A_235, %scan3A_454 : i32
        %broadcast_in_dim3A_456 = arith.constant 0 : i32
        %broadcast_in_dim3A_457 = vector.broadcast %broadcast_in_dim3A_456 : i32 to vector<16xi32>
        %add3A_458 = vector.broadcast %scan3A_455 : i32 to vector<16xi32>
        %add3A_459 = arith.addi %broadcast_in_dim3A_457, %add3A_458 : vector<16xi32>
        %broadcast_in_dim3A_460 = arith.constant 0 : i32
        %broadcast_in_dim3A_461 = vector.broadcast %broadcast_in_dim3A_460 : i32 to vector<16xi32>
        %gather3A_462 = tpu.vector_load_idx %arg23[%add3A_459, %broadcast_in_dim3A_461] : memref<80x16xf32, #tpu.memory_space<vmem>>[vector<16xi32>, vector<16xi32>], vector<16xf32>,
        %broadcast_in_dim3A_463 = arith.constant 1 : i32
        %broadcast_in_dim3A_464 = vector.broadcast %broadcast_in_dim3A_463 : i32 to vector<16xi32>
        %gather3A_465 = tpu.vector_load_idx %arg23[%add3A_459, %broadcast_in_dim3A_464] : memref<80x16xf32, #tpu.memory_space<vmem>>[vector<16xi32>, vector<16xi32>], vector<16xf32>,
        %broadcast_in_dim3A_466 = arith.constant 2 : i32
        %broadcast_in_dim3A_467 = vector.broadcast %broadcast_in_dim3A_466 : i32 to vector<16xi32>
        %gather3A_468 = tpu.vector_load_idx %arg23[%add3A_459, %broadcast_in_dim3A_467] : memref<80x16xf32, #tpu.memory_space<vmem>>[vector<16xi32>, vector<16xi32>], vector<16xf32>,
        %broadcast_in_dim3A_469 = arith.constant 3 : i32
        %broadcast_in_dim3A_470 = vector.broadcast %broadcast_in_dim3A_469 : i32 to vector<16xi32>
        %gather3A_471 = tpu.vector_load_idx %arg23[%add3A_459, %broadcast_in_dim3A_470] : memref<80x16xf32, #tpu.memory_space<vmem>>[vector<16xi32>, vector<16xi32>], vector<16xf32>,
        %get3A_472 = arith.index_cast %scan3A_455 : i32 to index
        %get3A_473 = arith.constant 0 : index
        %get3A_474 = tpu.vector_load %arg25[%get3A_472, %get3A_473] {strides = array<i32>} : memref<80x128xf32, #tpu.memory_space<vmem>>, vector<16xf32>,
        %mul3A_475 = arith.mulf %get3A_474, %gather3A_462 : vector<16xf32>
        %swap3A_476 = arith.index_cast %scan3A_455 : i32 to index
        %swap3A_477 = arith.constant 0 : index
        %swap3A_478 = tpu.vector_load %arg25[%swap3A_476, %swap3A_477] {strides = array<i32>} : memref<80x128xf32, #tpu.memory_space<vmem>>, vector<16xf32>,
        tpu.vector_store %arg25[%swap3A_476, %swap3A_477], %mul3A_475 {strides = array<i32>} : memref<80x128xf32, #tpu.memory_space<vmem>>, vector<16xf32>,
        %get3A_479 = arith.index_cast %scan3A_455 : i32 to index
        %get3A_480 = arith.constant 16 : index
        %get3A_481 = tpu.vector_load %arg25[%get3A_479, %get3A_480] {strides = array<i32>} : memref<80x128xf32, #tpu.memory_space<vmem>>, vector<16xf32>,
        %mul3A_482 = arith.mulf %get3A_481, %gather3A_462 : vector<16xf32>
        %swap3A_483 = arith.index_cast %scan3A_455 : i32 to index
        %swap3A_484 = arith.constant 16 : index
        %swap3A_485 = tpu.vector_load %arg25[%swap3A_483, %swap3A_484] {strides = array<i32>} : memref<80x128xf32, #tpu.memory_space<vmem>>, vector<16xf32>,
        tpu.vector_store %arg25[%swap3A_483, %swap3A_484], %mul3A_482 {strides = array<i32>} : memref<80x128xf32, #tpu.memory_space<vmem>>, vector<16xf32>,
        %get3A_486 = arith.index_cast %scan3A_455 : i32 to index
        %get3A_487 = arith.constant 32 : index
        %get3A_488 = tpu.vector_load %arg25[%get3A_486, %get3A_487] {strides = array<i32>} : memref<80x128xf32, #tpu.memory_space<vmem>>, vector<16xf32>,
        %mul3A_489 = arith.mulf %get3A_488, %gather3A_465 : vector<16xf32>
        %swap3A_490 = arith.index_cast %scan3A_455 : i32 to index
        %swap3A_491 = arith.constant 32 : index
        %swap3A_492 = tpu.vector_load %arg25[%swap3A_490, %swap3A_491] {strides = array<i32>} : memref<80x128xf32, #tpu.memory_space<vmem>>, vector<16xf32>,
        tpu.vector_store %arg25[%swap3A_490, %swap3A_491], %mul3A_489 {strides = array<i32>} : memref<80x128xf32, #tpu.memory_space<vmem>>, vector<16xf32>,
        %get3A_493 = arith.index_cast %scan3A_455 : i32 to index
        %get3A_494 = arith.constant 48 : index
        %get3A_495 = tpu.vector_load %arg25[%get3A_493, %get3A_494] {strides = array<i32>} : memref<80x128xf32, #tpu.memory_space<vmem>>, vector<16xf32>,
        %mul3A_496 = arith.mulf %get3A_495, %gather3A_465 : vector<16xf32>
        %swap3A_497 = arith.index_cast %scan3A_455 : i32 to index
        %swap3A_498 = arith.constant 48 : index
        %swap3A_499 = tpu.vector_load %arg25[%swap3A_497, %swap3A_498] {strides = array<i32>} : memref<80x128xf32, #tpu.memory_space<vmem>>, vector<16xf32>,
        tpu.vector_store %arg25[%swap3A_497, %swap3A_498], %mul3A_496 {strides = array<i32>} : memref<80x128xf32, #tpu.memory_space<vmem>>, vector<16xf32>,
        %get3A_500 = arith.index_cast %scan3A_455 : i32 to index
        %get3A_501 = arith.constant 64 : index
        %get3A_502 = tpu.vector_load %arg25[%get3A_500, %get3A_501] {strides = array<i32>} : memref<80x128xf32, #tpu.memory_space<vmem>>, vector<16xf32>,
        %mul3A_503 = arith.mulf %get3A_502, %gather3A_468 : vector<16xf32>
        %swap3A_504 = arith.index_cast %scan3A_455 : i32 to index
        %swap3A_505 = arith.constant 64 : index
        %swap3A_506 = tpu.vector_load %arg25[%swap3A_504, %swap3A_505] {strides = array<i32>} : memref<80x128xf32, #tpu.memory_space<vmem>>, vector<16xf32>,
        tpu.vector_store %arg25[%swap3A_504, %swap3A_505], %mul3A_503 {strides = array<i32>} : memref<80x128xf32, #tpu.memory_space<vmem>>, vector<16xf32>,
        %get3A_507 = arith.index_cast %scan3A_455 : i32 to index
        %get3A_508 = arith.constant 80 : index
        %get3A_509 = tpu.vector_load %arg25[%get3A_507, %get3A_508] {strides = array<i32>} : memref<80x128xf32, #tpu.memory_space<vmem>>, vector<16xf32>,
        %mul3A_510 = arith.mulf %get3A_509, %gather3A_468 : vector<16xf32>
        %swap3A_511 = arith.index_cast %scan3A_455 : i32 to index
        %swap3A_512 = arith.constant 80 : index
        %swap3A_513 = tpu.vector_load %arg25[%swap3A_511, %swap3A_512] {strides = array<i32>} : memref<80x128xf32, #tpu.memory_space<vmem>>, vector<16xf32>,
        tpu.vector_store %arg25[%swap3A_511, %swap3A_512], %mul3A_510 {strides = array<i32>} : memref<80x128xf32, #tpu.memory_space<vmem>>, vector<16xf32>,
        %get3A_514 = arith.index_cast %scan3A_455 : i32 to index
        %get3A_515 = arith.constant 96 : index
        %get3A_516 = tpu.vector_load %arg25[%get3A_514, %get3A_515] {strides = array<i32>} : memref<80x128xf32, #tpu.memory_space<vmem>>, vector<16xf32>,
        %mul3A_517 = arith.mulf %get3A_516, %gather3A_471 : vector<16xf32>
        %swap3A_518 = arith.index_cast %scan3A_455 : i32 to index
        %swap3A_519 = arith.constant 96 : index
        %swap3A_520 = tpu.vector_load %arg25[%swap3A_518, %swap3A_519] {strides = array<i32>} : memref<80x128xf32, #tpu.memory_space<vmem>>, vector<16xf32>,
        tpu.vector_store %arg25[%swap3A_518, %swap3A_519], %mul3A_517 {strides = array<i32>} : memref<80x128xf32, #tpu.memory_space<vmem>>, vector<16xf32>,
        %get3A_521 = arith.index_cast %scan3A_455 : i32 to index
        %get3A_522 = arith.constant 112 : index
        %get3A_523 = tpu.vector_load %arg25[%get3A_521, %get3A_522] {strides = array<i32>} : memref<80x128xf32, #tpu.memory_space<vmem>>, vector<16xf32>,
        %mul3A_524 = arith.mulf %get3A_523, %gather3A_471 : vector<16xf32>
        %swap3A_525 = arith.index_cast %scan3A_455 : i32 to index
        %swap3A_526 = arith.constant 112 : index
        %swap3A_527 = tpu.vector_load %arg25[%swap3A_525, %swap3A_526] {strides = array<i32>} : memref<80x128xf32, #tpu.memory_space<vmem>>, vector<16xf32>,
        tpu.vector_store %arg25[%swap3A_525, %swap3A_526], %mul3A_524 {strides = array<i32>} : memref<80x128xf32, #tpu.memory_space<vmem>>, vector<16xf32>,
        %scan3A_528 = arith.constant 4 : i32
        %scan3A_529 = arith.addi %scan3A_235, %scan3A_528 : i32
        %broadcast_in_dim3A_530 = arith.constant 0 : i32
        %broadcast_in_dim3A_531 = vector.broadcast %broadcast_in_dim3A_530 : i32 to vector<16xi32>
        %add3A_532 = vector.broadcast %scan3A_529 : i32 to vector<16xi32>
        %add3A_533 = arith.addi %broadcast_in_dim3A_531, %add3A_532 : vector<16xi32>
        %broadcast_in_dim3A_534 = arith.constant 0 : i32
        %broadcast_in_dim3A_535 = vector.broadcast %broadcast_in_dim3A_534 : i32 to vector<16xi32>
        %gather3A_536 = tpu.vector_load_idx %arg23[%add3A_533, %broadcast_in_dim3A_535] : memref<80x16xf32, #tpu.memory_space<vmem>>[vector<16xi32>, vector<16xi32>], vector<16xf32>,
        %broadcast_in_dim3A_537 = arith.constant 1 : i32
        %broadcast_in_dim3A_538 = vector.broadcast %broadcast_in_dim3A_537 : i32 to vector<16xi32>
        %gather3A_539 = tpu.vector_load_idx %arg23[%add3A_533, %broadcast_in_dim3A_538] : memref<80x16xf32, #tpu.memory_space<vmem>>[vector<16xi32>, vector<16xi32>], vector<16xf32>,
        %broadcast_in_dim3A_540 = arith.constant 2 : i32
        %broadcast_in_dim3A_541 = vector.broadcast %broadcast_in_dim3A_540 : i32 to vector<16xi32>
        %gather3A_542 = tpu.vector_load_idx %arg23[%add3A_533, %broadcast_in_dim3A_541] : memref<80x16xf32, #tpu.memory_space<vmem>>[vector<16xi32>, vector<16xi32>], vector<16xf32>,
        %broadcast_in_dim3A_543 = arith.constant 3 : i32
        %broadcast_in_dim3A_544 = vector.broadcast %broadcast_in_dim3A_543 : i32 to vector<16xi32>
        %gather3A_545 = tpu.vector_load_idx %arg23[%add3A_533, %broadcast_in_dim3A_544] : memref<80x16xf32, #tpu.memory_space<vmem>>[vector<16xi32>, vector<16xi32>], vector<16xf32>,
        %get3A_546 = arith.index_cast %scan3A_529 : i32 to index
        %get3A_547 = arith.constant 0 : index
        %get3A_548 = tpu.vector_load %arg25[%get3A_546, %get3A_547] {strides = array<i32>} : memref<80x128xf32, #tpu.memory_space<vmem>>, vector<16xf32>,
        %mul3A_549 = arith.mulf %get3A_548, %gather3A_536 : vector<16xf32>
        %swap3A_550 = arith.index_cast %scan3A_529 : i32 to index
        %swap3A_551 = arith.constant 0 : index
        %swap3A_552 = tpu.vector_load %arg25[%swap3A_550, %swap3A_551] {strides = array<i32>} : memref<80x128xf32, #tpu.memory_space<vmem>>, vector<16xf32>,
        tpu.vector_store %arg25[%swap3A_550, %swap3A_551], %mul3A_549 {strides = array<i32>} : memref<80x128xf32, #tpu.memory_space<vmem>>, vector<16xf32>,
        %get3A_553 = arith.index_cast %scan3A_529 : i32 to index
        %get3A_554 = arith.constant 16 : index
        %get3A_555 = tpu.vector_load %arg25[%get3A_553, %get3A_554] {strides = array<i32>} : memref<80x128xf32, #tpu.memory_space<vmem>>, vector<16xf32>,
        %mul3A_556 = arith.mulf %get3A_555, %gather3A_536 : vector<16xf32>
        %swap3A_557 = arith.index_cast %scan3A_529 : i32 to index
        %swap3A_558 = arith.constant 16 : index
        %swap3A_559 = tpu.vector_load %arg25[%swap3A_557, %swap3A_558] {strides = array<i32>} : memref<80x128xf32, #tpu.memory_space<vmem>>, vector<16xf32>,
        tpu.vector_store %arg25[%swap3A_557, %swap3A_558], %mul3A_556 {strides = array<i32>} : memref<80x128xf32, #tpu.memory_space<vmem>>, vector<16xf32>,
        %get3A_560 = arith.index_cast %scan3A_529 : i32 to index
        %get3A_561 = arith.constant 32 : index
        %get3A_562 = tpu.vector_load %arg25[%get3A_560, %get3A_561] {strides = array<i32>} : memref<80x128xf32, #tpu.memory_space<vmem>>, vector<16xf32>,
        %mul3A_563 = arith.mulf %get3A_562, %gather3A_539 : vector<16xf32>
        %swap3A_564 = arith.index_cast %scan3A_529 : i32 to index
        %swap3A_565 = arith.constant 32 : index
        %swap3A_566 = tpu.vector_load %arg25[%swap3A_564, %swap3A_565] {strides = array<i32>} : memref<80x128xf32, #tpu.memory_space<vmem>>, vector<16xf32>,
        tpu.vector_store %arg25[%swap3A_564, %swap3A_565], %mul3A_563 {strides = array<i32>} : memref<80x128xf32, #tpu.memory_space<vmem>>, vector<16xf32>,
        %get3A_567 = arith.index_cast %scan3A_529 : i32 to index
        %get3A_568 = arith.constant 48 : index
        %get3A_569 = tpu.vector_load %arg25[%get3A_567, %get3A_568] {strides = array<i32>} : memref<80x128xf32, #tpu.memory_space<vmem>>, vector<16xf32>,
        %mul3A_570 = arith.mulf %get3A_569, %gather3A_539 : vector<16xf32>
        %swap3A_571 = arith.index_cast %scan3A_529 : i32 to index
        %swap3A_572 = arith.constant 48 : index
        %swap3A_573 = tpu.vector_load %arg25[%swap3A_571, %swap3A_572] {strides = array<i32>} : memref<80x128xf32, #tpu.memory_space<vmem>>, vector<16xf32>,
        tpu.vector_store %arg25[%swap3A_571, %swap3A_572], %mul3A_570 {strides = array<i32>} : memref<80x128xf32, #tpu.memory_space<vmem>>, vector<16xf32>,
        %get3A_574 = arith.index_cast %scan3A_529 : i32 to index
        %get3A_575 = arith.constant 64 : index
        %get3A_576 = tpu.vector_load %arg25[%get3A_574, %get3A_575] {strides = array<i32>} : memref<80x128xf32, #tpu.memory_space<vmem>>, vector<16xf32>,
        %mul3A_577 = arith.mulf %get3A_576, %gather3A_542 : vector<16xf32>
        %swap3A_578 = arith.index_cast %scan3A_529 : i32 to index
        %swap3A_579 = arith.constant 64 : index
        %swap3A_580 = tpu.vector_load %arg25[%swap3A_578, %swap3A_579] {strides = array<i32>} : memref<80x128xf32, #tpu.memory_space<vmem>>, vector<16xf32>,
        tpu.vector_store %arg25[%swap3A_578, %swap3A_579], %mul3A_577 {strides = array<i32>} : memref<80x128xf32, #tpu.memory_space<vmem>>, vector<16xf32>,
        %get3A_581 = arith.index_cast %scan3A_529 : i32 to index
        %get3A_582 = arith.constant 80 : index
        %get3A_583 = tpu.vector_load %arg25[%get3A_581, %get3A_582] {strides = array<i32>} : memref<80x128xf32, #tpu.memory_space<vmem>>, vector<16xf32>,
        %mul3A_584 = arith.mulf %get3A_583, %gather3A_542 : vector<16xf32>
        %swap3A_585 = arith.index_cast %scan3A_529 : i32 to index
        %swap3A_586 = arith.constant 80 : index
        %swap3A_587 = tpu.vector_load %arg25[%swap3A_585, %swap3A_586] {strides = array<i32>} : memref<80x128xf32, #tpu.memory_space<vmem>>, vector<16xf32>,
        tpu.vector_store %arg25[%swap3A_585, %swap3A_586], %mul3A_584 {strides = array<i32>} : memref<80x128xf32, #tpu.memory_space<vmem>>, vector<16xf32>,
        %get3A_588 = arith.index_cast %scan3A_529 : i32 to index
        %get3A_589 = arith.constant 96 : index
        %get3A_590 = tpu.vector_load %arg25[%get3A_588, %get3A_589] {strides = array<i32>} : memref<80x128xf32, #tpu.memory_space<vmem>>, vector<16xf32>,
        %mul3A_591 = arith.mulf %get3A_590, %gather3A_545 : vector<16xf32>
        %swap3A_592 = arith.index_cast %scan3A_529 : i32 to index
        %swap3A_593 = arith.constant 96 : index
        %swap3A_594 = tpu.vector_load %arg25[%swap3A_592, %swap3A_593] {strides = array<i32>} : memref<80x128xf32, #tpu.memory_space<vmem>>, vector<16xf32>,
        tpu.vector_store %arg25[%swap3A_592, %swap3A_593], %mul3A_591 {strides = array<i32>} : memref<80x128xf32, #tpu.memory_space<vmem>>, vector<16xf32>,
        %get3A_595 = arith.index_cast %scan3A_529 : i32 to index
        %get3A_596 = arith.constant 112 : index
        %get3A_597 = tpu.vector_load %arg25[%get3A_595, %get3A_596] {strides = array<i32>} : memref<80x128xf32, #tpu.memory_space<vmem>>, vector<16xf32>,
        %mul3A_598 = arith.mulf %get3A_597, %gather3A_545 : vector<16xf32>
        %swap3A_599 = arith.index_cast %scan3A_529 : i32 to index
        %swap3A_600 = arith.constant 112 : index
        %swap3A_601 = tpu.vector_load %arg25[%swap3A_599, %swap3A_600] {strides = array<i32>} : memref<80x128xf32, #tpu.memory_space<vmem>>, vector<16xf32>,
        tpu.vector_store %arg25[%swap3A_599, %swap3A_600], %mul3A_598 {strides = array<i32>} : memref<80x128xf32, #tpu.memory_space<vmem>>, vector<16xf32>,
        %scan3A_602 = arith.constant 5 : i32
        %scan3A_603 = arith.addi %scan3A_235, %scan3A_602 : i32
        %broadcast_in_dim3A_604 = arith.constant 0 : i32
        %broadcast_in_dim3A_605 = vector.broadcast %broadcast_in_dim3A_604 : i32 to vector<16xi32>
        %add3A_606 = vector.broadcast %scan3A_603 : i32 to vector<16xi32>
        %add3A_607 = arith.addi %broadcast_in_dim3A_605, %add3A_606 : vector<16xi32>
        %broadcast_in_dim3A_608 = arith.constant 0 : i32
        %broadcast_in_dim3A_609 = vector.broadcast %broadcast_in_dim3A_608 : i32 to vector<16xi32>
        %gather3A_610 = tpu.vector_load_idx %arg23[%add3A_607, %broadcast_in_dim3A_609] : memref<80x16xf32, #tpu.memory_space<vmem>>[vector<16xi32>, vector<16xi32>], vector<16xf32>,
        %broadcast_in_dim3A_611 = arith.constant 1 : i32
        %broadcast_in_dim3A_612 = vector.broadcast %broadcast_in_dim3A_611 : i32 to vector<16xi32>
        %gather3A_613 = tpu.vector_load_idx %arg23[%add3A_607, %broadcast_in_dim3A_612] : memref<80x16xf32, #tpu.memory_space<vmem>>[vector<16xi32>, vector<16xi32>], vector<16xf32>,
        %broadcast_in_dim3A_614 = arith.constant 2 : i32
        %broadcast_in_dim3A_615 = vector.broadcast %broadcast_in_dim3A_614 : i32 to vector<16xi32>
        %gather3A_616 = tpu.vector_load_idx %arg23[%add3A_607, %broadcast_in_dim3A_615] : memref<80x16xf32, #tpu.memory_space<vmem>>[vector<16xi32>, vector<16xi32>], vector<16xf32>,
        %broadcast_in_dim3A_617 = arith.constant 3 : i32
        %broadcast_in_dim3A_618 = vector.broadcast %broadcast_in_dim3A_617 : i32 to vector<16xi32>
        %gather3A_619 = tpu.vector_load_idx %arg23[%add3A_607, %broadcast_in_dim3A_618] : memref<80x16xf32, #tpu.memory_space<vmem>>[vector<16xi32>, vector<16xi32>], vector<16xf32>,
        %get3A_620 = arith.index_cast %scan3A_603 : i32 to index
        %get3A_621 = arith.constant 0 : index
        %get3A_622 = tpu.vector_load %arg25[%get3A_620, %get3A_621] {strides = array<i32>} : memref<80x128xf32, #tpu.memory_space<vmem>>, vector<16xf32>,
        %mul3A_623 = arith.mulf %get3A_622, %gather3A_610 : vector<16xf32>
        %swap3A_624 = arith.index_cast %scan3A_603 : i32 to index
        %swap3A_625 = arith.constant 0 : index
        %swap3A_626 = tpu.vector_load %arg25[%swap3A_624, %swap3A_625] {strides = array<i32>} : memref<80x128xf32, #tpu.memory_space<vmem>>, vector<16xf32>,
        tpu.vector_store %arg25[%swap3A_624, %swap3A_625], %mul3A_623 {strides = array<i32>} : memref<80x128xf32, #tpu.memory_space<vmem>>, vector<16xf32>,
        %get3A_627 = arith.index_cast %scan3A_603 : i32 to index
        %get3A_628 = arith.constant 16 : index
        %get3A_629 = tpu.vector_load %arg25[%get3A_627, %get3A_628] {strides = array<i32>} : memref<80x128xf32, #tpu.memory_space<vmem>>, vector<16xf32>,
        %mul3A_630 = arith.mulf %get3A_629, %gather3A_610 : vector<16xf32>
        %swap3A_631 = arith.index_cast %scan3A_603 : i32 to index
        %swap3A_632 = arith.constant 16 : index
        %swap3A_633 = tpu.vector_load %arg25[%swap3A_631, %swap3A_632] {strides = array<i32>} : memref<80x128xf32, #tpu.memory_space<vmem>>, vector<16xf32>,
        tpu.vector_store %arg25[%swap3A_631, %swap3A_632], %mul3A_630 {strides = array<i32>} : memref<80x128xf32, #tpu.memory_space<vmem>>, vector<16xf32>,
        %get3A_634 = arith.index_cast %scan3A_603 : i32 to index
        %get3A_635 = arith.constant 32 : index
        %get3A_636 = tpu.vector_load %arg25[%get3A_634, %get3A_635] {strides = array<i32>} : memref<80x128xf32, #tpu.memory_space<vmem>>, vector<16xf32>,
        %mul3A_637 = arith.mulf %get3A_636, %gather3A_613 : vector<16xf32>
        %swap3A_638 = arith.index_cast %scan3A_603 : i32 to index
        %swap3A_639 = arith.constant 32 : index
        %swap3A_640 = tpu.vector_load %arg25[%swap3A_638, %swap3A_639] {strides = array<i32>} : memref<80x128xf32, #tpu.memory_space<vmem>>, vector<16xf32>,
        tpu.vector_store %arg25[%swap3A_638, %swap3A_639], %mul3A_637 {strides = array<i32>} : memref<80x128xf32, #tpu.memory_space<vmem>>, vector<16xf32>,
        %get3A_641 = arith.index_cast %scan3A_603 : i32 to index
        %get3A_642 = arith.constant 48 : index
        %get3A_643 = tpu.vector_load %arg25[%get3A_641, %get3A_642] {strides = array<i32>} : memref<80x128xf32, #tpu.memory_space<vmem>>, vector<16xf32>,
        %mul3A_644 = arith.mulf %get3A_643, %gather3A_613 : vector<16xf32>
        %swap3A_645 = arith.index_cast %scan3A_603 : i32 to index
        %swap3A_646 = arith.constant 48 : index
        %swap3A_647 = tpu.vector_load %arg25[%swap3A_645, %swap3A_646] {strides = array<i32>} : memref<80x128xf32, #tpu.memory_space<vmem>>, vector<16xf32>,
        tpu.vector_store %arg25[%swap3A_645, %swap3A_646], %mul3A_644 {strides = array<i32>} : memref<80x128xf32, #tpu.memory_space<vmem>>, vector<16xf32>,
        %get3A_648 = arith.index_cast %scan3A_603 : i32 to index
        %get3A_649 = arith.constant 64 : index
        %get3A_650 = tpu.vector_load %arg25[%get3A_648, %get3A_649] {strides = array<i32>} : memref<80x128xf32, #tpu.memory_space<vmem>>, vector<16xf32>,
        %mul3A_651 = arith.mulf %get3A_650, %gather3A_616 : vector<16xf32>
        %swap3A_652 = arith.index_cast %scan3A_603 : i32 to index
        %swap3A_653 = arith.constant 64 : index
        %swap3A_654 = tpu.vector_load %arg25[%swap3A_652, %swap3A_653] {strides = array<i32>} : memref<80x128xf32, #tpu.memory_space<vmem>>, vector<16xf32>,
        tpu.vector_store %arg25[%swap3A_652, %swap3A_653], %mul3A_651 {strides = array<i32>} : memref<80x128xf32, #tpu.memory_space<vmem>>, vector<16xf32>,
        %get3A_655 = arith.index_cast %scan3A_603 : i32 to index
        %get3A_656 = arith.constant 80 : index
        %get3A_657 = tpu.vector_load %arg25[%get3A_655, %get3A_656] {strides = array<i32>} : memref<80x128xf32, #tpu.memory_space<vmem>>, vector<16xf32>,
        %mul3A_658 = arith.mulf %get3A_657, %gather3A_616 : vector<16xf32>
        %swap3A_659 = arith.index_cast %scan3A_603 : i32 to index
        %swap3A_660 = arith.constant 80 : index
        %swap3A_661 = tpu.vector_load %arg25[%swap3A_659, %swap3A_660] {strides = array<i32>} : memref<80x128xf32, #tpu.memory_space<vmem>>, vector<16xf32>,
        tpu.vector_store %arg25[%swap3A_659, %swap3A_660], %mul3A_658 {strides = array<i32>} : memref<80x128xf32, #tpu.memory_space<vmem>>, vector<16xf32>,
        %get3A_662 = arith.index_cast %scan3A_603 : i32 to index
        %get3A_663 = arith.constant 96 : index
        %get3A_664 = tpu.vector_load %arg25[%get3A_662, %get3A_663] {strides = array<i32>} : memref<80x128xf32, #tpu.memory_space<vmem>>, vector<16xf32>,
        %mul3A_665 = arith.mulf %get3A_664, %gather3A_619 : vector<16xf32>
        %swap3A_666 = arith.index_cast %scan3A_603 : i32 to index
        %swap3A_667 = arith.constant 96 : index
        %swap3A_668 = tpu.vector_load %arg25[%swap3A_666, %swap3A_667] {strides = array<i32>} : memref<80x128xf32, #tpu.memory_space<vmem>>, vector<16xf32>,
        tpu.vector_store %arg25[%swap3A_666, %swap3A_667], %mul3A_665 {strides = array<i32>} : memref<80x128xf32, #tpu.memory_space<vmem>>, vector<16xf32>,
        %get3A_669 = arith.index_cast %scan3A_603 : i32 to index
        %get3A_670 = arith.constant 112 : index
        %get3A_671 = tpu.vector_load %arg25[%get3A_669, %get3A_670] {strides = array<i32>} : memref<80x128xf32, #tpu.memory_space<vmem>>, vector<16xf32>,
        %mul3A_672 = arith.mulf %get3A_671, %gather3A_619 : vector<16xf32>
        %swap3A_673 = arith.index_cast %scan3A_603 : i32 to index
        %swap3A_674 = arith.constant 112 : index
        %swap3A_675 = tpu.vector_load %arg25[%swap3A_673, %swap3A_674] {strides = array<i32>} : memref<80x128xf32, #tpu.memory_space<vmem>>, vector<16xf32>,
        tpu.vector_store %arg25[%swap3A_673, %swap3A_674], %mul3A_672 {strides = array<i32>} : memref<80x128xf32, #tpu.memory_space<vmem>>, vector<16xf32>,
        %scan3A_676 = arith.constant 6 : i32
        %scan3A_677 = arith.addi %scan3A_235, %scan3A_676 : i32
        %broadcast_in_dim3A_678 = arith.constant 0 : i32
        %broadcast_in_dim3A_679 = vector.broadcast %broadcast_in_dim3A_678 : i32 to vector<16xi32>
        %add3A_680 = vector.broadcast %scan3A_677 : i32 to vector<16xi32>
        %add3A_681 = arith.addi %broadcast_in_dim3A_679, %add3A_680 : vector<16xi32>
        %broadcast_in_dim3A_682 = arith.constant 0 : i32
        %broadcast_in_dim3A_683 = vector.broadcast %broadcast_in_dim3A_682 : i32 to vector<16xi32>
        %gather3A_684 = tpu.vector_load_idx %arg23[%add3A_681, %broadcast_in_dim3A_683] : memref<80x16xf32, #tpu.memory_space<vmem>>[vector<16xi32>, vector<16xi32>], vector<16xf32>,
        %broadcast_in_dim3A_685 = arith.constant 1 : i32
        %broadcast_in_dim3A_686 = vector.broadcast %broadcast_in_dim3A_685 : i32 to vector<16xi32>
        %gather3A_687 = tpu.vector_load_idx %arg23[%add3A_681, %broadcast_in_dim3A_686] : memref<80x16xf32, #tpu.memory_space<vmem>>[vector<16xi32>, vector<16xi32>], vector<16xf32>,
        %broadcast_in_dim3A_688 = arith.constant 2 : i32
        %broadcast_in_dim3A_689 = vector.broadcast %broadcast_in_dim3A_688 : i32 to vector<16xi32>
        %gather3A_690 = tpu.vector_load_idx %arg23[%add3A_681, %broadcast_in_dim3A_689] : memref<80x16xf32, #tpu.memory_space<vmem>>[vector<16xi32>, vector<16xi32>], vector<16xf32>,
        %broadcast_in_dim3A_691 = arith.constant 3 : i32
        %broadcast_in_dim3A_692 = vector.broadcast %broadcast_in_dim3A_691 : i32 to vector<16xi32>
        %gather3A_693 = tpu.vector_load_idx %arg23[%add3A_681, %broadcast_in_dim3A_692] : memref<80x16xf32, #tpu.memory_space<vmem>>[vector<16xi32>, vector<16xi32>], vector<16xf32>,
        %get3A_694 = arith.index_cast %scan3A_677 : i32 to index
        %get3A_695 = arith.constant 0 : index
        %get3A_696 = tpu.vector_load %arg25[%get3A_694, %get3A_695] {strides = array<i32>} : memref<80x128xf32, #tpu.memory_space<vmem>>, vector<16xf32>,
        %mul3A_697 = arith.mulf %get3A_696, %gather3A_684 : vector<16xf32>
        %swap3A_698 = arith.index_cast %scan3A_677 : i32 to index
        %swap3A_699 = arith.constant 0 : index
        %swap3A_700 = tpu.vector_load %arg25[%swap3A_698, %swap3A_699] {strides = array<i32>} : memref<80x128xf32, #tpu.memory_space<vmem>>, vector<16xf32>,
        tpu.vector_store %arg25[%swap3A_698, %swap3A_699], %mul3A_697 {strides = array<i32>} : memref<80x128xf32, #tpu.memory_space<vmem>>, vector<16xf32>,
        %get3A_701 = arith.index_cast %scan3A_677 : i32 to index
        %get3A_702 = arith.constant 16 : index
        %get3A_703 = tpu.vector_load %arg25[%get3A_701, %get3A_702] {strides = array<i32>} : memref<80x128xf32, #tpu.memory_space<vmem>>, vector<16xf32>,
        %mul3A_704 = arith.mulf %get3A_703, %gather3A_684 : vector<16xf32>
        %swap3A_705 = arith.index_cast %scan3A_677 : i32 to index
        %swap3A_706 = arith.constant 16 : index
        %swap3A_707 = tpu.vector_load %arg25[%swap3A_705, %swap3A_706] {strides = array<i32>} : memref<80x128xf32, #tpu.memory_space<vmem>>, vector<16xf32>,
        tpu.vector_store %arg25[%swap3A_705, %swap3A_706], %mul3A_704 {strides = array<i32>} : memref<80x128xf32, #tpu.memory_space<vmem>>, vector<16xf32>,
        %get3A_708 = arith.index_cast %scan3A_677 : i32 to index
        %get3A_709 = arith.constant 32 : index
        %get3A_710 = tpu.vector_load %arg25[%get3A_708, %get3A_709] {strides = array<i32>} : memref<80x128xf32, #tpu.memory_space<vmem>>, vector<16xf32>,
        %mul3A_711 = arith.mulf %get3A_710, %gather3A_687 : vector<16xf32>
        %swap3A_712 = arith.index_cast %scan3A_677 : i32 to index
        %swap3A_713 = arith.constant 32 : index
        %swap3A_714 = tpu.vector_load %arg25[%swap3A_712, %swap3A_713] {strides = array<i32>} : memref<80x128xf32, #tpu.memory_space<vmem>>, vector<16xf32>,
        tpu.vector_store %arg25[%swap3A_712, %swap3A_713], %mul3A_711 {strides = array<i32>} : memref<80x128xf32, #tpu.memory_space<vmem>>, vector<16xf32>,
        %get3A_715 = arith.index_cast %scan3A_677 : i32 to index
        %get3A_716 = arith.constant 48 : index
        %get3A_717 = tpu.vector_load %arg25[%get3A_715, %get3A_716] {strides = array<i32>} : memref<80x128xf32, #tpu.memory_space<vmem>>, vector<16xf32>,
        %mul3A_718 = arith.mulf %get3A_717, %gather3A_687 : vector<16xf32>
        %swap3A_719 = arith.index_cast %scan3A_677 : i32 to index
        %swap3A_720 = arith.constant 48 : index
        %swap3A_721 = tpu.vector_load %arg25[%swap3A_719, %swap3A_720] {strides = array<i32>} : memref<80x128xf32, #tpu.memory_space<vmem>>, vector<16xf32>,
        tpu.vector_store %arg25[%swap3A_719, %swap3A_720], %mul3A_718 {strides = array<i32>} : memref<80x128xf32, #tpu.memory_space<vmem>>, vector<16xf32>,
        %get3A_722 = arith.index_cast %scan3A_677 : i32 to index
        %get3A_723 = arith.constant 64 : index
        %get3A_724 = tpu.vector_load %arg25[%get3A_722, %get3A_723] {strides = array<i32>} : memref<80x128xf32, #tpu.memory_space<vmem>>, vector<16xf32>,
        %mul3A_725 = arith.mulf %get3A_724, %gather3A_690 : vector<16xf32>
        %swap3A_726 = arith.index_cast %scan3A_677 : i32 to index
        %swap3A_727 = arith.constant 64 : index
        %swap3A_728 = tpu.vector_load %arg25[%swap3A_726, %swap3A_727] {strides = array<i32>} : memref<80x128xf32, #tpu.memory_space<vmem>>, vector<16xf32>,
        tpu.vector_store %arg25[%swap3A_726, %swap3A_727], %mul3A_725 {strides = array<i32>} : memref<80x128xf32, #tpu.memory_space<vmem>>, vector<16xf32>,
        %get3A_729 = arith.index_cast %scan3A_677 : i32 to index
        %get3A_730 = arith.constant 80 : index
        %get3A_731 = tpu.vector_load %arg25[%get3A_729, %get3A_730] {strides = array<i32>} : memref<80x128xf32, #tpu.memory_space<vmem>>, vector<16xf32>,
        %mul3A_732 = arith.mulf %get3A_731, %gather3A_690 : vector<16xf32>
        %swap3A_733 = arith.index_cast %scan3A_677 : i32 to index
        %swap3A_734 = arith.constant 80 : index
        %swap3A_735 = tpu.vector_load %arg25[%swap3A_733, %swap3A_734] {strides = array<i32>} : memref<80x128xf32, #tpu.memory_space<vmem>>, vector<16xf32>,
        tpu.vector_store %arg25[%swap3A_733, %swap3A_734], %mul3A_732 {strides = array<i32>} : memref<80x128xf32, #tpu.memory_space<vmem>>, vector<16xf32>,
        %get3A_736 = arith.index_cast %scan3A_677 : i32 to index
        %get3A_737 = arith.constant 96 : index
        %get3A_738 = tpu.vector_load %arg25[%get3A_736, %get3A_737] {strides = array<i32>} : memref<80x128xf32, #tpu.memory_space<vmem>>, vector<16xf32>,
        %mul3A_739 = arith.mulf %get3A_738, %gather3A_693 : vector<16xf32>
        %swap3A_740 = arith.index_cast %scan3A_677 : i32 to index
        %swap3A_741 = arith.constant 96 : index
        %swap3A_742 = tpu.vector_load %arg25[%swap3A_740, %swap3A_741] {strides = array<i32>} : memref<80x128xf32, #tpu.memory_space<vmem>>, vector<16xf32>,
        tpu.vector_store %arg25[%swap3A_740, %swap3A_741], %mul3A_739 {strides = array<i32>} : memref<80x128xf32, #tpu.memory_space<vmem>>, vector<16xf32>,
        %get3A_743 = arith.index_cast %scan3A_677 : i32 to index
        %get3A_744 = arith.constant 112 : index
        %get3A_745 = tpu.vector_load %arg25[%get3A_743, %get3A_744] {strides = array<i32>} : memref<80x128xf32, #tpu.memory_space<vmem>>, vector<16xf32>,
        %mul3A_746 = arith.mulf %get3A_745, %gather3A_693 : vector<16xf32>
        %swap3A_747 = arith.index_cast %scan3A_677 : i32 to index
        %swap3A_748 = arith.constant 112 : index
        %swap3A_749 = tpu.vector_load %arg25[%swap3A_747, %swap3A_748] {strides = array<i32>} : memref<80x128xf32, #tpu.memory_space<vmem>>, vector<16xf32>,
        tpu.vector_store %arg25[%swap3A_747, %swap3A_748], %mul3A_746 {strides = array<i32>} : memref<80x128xf32, #tpu.memory_space<vmem>>, vector<16xf32>,
        %scan3A_750 = arith.constant 7 : i32
        %scan3A_751 = arith.addi %scan3A_235, %scan3A_750 : i32
        %broadcast_in_dim3A_752 = arith.constant 0 : i32
        %broadcast_in_dim3A_753 = vector.broadcast %broadcast_in_dim3A_752 : i32 to vector<16xi32>
        %add3A_754 = vector.broadcast %scan3A_751 : i32 to vector<16xi32>
        %add3A_755 = arith.addi %broadcast_in_dim3A_753, %add3A_754 : vector<16xi32>
        %broadcast_in_dim3A_756 = arith.constant 0 : i32
        %broadcast_in_dim3A_757 = vector.broadcast %broadcast_in_dim3A_756 : i32 to vector<16xi32>
        %gather3A_758 = tpu.vector_load_idx %arg23[%add3A_755, %broadcast_in_dim3A_757] : memref<80x16xf32, #tpu.memory_space<vmem>>[vector<16xi32>, vector<16xi32>], vector<16xf32>,
        %broadcast_in_dim3A_759 = arith.constant 1 : i32
        %broadcast_in_dim3A_760 = vector.broadcast %broadcast_in_dim3A_759 : i32 to vector<16xi32>
        %gather3A_761 = tpu.vector_load_idx %arg23[%add3A_755, %broadcast_in_dim3A_760] : memref<80x16xf32, #tpu.memory_space<vmem>>[vector<16xi32>, vector<16xi32>], vector<16xf32>,
        %broadcast_in_dim3A_762 = arith.constant 2 : i32
        %broadcast_in_dim3A_763 = vector.broadcast %broadcast_in_dim3A_762 : i32 to vector<16xi32>
        %gather3A_764 = tpu.vector_load_idx %arg23[%add3A_755, %broadcast_in_dim3A_763] : memref<80x16xf32, #tpu.memory_space<vmem>>[vector<16xi32>, vector<16xi32>], vector<16xf32>,
        %broadcast_in_dim3A_765 = arith.constant 3 : i32
        %broadcast_in_dim3A_766 = vector.broadcast %broadcast_in_dim3A_765 : i32 to vector<16xi32>
        %gather3A_767 = tpu.vector_load_idx %arg23[%add3A_755, %broadcast_in_dim3A_766] : memref<80x16xf32, #tpu.memory_space<vmem>>[vector<16xi32>, vector<16xi32>], vector<16xf32>,
        %get3A_768 = arith.index_cast %scan3A_751 : i32 to index
        %get3A_769 = arith.constant 0 : index
        %get3A_770 = tpu.vector_load %arg25[%get3A_768, %get3A_769] {strides = array<i32>} : memref<80x128xf32, #tpu.memory_space<vmem>>, vector<16xf32>,
        %mul3A_771 = arith.mulf %get3A_770, %gather3A_758 : vector<16xf32>
        %swap3A_772 = arith.index_cast %scan3A_751 : i32 to index
        %swap3A_773 = arith.constant 0 : index
        %swap3A_774 = tpu.vector_load %arg25[%swap3A_772, %swap3A_773] {strides = array<i32>} : memref<80x128xf32, #tpu.memory_space<vmem>>, vector<16xf32>,
        tpu.vector_store %arg25[%swap3A_772, %swap3A_773], %mul3A_771 {strides = array<i32>} : memref<80x128xf32, #tpu.memory_space<vmem>>, vector<16xf32>,
        %get3A_775 = arith.index_cast %scan3A_751 : i32 to index
        %get3A_776 = arith.constant 16 : index
        %get3A_777 = tpu.vector_load %arg25[%get3A_775, %get3A_776] {strides = array<i32>} : memref<80x128xf32, #tpu.memory_space<vmem>>, vector<16xf32>,
        %mul3A_778 = arith.mulf %get3A_777, %gather3A_758 : vector<16xf32>
        %swap3A_779 = arith.index_cast %scan3A_751 : i32 to index
        %swap3A_780 = arith.constant 16 : index
        %swap3A_781 = tpu.vector_load %arg25[%swap3A_779, %swap3A_780] {strides = array<i32>} : memref<80x128xf32, #tpu.memory_space<vmem>>, vector<16xf32>,
        tpu.vector_store %arg25[%swap3A_779, %swap3A_780], %mul3A_778 {strides = array<i32>} : memref<80x128xf32, #tpu.memory_space<vmem>>, vector<16xf32>,
        %get3A_782 = arith.index_cast %scan3A_751 : i32 to index
        %get3A_783 = arith.constant 32 : index
        %get3A_784 = tpu.vector_load %arg25[%get3A_782, %get3A_783] {strides = array<i32>} : memref<80x128xf32, #tpu.memory_space<vmem>>, vector<16xf32>,
        %mul3A_785 = arith.mulf %get3A_784, %gather3A_761 : vector<16xf32>
        %swap3A_786 = arith.index_cast %scan3A_751 : i32 to index
        %swap3A_787 = arith.constant 32 : index
        %swap3A_788 = tpu.vector_load %arg25[%swap3A_786, %swap3A_787] {strides = array<i32>} : memref<80x128xf32, #tpu.memory_space<vmem>>, vector<16xf32>,
        tpu.vector_store %arg25[%swap3A_786, %swap3A_787], %mul3A_785 {strides = array<i32>} : memref<80x128xf32, #tpu.memory_space<vmem>>, vector<16xf32>,
        %get3A_789 = arith.index_cast %scan3A_751 : i32 to index
        %get3A_790 = arith.constant 48 : index
        %get3A_791 = tpu.vector_load %arg25[%get3A_789, %get3A_790] {strides = array<i32>} : memref<80x128xf32, #tpu.memory_space<vmem>>, vector<16xf32>,
        %mul3A_792 = arith.mulf %get3A_791, %gather3A_761 : vector<16xf32>
        %swap3A_793 = arith.index_cast %scan3A_751 : i32 to index
        %swap3A_794 = arith.constant 48 : index
        %swap3A_795 = tpu.vector_load %arg25[%swap3A_793, %swap3A_794] {strides = array<i32>} : memref<80x128xf32, #tpu.memory_space<vmem>>, vector<16xf32>,
        tpu.vector_store %arg25[%swap3A_793, %swap3A_794], %mul3A_792 {strides = array<i32>} : memref<80x128xf32, #tpu.memory_space<vmem>>, vector<16xf32>,
        %get3A_796 = arith.index_cast %scan3A_751 : i32 to index
        %get3A_797 = arith.constant 64 : index
        %get3A_798 = tpu.vector_load %arg25[%get3A_796, %get3A_797] {strides = array<i32>} : memref<80x128xf32, #tpu.memory_space<vmem>>, vector<16xf32>,
        %mul3A_799 = arith.mulf %get3A_798, %gather3A_764 : vector<16xf32>
        %swap3A_800 = arith.index_cast %scan3A_751 : i32 to index
        %swap3A_801 = arith.constant 64 : index
        %swap3A_802 = tpu.vector_load %arg25[%swap3A_800, %swap3A_801] {strides = array<i32>} : memref<80x128xf32, #tpu.memory_space<vmem>>, vector<16xf32>,
        tpu.vector_store %arg25[%swap3A_800, %swap3A_801], %mul3A_799 {strides = array<i32>} : memref<80x128xf32, #tpu.memory_space<vmem>>, vector<16xf32>,
        %get3A_803 = arith.index_cast %scan3A_751 : i32 to index
        %get3A_804 = arith.constant 80 : index
        %get3A_805 = tpu.vector_load %arg25[%get3A_803, %get3A_804] {strides = array<i32>} : memref<80x128xf32, #tpu.memory_space<vmem>>, vector<16xf32>,
        %mul3A_806 = arith.mulf %get3A_805, %gather3A_764 : vector<16xf32>
        %swap3A_807 = arith.index_cast %scan3A_751 : i32 to index
        %swap3A_808 = arith.constant 80 : index
        %swap3A_809 = tpu.vector_load %arg25[%swap3A_807, %swap3A_808] {strides = array<i32>} : memref<80x128xf32, #tpu.memory_space<vmem>>, vector<16xf32>,
        tpu.vector_store %arg25[%swap3A_807, %swap3A_808], %mul3A_806 {strides = array<i32>} : memref<80x128xf32, #tpu.memory_space<vmem>>, vector<16xf32>,
        %get3A_810 = arith.index_cast %scan3A_751 : i32 to index
        %get3A_811 = arith.constant 96 : index
        %get3A_812 = tpu.vector_load %arg25[%get3A_810, %get3A_811] {strides = array<i32>} : memref<80x128xf32, #tpu.memory_space<vmem>>, vector<16xf32>,
        %mul3A_813 = arith.mulf %get3A_812, %gather3A_767 : vector<16xf32>
        %swap3A_814 = arith.index_cast %scan3A_751 : i32 to index
        %swap3A_815 = arith.constant 96 : index
        %swap3A_816 = tpu.vector_load %arg25[%swap3A_814, %swap3A_815] {strides = array<i32>} : memref<80x128xf32, #tpu.memory_space<vmem>>, vector<16xf32>,
        tpu.vector_store %arg25[%swap3A_814, %swap3A_815], %mul3A_813 {strides = array<i32>} : memref<80x128xf32, #tpu.memory_space<vmem>>, vector<16xf32>,
        %get3A_817 = arith.index_cast %scan3A_751 : i32 to index
        %get3A_818 = arith.constant 112 : index
        %get3A_819 = tpu.vector_load %arg25[%get3A_817, %get3A_818] {strides = array<i32>} : memref<80x128xf32, #tpu.memory_space<vmem>>, vector<16xf32>,
        %mul3A_820 = arith.mulf %get3A_819, %gather3A_767 : vector<16xf32>
        %swap3A_821 = arith.index_cast %scan3A_751 : i32 to index
        %swap3A_822 = arith.constant 112 : index
        %swap3A_823 = tpu.vector_load %arg25[%swap3A_821, %swap3A_822] {strides = array<i32>} : memref<80x128xf32, #tpu.memory_space<vmem>>, vector<16xf32>,
        tpu.vector_store %arg25[%swap3A_821, %swap3A_822], %mul3A_820 {strides = array<i32>} : memref<80x128xf32, #tpu.memory_space<vmem>>, vector<16xf32>,
      }
      %scan3A_182 = arith.constant 80 : i32
      %get3A_183 = arith.constant 0 : index
      %get3A_184 = tpu.vector_load %arg19[%get3A_183] {strides = array<i32>} : memref<80xi32, #tpu.memory_space<vmem>>, vector<16xi32>,
      %swap3A_185 = arith.constant 0 : index
      %swap3A_186 = tpu.vector_load %arg21[%swap3A_185] {strides = array<i32>} : memref<80xi32, #tpu.memory_space<vmem>>, vector<16xi32>,
      tpu.vector_store %arg21[%swap3A_185], %get3A_184 {strides = array<i32>} : memref<80xi32, #tpu.memory_space<vmem>>, vector<16xi32>,
      %get3A_187 = arith.constant 16 : index
      %get3A_188 = tpu.vector_load %arg19[%get3A_187] {strides = array<i32>} : memref<80xi32, #tpu.memory_space<vmem>>, vector<16xi32>,
      %swap3A_189 = arith.constant 16 : index
      %swap3A_190 = tpu.vector_load %arg21[%swap3A_189] {strides = array<i32>} : memref<80xi32, #tpu.memory_space<vmem>>, vector<16xi32>,
      tpu.vector_store %arg21[%swap3A_189], %get3A_188 {strides = array<i32>} : memref<80xi32, #tpu.memory_space<vmem>>, vector<16xi32>,
      %get3A_191 = arith.constant 32 : index
      %get3A_192 = tpu.vector_load %arg19[%get3A_191] {strides = array<i32>} : memref<80xi32, #tpu.memory_space<vmem>>, vector<16xi32>,
      %swap3A_193 = arith.constant 32 : index
      %swap3A_194 = tpu.vector_load %arg21[%swap3A_193] {strides = array<i32>} : memref<80xi32, #tpu.memory_space<vmem>>, vector<16xi32>,
      tpu.vector_store %arg21[%swap3A_193], %get3A_192 {strides = array<i32>} : memref<80xi32, #tpu.memory_space<vmem>>, vector<16xi32>,
      %get3A_195 = arith.constant 48 : index
      %get3A_196 = tpu.vector_load %arg19[%get3A_195] {strides = array<i32>} : memref<80xi32, #tpu.memory_space<vmem>>, vector<16xi32>,
      %swap3A_197 = arith.constant 48 : index
      %swap3A_198 = tpu.vector_load %arg21[%swap3A_197] {strides = array<i32>} : memref<80xi32, #tpu.memory_space<vmem>>, vector<16xi32>,
      tpu.vector_store %arg21[%swap3A_197], %get3A_196 {strides = array<i32>} : memref<80xi32, #tpu.memory_space<vmem>>, vector<16xi32>,
      %get3A_199 = arith.constant 64 : index
      %get3A_200 = tpu.vector_load %arg19[%get3A_199] {strides = array<i32>} : memref<80xi32, #tpu.memory_space<vmem>>, vector<16xi32>,
      %swap3A_201 = arith.constant 64 : index
      %swap3A_202 = tpu.vector_load %arg21[%swap3A_201] {strides = array<i32>} : memref<80xi32, #tpu.memory_space<vmem>>, vector<16xi32>,
      tpu.vector_store %arg21[%swap3A_201], %get3A_200 {strides = array<i32>} : memref<80xi32, #tpu.memory_space<vmem>>, vector<16xi32>,
      %dma_start3A_203 = arith.constant 0 : i32
      %dma_start3A_204 = arith.constant 0 : i32
      %dma_start3A_205 = tpu.memref_slice %arg11[%dma_start3A_203, %dma_start3A_204] : memref<10112x16xf32, #tpu.memory_space<vmem_shared>> -> memref<10112x16xf32, #tpu.memory_space<vmem_shared>>
      tpu.enqueue_indirect_dma source(%arg23 : memref<80x16xf32, #tpu.memory_space<vmem>>) target(%dma_start3A_205 : memref<10112x16xf32, #tpu.memory_space<vmem_shared>>) offsets(%arg21 : memref<80xi32, #tpu.memory_space<vmem>>) semaphore(%arg33 : memref<!tpu.dma_semaphore, #tpu.memory_space<semaphore_mem>>) {add = true}
      %dma_start3A_206 = arith.constant 0 : i32
      %dma_start3A_207 = arith.constant 0 : i32
      %dma_start3A_208 = tpu.memref_slice %arg10[%dma_start3A_206, %dma_start3A_207] : memref<10112x128xf32, #tpu.memory_space<vmem_shared>> -> memref<10112x128xf32, #tpu.memory_space<vmem_shared>>
      tpu.enqueue_indirect_dma source(%arg25 : memref<80x128xf32, #tpu.memory_space<vmem>>) target(%dma_start3A_208 : memref<10112x128xf32, #tpu.memory_space<vmem_shared>>) offsets(%arg21 : memref<80xi32, #tpu.memory_space<vmem>>) semaphore(%arg33 : memref<!tpu.dma_semaphore, #tpu.memory_space<semaphore_mem>>) {add = true}
      %dma_wait3A_209 = arith.constant 0 : i32
      %dma_wait3A_210 = arith.constant 0 : i32
      %dma_wait3A_211 = tpu.memref_slice %arg11[%dma_wait3A_209, %dma_wait3A_210] : memref<10112x16xf32, #tpu.memory_space<vmem_shared>> -> memref<10112x16xf32, #tpu.memory_space<vmem_shared>>
      tpu.wait_indirect_dma semaphore(%arg32 : memref<!tpu.dma_semaphore, #tpu.memory_space<semaphore_mem>>) src(%arg22 : memref<80x16xf32, #tpu.memory_space<vmem>>) dst(%dma_wait3A_211 : memref<10112x16xf32, #tpu.memory_space<vmem_shared>>)
      %dma_wait3A_212 = arith.constant 0 : i32
      %dma_wait3A_213 = arith.constant 0 : i32
      %dma_wait3A_214 = tpu.memref_slice %arg10[%dma_wait3A_212, %dma_wait3A_213] : memref<10112x128xf32, #tpu.memory_space<vmem_shared>> -> memref<10112x128xf32, #tpu.memory_space<vmem_shared>>
      tpu.wait_indirect_dma semaphore(%arg32 : memref<!tpu.dma_semaphore, #tpu.memory_space<semaphore_mem>>) src(%arg24 : memref<80x128xf32, #tpu.memory_space<vmem>>) dst(%dma_wait3A_214 : memref<10112x128xf32, #tpu.memory_space<vmem_shared>>)
      %dma_start3A_215 = arith.constant 0 : i32
      %dma_start3A_216 = arith.constant 0 : i32
      %dma_start3A_217 = tpu.memref_slice %arg2[%dma_start3A_215, %dma_start3A_216] : memref<10000x128xf32, #tpu.memory_space<hbm>> -> memref<10000x128xf32, #tpu.memory_space<hbm>>
      tpu.enqueue_indirect_dma source(%dma_start3A_217 : memref<10000x128xf32, #tpu.memory_space<hbm>>) target(%arg24 : memref<80x128xf32, #tpu.memory_space<vmem>>) offsets(%arg16 : memref<80xi32, #tpu.memory_space<vmem>>) semaphore(%arg26 : memref<!tpu.dma_semaphore, #tpu.memory_space<semaphore_mem>>)
      %dma_start3A_218 = arith.constant 0 : i32
      %dma_start3A_219 = arith.constant 0 : i32
      %dma_start3A_220 = tpu.memref_slice %arg3[%dma_start3A_218, %dma_start3A_219] : memref<10000x16xf32, #tpu.memory_space<hbm>> -> memref<10000x16xf32, #tpu.memory_space<hbm>>
      tpu.enqueue_indirect_dma source(%dma_start3A_220 : memref<10000x16xf32, #tpu.memory_space<hbm>>) target(%arg12 : memref<80x16xf32, #tpu.memory_space<vmem>>) offsets(%arg16 : memref<80xi32, #tpu.memory_space<vmem>>) semaphore(%arg28 : memref<!tpu.dma_semaphore, #tpu.memory_space<semaphore_mem>>)
      %dma_start3A_221 = arith.constant 0 : i32
      %dma_start3A_222 = arith.constant 0 : i32
      %dma_start3A_223 = tpu.memref_slice %arg3[%dma_start3A_221, %dma_start3A_222] : memref<10000x16xf32, #tpu.memory_space<hbm>> -> memref<10000x16xf32, #tpu.memory_space<hbm>>
      tpu.enqueue_indirect_dma source(%dma_start3A_223 : memref<10000x16xf32, #tpu.memory_space<hbm>>) target(%arg14 : memref<80x16xf32, #tpu.memory_space<vmem>>) offsets(%arg18 : memref<80xi32, #tpu.memory_space<vmem>>) semaphore(%arg28 : memref<!tpu.dma_semaphore, #tpu.memory_space<semaphore_mem>>)
      %add3A_224 = arith.constant 3 : i32
      %add3A_225 = arith.addi %mul3A_72, %add3A_224 : i32
      %mul3A_226 = arith.constant 80 : i32
      %mul3A_227 = arith.muli %add3A_225, %mul3A_226 : i32
      %add3A_228 = arith.addi %mul3A_9, %mul3A_227 : i32
      %min3A_229 = arith.constant 639920 : i32
      %min3A_230 = arith.minsi %add3A_228, %min3A_229 : i32
      %dma_start3A_231 = tpu.memref_slice %arg4[%min3A_230] : memref<640000xi32, #tpu.memory_space<hbm>> -> memref<80xi32, #tpu.memory_space<hbm>>
      %dma_start3A_232 = tpu.memref_slice %arg4[%min3A_230] : memref<640000xi32, #tpu.memory_space<hbm>> -> memref<80xi32, #tpu.memory_space<hbm>>
      tpu.enqueue_dma source(%dma_start3A_232 : memref<80xi32, #tpu.memory_space<hbm>>) target(%arg17 : memref<80xi32, #tpu.memory_space<vmem>>) target_semaphore(%arg31 : memref<!tpu.dma_semaphore, #tpu.memory_space<semaphore_mem>>)
      %dma_start3A_233 = tpu.memref_slice %arg5[%min3A_230] : memref<640000xi32, #tpu.memory_space<hbm>> -> memref<80xi32, #tpu.memory_space<hbm>>
      %dma_start3A_234 = tpu.memref_slice %arg5[%min3A_230] : memref<640000xi32, #tpu.memory_space<hbm>> -> memref<80xi32, #tpu.memory_space<hbm>>
      tpu.enqueue_dma source(%dma_start3A_234 : memref<80xi32, #tpu.memory_space<hbm>>) target(%arg19 : memref<80xi32, #tpu.memory_space<vmem>>) target_semaphore(%arg31 : memref<!tpu.dma_semaphore, #tpu.memory_space<semaphore_mem>>)
    }
    %scan3A_45 = arith.constant 125 : i32
    %dma_wait3A_46 = arith.constant 0 : i32
    %dma_wait3A_47 = arith.constant 0 : i32
    %dma_wait3A_48 = tpu.memref_slice %arg2[%dma_wait3A_46, %dma_wait3A_47] : memref<10000x128xf32, #tpu.memory_space<hbm>> -> memref<10000x128xf32, #tpu.memory_space<hbm>>
    tpu.wait_indirect_dma semaphore(%arg26 : memref<!tpu.dma_semaphore, #tpu.memory_space<semaphore_mem>>) src(%dma_wait3A_48 : memref<10000x128xf32, #tpu.memory_space<hbm>>) dst(%arg24 : memref<80x128xf32, #tpu.memory_space<vmem>>)
    %dma_wait3A_49 = arith.constant 0 : i32
    %dma_wait3A_50 = arith.constant 0 : i32
    %dma_wait3A_51 = tpu.memref_slice %arg3[%dma_wait3A_49, %dma_wait3A_50] : memref<10000x16xf32, #tpu.memory_space<hbm>> -> memref<10000x16xf32, #tpu.memory_space<hbm>>
    tpu.wait_indirect_dma semaphore(%arg28 : memref<!tpu.dma_semaphore, #tpu.memory_space<semaphore_mem>>) src(%dma_wait3A_51 : memref<10000x16xf32, #tpu.memory_space<hbm>>) dst(%arg12 : memref<80x16xf32, #tpu.memory_space<vmem>>)
    %dma_wait3A_52 = arith.constant 0 : i32
    %dma_wait3A_53 = arith.constant 0 : i32
    %dma_wait3A_54 = tpu.memref_slice %arg3[%dma_wait3A_52, %dma_wait3A_53] : memref<10000x16xf32, #tpu.memory_space<hbm>> -> memref<10000x16xf32, #tpu.memory_space<hbm>>
    tpu.wait_indirect_dma semaphore(%arg28 : memref<!tpu.dma_semaphore, #tpu.memory_space<semaphore_mem>>) src(%dma_wait3A_54 : memref<10000x16xf32, #tpu.memory_space<hbm>>) dst(%arg14 : memref<80x16xf32, #tpu.memory_space<vmem>>)
    %add3A_55 = arith.constant 20080 : i32
    %add3A_56 = arith.addi %mul3A_9, %add3A_55 : i32
    %min3A_57 = arith.constant 639920 : i32
    %min3A_58 = arith.minsi %add3A_56, %min3A_57 : i32
    %dma_wait3A_59 = tpu.memref_slice %arg4[%min3A_58] : memref<640000xi32, #tpu.memory_space<hbm>> -> memref<80xi32, #tpu.memory_space<hbm>>
    %dma_wait3A_60 = tpu.memref_slice %arg4[%min3A_58] : memref<640000xi32, #tpu.memory_space<hbm>> -> memref<80xi32, #tpu.memory_space<hbm>>
    tpu.wait_dma2 semaphore(%arg31 : memref<!tpu.dma_semaphore, #tpu.memory_space<semaphore_mem>>) src(%dma_wait3A_60 : memref<80xi32, #tpu.memory_space<hbm>>) dst(%arg17 : memref<80xi32, #tpu.memory_space<vmem>>)
    %dma_wait3A_61 = tpu.memref_slice %arg5[%min3A_58] : memref<640000xi32, #tpu.memory_space<hbm>> -> memref<80xi32, #tpu.memory_space<hbm>>
    %dma_wait3A_62 = tpu.memref_slice %arg5[%min3A_58] : memref<640000xi32, #tpu.memory_space<hbm>> -> memref<80xi32, #tpu.memory_space<hbm>>
    tpu.wait_dma2 semaphore(%arg31 : memref<!tpu.dma_semaphore, #tpu.memory_space<semaphore_mem>>) src(%dma_wait3A_62 : memref<80xi32, #tpu.memory_space<hbm>>) dst(%arg19 : memref<80xi32, #tpu.memory_space<vmem>>)
    %dma_wait3A_63 = arith.constant 0 : i32
    %dma_wait3A_64 = arith.constant 0 : i32
    %dma_wait3A_65 = tpu.memref_slice %arg11[%dma_wait3A_63, %dma_wait3A_64] : memref<10112x16xf32, #tpu.memory_space<vmem_shared>> -> memref<10112x16xf32, #tpu.memory_space<vmem_shared>>
    tpu.wait_indirect_dma semaphore(%arg33 : memref<!tpu.dma_semaphore, #tpu.memory_space<semaphore_mem>>) src(%arg23 : memref<80x16xf32, #tpu.memory_space<vmem>>) dst(%dma_wait3A_65 : memref<10112x16xf32, #tpu.memory_space<vmem_shared>>)
    %dma_wait3A_66 = arith.constant 0 : i32
    %dma_wait3A_67 = arith.constant 0 : i32
    %dma_wait3A_68 = tpu.memref_slice %arg10[%dma_wait3A_66, %dma_wait3A_67] : memref<10112x128xf32, #tpu.memory_space<vmem_shared>> -> memref<10112x128xf32, #tpu.memory_space<vmem_shared>>
    tpu.wait_indirect_dma semaphore(%arg33 : memref<!tpu.dma_semaphore, #tpu.memory_space<semaphore_mem>>) src(%arg25 : memref<80x128xf32, #tpu.memory_space<vmem>>) dst(%dma_wait3A_68 : memref<10112x128xf32, #tpu.memory_space<vmem_shared>>)
    %barrier3A_69 = arith.constant 0 : index
    tpu.barrier barrier_id(%barrier3A_69)
    "tpu.region"() ({
      %run_scoped3A = tpu.sem_alloc : memref<!tpu.dma_semaphore, #tpu.memory_space<semaphore_mem>>
      %dma_start3A_70 = arith.constant 0 : i32
      %dma_start3A_71 = tpu.memref_slice %arg8[%arg0, %mul3A_0, %dma_start3A_70] : memref<2x10112x128xf32, #tpu.memory_space<hbm>> -> memref<1x632x128xf32, #tpu.memory_space<hbm>>
      %dma_start3A_72 = tpu.memref_squeeze %dma_start3A_71 : memref<1x632x128xf32, #tpu.memory_space<hbm>> -> memref<632x128xf32, #tpu.memory_space<hbm>>
      %dma_start3A_73 = arith.constant 0 : i32
      %dma_start3A_74 = tpu.memref_slice %arg10[%mul3A_0, %dma_start3A_73] : memref<10112x128xf32, #tpu.memory_space<vmem_shared>> -> memref<632x128xf32, #tpu.memory_space<vmem_shared>>
      tpu.enqueue_dma source(%dma_start3A_74 : memref<632x128xf32, #tpu.memory_space<vmem_shared>>) target(%dma_start3A_72 : memref<632x128xf32, #tpu.memory_space<hbm>>) target_semaphore(%run_scoped3A : memref<!tpu.dma_semaphore, #tpu.memory_space<semaphore_mem>>)
      %dma_wait3A_75 = arith.constant 0 : i32
      %dma_wait3A_76 = tpu.memref_slice %arg8[%arg0, %mul3A_0, %dma_wait3A_75] : memref<2x10112x128xf32, #tpu.memory_space<hbm>> -> memref<1x632x128xf32, #tpu.memory_space<hbm>>
      %dma_wait3A_77 = tpu.memref_squeeze %dma_wait3A_76 : memref<1x632x128xf32, #tpu.memory_space<hbm>> -> memref<632x128xf32, #tpu.memory_space<hbm>>
      %dma_wait3A_78 = arith.constant 0 : i32
      %dma_wait3A_79 = tpu.memref_slice %arg10[%mul3A_0, %dma_wait3A_78] : memref<10112x128xf32, #tpu.memory_space<vmem_shared>> -> memref<632x128xf32, #tpu.memory_space<vmem_shared>>
      tpu.wait_dma2 semaphore(%run_scoped3A : memref<!tpu.dma_semaphore, #tpu.memory_space<semaphore_mem>>) src(%dma_wait3A_79 : memref<632x128xf32, #tpu.memory_space<vmem_shared>>) dst(%dma_wait3A_77 : memref<632x128xf32, #tpu.memory_space<hbm>>)
      tpu.yield
    }) : () -> ()
    "tpu.region"() ({
      %run_scoped3A = tpu.sem_alloc : memref<!tpu.dma_semaphore, #tpu.memory_space<semaphore_mem>>
      %dma_start3A_70 = arith.constant 0 : i32
      %dma_start3A_71 = tpu.memref_slice %arg9[%arg0, %mul3A_0, %dma_start3A_70] : memref<2x10112x16xf32, #tpu.memory_space<hbm>> -> memref<1x632x16xf32, #tpu.memory_space<hbm>>
      %dma_start3A_72 = tpu.memref_squeeze %dma_start3A_71 : memref<1x632x16xf32, #tpu.memory_space<hbm>> -> memref<632x16xf32, #tpu.memory_space<hbm>>
      %dma_start3A_73 = arith.constant 0 : i32
      %dma_start3A_74 = tpu.memref_slice %arg11[%mul3A_0, %dma_start3A_73] : memref<10112x16xf32, #tpu.memory_space<vmem_shared>> -> memref<632x16xf32, #tpu.memory_space<vmem_shared>>
      tpu.enqueue_dma source(%dma_start3A_74 : memref<632x16xf32, #tpu.memory_space<vmem_shared>>) target(%dma_start3A_72 : memref<632x16xf32, #tpu.memory_space<hbm>>) target_semaphore(%run_scoped3A : memref<!tpu.dma_semaphore, #tpu.memory_space<semaphore_mem>>)
      %dma_wait3A_75 = arith.constant 0 : i32
      %dma_wait3A_76 = tpu.memref_slice %arg9[%arg0, %mul3A_0, %dma_wait3A_75] : memref<2x10112x16xf32, #tpu.memory_space<hbm>> -> memref<1x632x16xf32, #tpu.memory_space<hbm>>
      %dma_wait3A_77 = tpu.memref_squeeze %dma_wait3A_76 : memref<1x632x16xf32, #tpu.memory_space<hbm>> -> memref<632x16xf32, #tpu.memory_space<hbm>>
      %dma_wait3A_78 = arith.constant 0 : i32
      %dma_wait3A_79 = tpu.memref_slice %arg11[%mul3A_0, %dma_wait3A_78] : memref<10112x16xf32, #tpu.memory_space<vmem_shared>> -> memref<632x16xf32, #tpu.memory_space<vmem_shared>>
      tpu.wait_dma2 semaphore(%run_scoped3A : memref<!tpu.dma_semaphore, #tpu.memory_space<semaphore_mem>>) src(%dma_wait3A_79 : memref<632x16xf32, #tpu.memory_space<vmem_shared>>) dst(%dma_wait3A_77 : memref<632x16xf32, #tpu.memory_space<hbm>>)
      tpu.yield
    }) : () -> ()
    return
  }
}

module attributes {stable_mosaic.version = 14 : i64} {
  func.func @_proj_body(%arg0: i32, %arg1: memref<2000x128xf32, #tpu.memory_space<vmem>>, %arg2: memref<128x128xf32, #tpu.memory_space<vmem>>, %arg3: memref<128x16xf32, #tpu.memory_space<vmem>>, %arg4: memref<2000x128xf32, #tpu.memory_space<vmem>>, %arg5: memref<2000x16xf32, #tpu.memory_space<vmem>>) attributes {dimension_semantics = [#tpu.dimension_semantics<arbitrary>], iteration_bounds = array<i64: 5>, scalar_prefetch = 0 : i64, scratch_operands = 0 : i64, tpu.core_type = #tpu.core_type<tc>, window_params = [{transform_indices = @transform_0, window_bounds = array<i64: 2000, 128>}, {pipeline_mode = #tpu.pipeline_mode<synchronous>, transform_indices = @transform_1, window_bounds = array<i64: 128, 128>}, {pipeline_mode = #tpu.pipeline_mode<synchronous>, transform_indices = @transform_2, window_bounds = array<i64: 128, 16>}, {transform_indices = @transform_3, window_bounds = array<i64: 2000, 128>}, {transform_indices = @transform_4, window_bounds = array<i64: 2000, 16>}]} {
    %get3A = arith.constant 0 : index
    %get3A_0 = arith.constant 0 : index
    %get3A_1 = vector.load %arg1[%get3A, %get3A_0] : memref<2000x128xf32, #tpu.memory_space<vmem>>, vector<2000x128xf32>
    %get3A_2 = arith.constant 0 : index
    %get3A_3 = arith.constant 0 : index
    %get3A_4 = vector.load %arg2[%get3A_2, %get3A_3] : memref<128x128xf32, #tpu.memory_space<vmem>>, vector<128x128xf32>
    %dot_general3A = arith.constant dense<0.000000e+00> : vector<2000x128xf32>
    %dot_general3A_5 = tpu.matmul %get3A_1, %get3A_4, %dot_general3A {dimension_numbers = #tpu.dot_dimension_numbers<[1], [0], [0], [1], [0, 0, 1, 1], [], []>, transpose_lhs_hint = false} : vector<2000x128xf32>, vector<128x128xf32>, vector<2000x128xf32> -> vector<2000x128xf32>
    %swap3A = arith.constant 0 : index
    %swap3A_6 = arith.constant 0 : index
    %swap3A_7 = vector.load %arg4[%swap3A, %swap3A_6] : memref<2000x128xf32, #tpu.memory_space<vmem>>, vector<2000x128xf32>
    tpu.vector_store %arg4[%swap3A, %swap3A_6], %dot_general3A_5 {strides = array<i32>} : memref<2000x128xf32, #tpu.memory_space<vmem>>, vector<2000x128xf32>,
    %get3A_8 = arith.constant 0 : index
    %get3A_9 = arith.constant 0 : index
    %get3A_10 = vector.load %arg3[%get3A_8, %get3A_9] : memref<128x16xf32, #tpu.memory_space<vmem>>, vector<128x16xf32>
    %dot_general3A_11 = arith.constant dense<0.000000e+00> : vector<2000x16xf32>
    %dot_general3A_12 = tpu.matmul %dot_general3A_5, %get3A_10, %dot_general3A_11 {dimension_numbers = #tpu.dot_dimension_numbers<[1], [0], [0], [1], [0, 0, 1, 1], [], []>, transpose_lhs_hint = false} : vector<2000x128xf32>, vector<128x16xf32>, vector<2000x16xf32> -> vector<2000x16xf32>
    %swap3A_13 = arith.constant 0 : index
    %swap3A_14 = arith.constant 0 : index
    %swap3A_15 = vector.load %arg5[%swap3A_13, %swap3A_14] : memref<2000x16xf32, #tpu.memory_space<vmem>>, vector<2000x16xf32>
    tpu.vector_store %arg5[%swap3A_13, %swap3A_14], %dot_general3A_12 {strides = array<i32>} : memref<2000x16xf32, #tpu.memory_space<vmem>>, vector<2000x16xf32>,
    return
  }
  func.func @transform_0(%arg0: i32) -> (i32, i32) {
    %c0_i32 = arith.constant 0 : i32
    %c0_i32_0 = arith.constant 0 : i32
    return %arg0, %c0_i32 : i32, i32
  }
  func.func @transform_1(%arg0: i32) -> (i32, i32) {
    %c0_i32 = arith.constant 0 : i32
    %c0_i32_0 = arith.constant 0 : i32
    %c0_i32_1 = arith.constant 0 : i32
    return %c0_i32, %c0_i32_0 : i32, i32
  }
  func.func @transform_2(%arg0: i32) -> (i32, i32) {
    %c0_i32 = arith.constant 0 : i32
    %c0_i32_0 = arith.constant 0 : i32
    %c0_i32_1 = arith.constant 0 : i32
    return %c0_i32, %c0_i32_0 : i32, i32
  }
  func.func @transform_3(%arg0: i32) -> (i32, i32) {
    %c0_i32 = arith.constant 0 : i32
    %c0_i32_0 = arith.constant 0 : i32
    return %arg0, %c0_i32 : i32, i32
  }
  func.func @transform_4(%arg0: i32) -> (i32, i32) {
    %c0_i32 = arith.constant 0 : i32
    %c0_i32_0 = arith.constant 0 : i32
    return %arg0, %c0_i32 : i32, i32
  }
}

module attributes {stable_mosaic.version = 14 : i64} {
  func.func @_fin_body(%arg0: i32, %arg1: memref<1264x128xf32, #tpu.memory_space<vmem>>, %arg2: memref<1264x128xf32, #tpu.memory_space<vmem>>, %arg3: memref<1264x16xf32, #tpu.memory_space<vmem>>, %arg4: memref<1264x16xf32, #tpu.memory_space<vmem>>, %arg5: memref<16x128xf32, #tpu.memory_space<vmem>>, %arg6: memref<1x128xf32, #tpu.memory_space<vmem>>, %arg7: memref<1264x128xf32, #tpu.memory_space<vmem>>) attributes {dimension_semantics = [#tpu.dimension_semantics<arbitrary>], iteration_bounds = array<i64: 8>, scalar_prefetch = 0 : i64, scratch_operands = 0 : i64, tpu.core_type = #tpu.core_type<tc>, window_params = [{transform_indices = @transform_0, window_bounds = array<i64: 1264, 128>}, {transform_indices = @transform_1, window_bounds = array<i64: 1264, 128>}, {transform_indices = @transform_2, window_bounds = array<i64: 1264, 16>}, {transform_indices = @transform_3, window_bounds = array<i64: 1264, 16>}, {pipeline_mode = #tpu.pipeline_mode<synchronous>, transform_indices = @transform_4, window_bounds = array<i64: 16, 128>}, {pipeline_mode = #tpu.pipeline_mode<synchronous>, transform_indices = @transform_5, window_bounds = array<i64: 1, 128>}, {transform_indices = @transform_6, window_bounds = array<i64: 1264, 128>}]} {
    %get3A = arith.constant 0 : index
    %get3A_0 = arith.constant 0 : index
    %get3A_1 = vector.load %arg3[%get3A, %get3A_0] : memref<1264x16xf32, #tpu.memory_space<vmem>>, vector<1264x16xf32>
    %get3A_2 = arith.constant 0 : index
    %get3A_3 = arith.constant 0 : index
    %get3A_4 = vector.load %arg4[%get3A_2, %get3A_3] : memref<1264x16xf32, #tpu.memory_space<vmem>>, vector<1264x16xf32>
    %add3A = arith.addf %get3A_1, %get3A_4 : vector<1264x16xf32>
    %add3A_5 = arith.constant 1.000000e-16 : f32
    %add3A_6 = vector.broadcast %add3A_5 : f32 to vector<1264x16xf32>
    %add3A_7 = arith.addf %add3A, %add3A_6 : vector<1264x16xf32>
    %div3A = arith.constant 1.000000e+00 : f32
    %div3A_8 = vector.broadcast %div3A : f32 to vector<1264x16xf32>
    %div3A_9 = arith.divf %div3A_8, %add3A_7 : vector<1264x16xf32>
    %get3A_10 = arith.constant 0 : index
    %get3A_11 = arith.constant 0 : index
    %get3A_12 = vector.load %arg5[%get3A_10, %get3A_11] : memref<16x128xf32, #tpu.memory_space<vmem>>, vector<16x128xf32>
    %dot_general3A = arith.constant dense<0.000000e+00> : vector<1264x128xf32>
    %dot_general3A_13 = tpu.matmul %div3A_9, %get3A_12, %dot_general3A {dimension_numbers = #tpu.dot_dimension_numbers<[1], [0], [0], [1], [0, 0, 1, 1], [], []>, transpose_lhs_hint = false} : vector<1264x16xf32>, vector<16x128xf32>, vector<1264x128xf32> -> vector<1264x128xf32>
    %get3A_14 = arith.constant 0 : index
    %get3A_15 = arith.constant 0 : index
    %get3A_16 = vector.load %arg1[%get3A_14, %get3A_15] : memref<1264x128xf32, #tpu.memory_space<vmem>>, vector<1264x128xf32>
    %get3A_17 = arith.constant 0 : index
    %get3A_18 = arith.constant 0 : index
    %get3A_19 = vector.load %arg2[%get3A_17, %get3A_18] : memref<1264x128xf32, #tpu.memory_space<vmem>>, vector<1264x128xf32>
    %add3A_20 = arith.addf %get3A_16, %get3A_19 : vector<1264x128xf32>
    %mul3A = arith.mulf %add3A_20, %dot_general3A_13 : vector<1264x128xf32>
    %get3A_21 = arith.constant 0 : index
    %get3A_22 = arith.constant 0 : index
    %get3A_23 = vector.load %arg6[%get3A_21, %get3A_22] : memref<1x128xf32, #tpu.memory_space<vmem>>, vector<1x128xf32>
    %add3A_24 = vector.broadcast %get3A_23 : vector<1x128xf32> to vector<1264x128xf32>
    %add3A_25 = arith.addf %mul3A, %add3A_24 : vector<1264x128xf32>
    %max3A = arith.constant 0.000000e+00 : f32
    %max3A_26 = vector.broadcast %max3A : f32 to vector<1264x128xf32>
    %max3A_27 = arith.maximumf %add3A_25, %max3A_26 : vector<1264x128xf32>
    %swap3A = arith.constant 0 : index
    %swap3A_28 = arith.constant 0 : index
    %swap3A_29 = vector.load %arg7[%swap3A, %swap3A_28] : memref<1264x128xf32, #tpu.memory_space<vmem>>, vector<1264x128xf32>
    tpu.vector_store %arg7[%swap3A, %swap3A_28], %max3A_27 {strides = array<i32>} : memref<1264x128xf32, #tpu.memory_space<vmem>>, vector<1264x128xf32>,
    return
  }
  func.func @transform_0(%arg0: i32) -> (i32, i32) {
    %c0_i32 = arith.constant 0 : i32
    %c0_i32_0 = arith.constant 0 : i32
    return %arg0, %c0_i32 : i32, i32
  }
  func.func @transform_1(%arg0: i32) -> (i32, i32) {
    %c0_i32 = arith.constant 0 : i32
    %c0_i32_0 = arith.constant 0 : i32
    return %arg0, %c0_i32 : i32, i32
  }
  func.func @transform_2(%arg0: i32) -> (i32, i32) {
    %c0_i32 = arith.constant 0 : i32
    %c0_i32_0 = arith.constant 0 : i32
    return %arg0, %c0_i32 : i32, i32
  }
  func.func @transform_3(%arg0: i32) -> (i32, i32) {
    %c0_i32 = arith.constant 0 : i32
    %c0_i32_0 = arith.constant 0 : i32
    return %arg0, %c0_i32 : i32, i32
  }
  func.func @transform_4(%arg0: i32) -> (i32, i32) {
    %c0_i32 = arith.constant 0 : i32
    %c0_i32_0 = arith.constant 0 : i32
    %c0_i32_1 = arith.constant 0 : i32
    return %c0_i32, %c0_i32_0 : i32, i32
  }
  func.func @transform_5(%arg0: i32) -> (i32, i32) {
    %c0_i32 = arith.constant 0 : i32
    %c0_i32_0 = arith.constant 0 : i32
    %c0_i32_1 = arith.constant 0 : i32
    return %c0_i32, %c0_i32_0 : i32, i32
  }
  func.func @transform_6(%arg0: i32) -> (i32, i32) {
    %c0_i32 = arith.constant 0 : i32
    %c0_i32_0 = arith.constant 0 : i32
    return %arg0, %c0_i32 : i32, i32
  }
}

</mosaic_0001>

<sc_bundles>
// kernel: kernel.5.cloned.1.call-start
scs
__scs_entry_jumppad:
0x0: {  	(pc) =	sbr.rel $0x88, $3  }
0x1: {  	(tag) =	ssettag $0x0;
	lr =	simm.s32 $0x1  }
0x2: {  	[smem:$0x3F9B] =	sst lr;
	_ =	strace $0xD0000000  }
0x3: {  	_ = 	snop  }
0x4: {  	_ = 	snop  }
0x5: {  	_ = 	snop  }
0x6: {  	_ = 	snop  }
0x7: {  	_ = 	snop  }
__scs_overlays_trampoline_lowered:
0x8: {  	[smem:$0x3FAA] =	sst s0  }
0x9: {  	[smem:$0x3FAB] =	sst s1  }
0xa: {  	[smem:$0x3FAC] =	sst s2  }
0xb: {  	[smem:$0x3FAD] =	sst s3  }
0xc: {  	[smem:$0x3FAE] =	sst s4  }
0xd: {  	[smem:$0x3FAF] =	sst s5  }
0xe: {  	[smem:$0x3FB0] =	sst s6  }
0xf: {  	[smem:$0x3FB1] =	sst s7  }
0x10: {  	[smem:$0x3FB2] =	sst s8  }
0x11: {  	[smem:$0x3FB3] =	sst s9;
	s0 =	simm.s32 @!p0 $0x0  }
0x12: {  	s1 =	sld [smem:$0x3F99];
	s0 =	simm.s32 @p0 $0x1  }
0x13: {  	[smem:$0x3FB4] =	sst s0;
	s0 =	simm.s32 @!p1 $0x0  }
0x14: {  	s2 =	sld [smem:$0x3F98];
	s0 =	simm.s32 @p1 $0x1  }
0x15: {  	[smem:$0x3FB5] =	sst s0;
	s0 =	simm.s32 @!p2 $0x0  }
0x16: {  	s3 =	sld [smem:$0x3FDB];
	s0 =	simm.s32 @p2 $0x1  }
0x17: {  	s4 =	simm.s32 $0x1BF5;
	[smem:$0x3FB7] =	sst s0  }
0x18: {  	s0 =	sld [smem:$0x3F9A];
	_ =	swait.ge [sflag:s4], $0x0  }
0x19: {  	s7 =	sld [smem:$0x3F9B]  }
0x1a: {  	s8 =	sadd.s32 $0xFFFFE003, lr  }
0x1b: {  	s9 =	sadd.s32 $0xFFFFFEF7, lr;
	s5 =	simm.s32 $0xFFFFFFFF;
	p2 =	slt.u32 s8, $0xFFFFF086  }
0x1c: {  	p1 =	slt.u32 s9, $0xF7A;
	s5 =	simm.s32 @!p2 $0x0  }
0x1d: {  	s5 =	simm.s32 @p1 $0x1;
	p0 =	seq.s32 s7, s2  }
0x1e: {  	s7 =	smul.u32 @!p0 $0xF7A, s2;
	p2 =	seq.s32 @!p0 s5, $0x0  }
0x1f: {  	s9 =	smul.u32 $0xF7A, s1;
	s8 =	simm.s32 @!p0 $0x1BF5;
	p2 =	por !p2, p0  }
0x20: {  	[sflag:s8] =	ssyncset.s32 @!p0 $0xFFFFF086;
	s6 =	sadd.s32 @!p0 s3, s7;
	s7 =	simm.s32 @!p0 $0x108  }
0x21: {  	s3 =	sadd.s32 s3, s9;
	s6 =	sadd.s32 @!p0 $0x88, s6;
	s7 =	simm.s32 @p2 $0x1082  }
0x22: {  	[simem:s7], [sflag:s8] =	dma.local @!p0 [hbm:s6], $0xF7A  }
0x23: {  	s9 =	sor.u32 $0xD0000000, s2;
	s6 =	simm.s32 $0x108;
	_ =	swait.ge @!p0 [sflag:s8], $0x0  }
0x24: {  	s3 =	sadd.s32 $0x88, s3;
	s6 =	simm.s32 @!p1 $0x1082;
	[sflag:s4] =	ssyncset.s32 $0xFFFFF086  }
0x25: {  	[simem:s6], [sflag:s4] =	dma.local [hbm:s3], $0xF7A  }
0x26: {  	[smem:$0x3F9B] =	sst s1;
	(tag) =	ssettag s2;
	_ =	strace s9  }
0x27: {  	s1 =	sld [smem:$0x3FAB]  }
0x28: {  	s2 =	sld [smem:$0x3FAC]  }
0x29: {  	s4 =	sld [smem:$0x3FAE]  }
0x2a: {  	p0 =	seq.s32 s5, $0x0;
	s5 =	sld [smem:$0x3FAF]  }
0x2b: {  	s6 =	sld [smem:$0x3FB0]  }
0x2c: {  	s7 =	sld [smem:$0x3FB1]  }
0x2d: {  	s3 =	simm.s32 $0x108;
	s8 =	sld [smem:$0x3FB2]  }
0x2e: {  	s3 =	simm.s32 @!p0 $0x1082;
	s9 =	sld [smem:$0x3FB3]  }
0x2f: {  	lr =	sadd.s32 s0, s3;
	s0 =	sld [smem:$0x3FAA]  }
0x30: {  	s3 =	sld [smem:$0x3FAD]  }
0x31: {  	[smem:$0x3FB6] =	sst s10  }
0x32: {  	s10 =	sld [smem:$0x3FB4];
	_ =	sdelay $0x3  }
0x33: {  	p0 =	seq.s32 s10, $0x1;
	s10 =	sld [smem:$0x3FB6];
	_ =	sdelay $0x3  }
0x34: {  	[smem:$0x3FB6] =	sst s10  }
0x35: {  	s10 =	sld [smem:$0x3FB5];
	_ =	sdelay $0x3  }
0x36: {  	p1 =	seq.s32 s10, $0x1;
	s10 =	sld [smem:$0x3FB6];
	_ =	sdelay $0x3  }
0x37: {  	[smem:$0x3FB6] =	sst s10  }
0x38: {  	s10 =	sld [smem:$0x3FB7]  }
0x39: {  	_ = 	snop;
	(pc) =	sbr.ind lr, $3  }
0x3a: {  	_ = 	snop  }
0x3b: {  	_ = 	snop  }
0x3c: {  	p2 =	seq.s32 s10, $0x1;
	s10 =	sld [smem:$0x3FB6]  }
0x3d: {  	_ =	shalt  }
0x3e: {  	_ =	shalt  }
0x3f: {  	_ =	shalt  }
0x40: {  	_ =	shalt  }
0x41: {  	_ =	shalt  }
0x42: {  	_ =	shalt  }
0x43: {  	_ =	shalt  }
0x44: {  	_ =	shalt  }
0x45: {  	_ =	shalt  }
0x46: {  	_ =	shalt  }
0x47: {  	_ =	shalt  }
0x48: {  	_ =	shalt  }
0x49: {  	_ =	shalt  }
0x4a: {  	_ =	shalt  }
0x4b: {  	_ =	shalt  }
0x4c: {  	_ =	shalt  }
0x4d: {  	_ =	shalt  }
0x4e: {  	_ =	shalt  }
0x4f: {  	_ =	shalt  }
0x50: {  	_ =	shalt  }
0x51: {  	_ =	shalt  }
0x52: {  	_ =	shalt  }
0x53: {  	_ =	shalt  }
0x54: {  	_ =	shalt  }
0x55: {  	_ =	shalt  }
0x56: {  	_ =	shalt  }
0x57: {  	_ =	shalt  }
0x58: {  	_ =	shalt  }
0x59: {  	_ =	shalt  }
0x5a: {  	_ =	shalt  }
0x5b: {  	_ =	shalt  }
0x5c: {  	_ =	shalt  }
0x5d: {  	_ =	shalt  }
0x5e: {  	_ =	shalt  }
0x5f: {  	_ =	shalt  }
0x60: {  	_ =	shalt  }
0x61: {  	_ =	shalt  }
0x62: {  	_ =	shalt  }
0x63: {  	_ =	shalt  }
0x64: {  	_ =	shalt  }
0x65: {  	_ =	shalt  }
0x66: {  	_ =	shalt  }
0x67: {  	_ =	shalt  }
0x68: {  	_ =	shalt  }
0x69: {  	_ =	shalt  }
0x6a: {  	_ =	shalt  }
0x6b: {  	_ =	shalt  }
0x6c: {  	_ =	shalt  }
0x6d: {  	_ =	shalt  }
0x6e: {  	_ =	shalt  }
0x6f: {  	_ =	shalt  }
0x70: {  	_ =	shalt  }
0x71: {  	_ =	shalt  }
0x72: {  	_ =	shalt  }
0x73: {  	_ =	shalt  }
0x74: {  	_ =	shalt  }
0x75: {  	_ =	shalt  }
0x76: {  	_ =	shalt  }
0x77: {  	_ =	shalt  }
0x78: {  	_ =	shalt  }
0x79: {  	_ =	shalt  }
0x7a: {  	_ =	shalt  }
0x7b: {  	_ =	shalt  }
0x7c: {  	_ =	shalt  }
0x7d: {  	_ =	shalt  }
0x7e: {  	_ =	shalt  }
0x7f: {  	_ =	shalt  }
0x80: {  	_ =	shalt  }
0x81: {  	_ =	shalt  }
0x82: {  	_ =	shalt  }
0x83: {  	_ =	shalt  }
0x84: {  	_ =	shalt  }
0x85: {  	_ =	shalt  }
0x86: {  	_ =	shalt  }
0x87: {  	_ =	shalt  }
.Lfunc_end0:
.L_simem_size_0:
called_computation_lowered:
.L_overlay_start_0:
0x88: {  	s2 =	sld [smem:$0x3FD9]  }
0x89: {  	s3 =	sld [smem:$0x3FFE];
	_ =	sdelay $0x1  }
0x8a: {  	s1 =	srdreg.scid  }
0x8b: {  	s0 =	sand.u32 $0x1, s1  }
0x8c: {  	s17 =	sshll.u32 s0, $0xA;
	s2 =	sadd.s32 s3, s2  }
0x8d: {  	s2 =	sadd.s32 s2, s17  }
0x8e: {  	[smem:$0x3FC2] =	sst s2  }
0x8f: {  	_ = 	snop  }
0x90: {  	s2 =	sld [smem:$0x3FD0];
	(tm) =	ssettm $0x1  }
0x91: {  	s18 =	sld [smem:$0x3FFB];
	_ =	sdelay $0x3  }
0x92: {  	_ =	strace s18  }
0x93: {  	s3 =	sld [smem:$0x3FFC];
	_ =	sdelay $0x3  }
0x94: {  	_ =	strace s3  }
0x95: {  	s3 =	sld [smem:$0x3FFD];
	_ =	sdelay $0x3  }
0x96: {  	_ =	strace s3  }
0x97: {  	_ =	strace $0x8FFFFFFF  }
0x98: {  	s19 =	sld [smem:$0x3FDB];
	_ =	sdelay $0x1  }
0x99: {  	s4 =	simm.s32 $_scs_section_size  }
0x9a: {  	s5 =	simm.s32 $_size__tile_overlayer_lowered;
	s6 =	simm.s32 $_tile_overlayer_lowered  }
0x9b: {  	s22 =	simm.s32 $0x1BFF;
	s21 =	sshll.u32 s6, $0x1;
	s3 =	sadd.s32 s4, s19  }
0x9c: {  	s7 =	simm.s32 $0x0;
	s20 =	sshll.u32 s5, $0x1;
	s5 =	sadd.s32 s21, s3  }
0x9d: {  	[timem:s7], [sflag:s22] =	dma.local [hbm:s5], s20  }
0x9e: {  	_ =	swait.ge [sflag:s22], s20  }
0x9f: {  	s4 =	ssub.s32 $0x0, s20;
	[sflag:s22] =	ssyncset.done $0x0  }
0xa0: {  	[sflag:s22] =	ssyncadd.s32 s4;
	_ =	sdelay $0x1  }
0xa1: {  	s23 =	simm.s32 $0x1B8B  }
0xa2: {  	_ =	swait.ge [sflag:s23], $0x1  }
0xa3: {  	[sflag:s23] =	ssyncset.done $0x0  }
0xa4: {  	s25 =	simm.s32 $0x1B8E;
	s24 =	sld [smem:$0x3FFE];
	[sflag:s23] =	ssyncadd.s32 $0xFFFFFFFF  }
0xa5: {  	s26 =	simm.s32 $execute0_lowered;
	[smem:$0x3FD2] =	sst s25  }
0xa6: {  	s5 =	sshll.u32 s26, $0x1;
	_ =	strace $0x80000046;
	[dreg:$0x1] =	wrdreg $0xFFFFFFFF  }
0xa7: {  	s28 =	simm.s32 $_size_execute0_lowered;
	s3 =	sadd.s32 s3, s5;
	[dreg:$0x0] =	wrdreg $0x0  }
0xa8: {  	s5 =	sshll.u32 s28, $0x1;
	[dreg:$0x2] =	wrdreg s3  }
0xa9: {  	[dreg:$0x3] =	wrdreg s5  }
0xaa: {  	[dreg:$0x4] =	wrdreg $0xC0  }
0xab: {  	_ =	task [dreg:s7], $0x5FFFF  }
0xac: {  	[dreg:$0x1] =	wrdreg $0xFFFFFFFF  }
0xad: {  	[dreg:$0x0] =	wrdreg $0x60  }
0xae: {  	[dreg:$0x2] =	wrdreg s2  }
0xaf: {  	[dreg:$0x3] =	wrdreg s24  }
0xb0: {  	[dreg:$0x4] =	wrdreg $0x0  }
0xb1: {  	[dreg:$0x5] =	wrdreg $0x13C000  }
0xb2: {  	[dreg:$0x6] =	wrdreg $0x9  }
0xb3: {  	_ =	task.clear_ibuf [dreg:s7], $0x7FFFF;
	_ =	strace $0x90000046  }
0xb4: {  	s29 =	simm.s32 $0x9;
	_ =	strace $0x80000048  }
0xb5: {  	_ =	swait.ge [sflag:s29], $0x1  }
0xb6: {  	[sflag:s29] =	ssyncadd.s32 $0xFFFFFFFF  }
0xb7: {  	_ =	strace $0x90000048  }
0xb8: {  	_ =	sfence  }
0xb9: {  	s30 =	sld [smem:$0x0];
	_ =	sdelay $0x2  }
0xba: {  	s31 =	sshll.u32 s1, $0xD;
	s1 =	sshrl.u32 s1, $0x2  }
0xbb: {  	s3 =	sand.u32 $0x4000, s31;
	s1 =	sadd.s32 s1, s30  }
0xbc: {  	s0 =	sor.u32 s3, s0;
	s1 =	sshll.u32 s1, $0x11  }
0xbd: {  	s0 =	sor.u32 s1, s0  }
0xbe: {  	s0 =	sadd.s32 $0x8F2B, s0  }
0xbf: {  	[sflag:s0] =	ssyncadd.remote.s32 $0x1  }
0xc0: {  	_ =	sfence.sel $0xFFFF  }
0xc1: {  	[dreg:$0x0] =	wrdreg $0xFFFFFFFF;
	(pc) =	sbr.abs _section_cstart, $3  }
0xc2: {  	[dreg:$0x1] =	wrdreg $0xFFFFFFFF  }
0xc3: {  	_ =	task.clear_ibuf [dreg:s7], $0x2FFFF;
	_ =	strace $0x9FFFFFFF  }
0xc4: {  	(tm) =	ssettm $0x7FFFFFFF  }
0xc5: {  	_ =	shalt  }
tec
execute0_lowered:
.L_overlay_start_1:
0x0: {  	(tag) =	ssettag $0x1  }
0x1: {  	s17 =	rddreg [dreg:$0x0]  }
0x2: {  	s0 =	rddreg [dreg:$0x1]  }
0x3: {  	s25 =	rddreg [dreg:$0x2]  }
0x4: {  	s14 =	rddreg [dreg:$0x3];
	s2 =	simm.s32 $0x0  }
0x5: {  	s13 =	stileid.u32;
	s1 =	srdreg.scid;
	s28 =	simm.s32 $0x50  }
0x6: {  	s30 =	simm.s32 $0x16380;
	s31 =	simm.s32 $0x16D80;
	[smem:$0x7FF] =	sst s2  }
0x7: {  	s29 =	smul.u32 $0x13C00, s13;
	s1 =	sand.u32 $0x1, s1;
	s6 =	sadd.s32 $0x1E00, s0  }
0x8: {  	s7 =	sadd.s32 $0x1A800, s0;
	s4 =	smul.u32 $0x2780, s13;
	s8 =	sadd.s32 $0x6E00, s0  }
0x9: {  	s15 =	sshll.u32 s13, $0x6;
	_ =	strace $0x80000047;
	s3 =	smul.u32 $0x13C000, s1  }
0xa: {  	s10 =	smul.u32 $0x27800, s1;
	s11 =	ssub.s32 $0x2, s1;
	s1 =	sshll.u32 s1, $0x4  }
0xb: {  	s5 =	sshrl.u32 s29, $0x3;
	s9 =	sshrl.u32 s4, $0x3;
	s12 =	sshrl.u32 s11, $0x1  }
0xc: {  	s1 =	sor.u32 s13, s1;
	s2 =	sadd.s32 s29, s25;
	s16 =	sadd.s32 s4, s14  }
0xd: {  	s13 =	simm.s32 $0x17280;
	s14 =	simm.s32 $0x1;
	s3 =	sadd.s32 s29, s3  }
0xe: {  	s5 =	sadd.s32 s5, s0;
	s9 =	sadd.s32 s9, s0;
	s10 =	sadd.s32 s4, s10  }
0xf: {  	s11 =	ssub.s32 s11, s12;
	s1 =	smul.u32 $0x4E20, s1;
	[dreg:$0x5] =	wrdreg s2  }
0x10: {  	[dreg:$0x8] =	wrdreg s16;
	s4 =	simm.s32 $0x177D0;
	s16 =	simm.s32 $0x17960  }
0x11: {  	s3 =	sshrl.u32 s3, $0x3;
	s10 =	sshrl.u32 s10, $0x3;
	s12 =	sadd.s32 $0x2E200, s5  }
0x12: {  	s5 =	sor.u32 $0x1C09, s15;
	s19 =	sadd.s32 $0x55A00, s9;
	s29 =	smax.u32 s11, $0x1  }
0x13: {  	s9 =	simm.s32 $0x6;
	s11 =	simm.s32 $0x1AB60;
	[dreg:$0x6] =	wrdreg s12  }
0x14: {  	s15 =	simm.s32 $0x3;
	s3 =	sadd.s32 s3, s0;
	[dreg:$0x9] =	wrdreg s19  }
0x15: {  	s0 =	sadd.s32 s10, s0;
	s18 =	sshrl.u32 s1, $0x3;
	[dreg:$0x12] =	wrdreg s29  }
0x16: {  	s24 =	sadd.s32 $0xA0, s1;
	s1 =	sadd.s32 $0xF0, s1;
	[dreg:$0x7] =	wrdreg s5  }
0x17: {  	s10 =	simm.s32 $0x17870;
	s12 =	simm.s32 $0x16880;
	[dreg:$0xe] =	wrdreg s24  }
0x18: {  	s20 =	sadd.s32 s7, s18;
	s21 =	sadd.s32 $0xA, s18;
	[dreg:$0xf] =	wrdreg s1  }
0x19: {  	s2 =	sadd.s32 s8, s18;
	s26 =	sadd.s32 $0x5AA00, s3;
	[dreg:$0xa] =	wrdreg s20  }
0x1a: {  	s0 =	sadd.s32 $0xA9A00, s0;
	s1 =	simm.s32 $0x9;
	[dreg:$0xb] =	wrdreg s2  }
0x1b: {  	s24 =	simm.s32 $0x17780;
	s22 =	sadd.s32 s7, s21;
	[dreg:$0x10] =	wrdreg s26  }
0x1c: {  	s23 =	sadd.s32 s8, s21;
	[dreg:$0x11] =	wrdreg s0;
	s26 =	simm.s32 $0x5  }
0x1d: {  	v1 =	vlaneseq.u32;
	s21 =	simm.s32 $0x4;
	s2 =	simm.s32 $0x0;
	[dreg:$0xc] =	wrdreg s22  }
0x1e: {  	v0 =	vimm.f32 $0.0e+00;
	v1 =	vmul.u32 $0x10, v1;
	[dreg:$0xd] =	wrdreg s23;
	s22 =	simm.s32 $0x17E60;
	s23 =	simm.s32 $0x7  }
.LBB2_1:
0x1f: {  	[dreg:$0x13] =	wrdreg s2  }
0x20: {  	s0 =	rddreg [dreg:$0x5]  }
0x21: {  	s18 =	rddreg [dreg:$0x6];
	s3 =	sshrl.u32 s0, $0x3  }
0x22: {  	[dreg:$0x14] =	wrdreg s3  }
0x23: {  	[spmem:s3], [sflag:s5] =	dma.local [hbm:s18], $0x2780  }
0x24: {  	_ =	swait.ge [sflag:s1], $0x2780  }
0x25: {  	s19 =	rddreg [dreg:$0x8]  }
0x26: {  	[sflag:s1] =	ssyncset.done $0x0;
	s29 =	rddreg [dreg:$0x9];
	s20 =	sshrl.u32 s19, $0x3  }
0x27: {  	[sflag:s1] =	ssyncadd.s32 $0xFFFFD880;
	[dreg:$0x15] =	wrdreg s20  }
0x28: {  	[spmem:s20], [sflag:s5] =	dma.local [hbm:s29], $0x4F0  }
0x29: {  	_ =	swait.ge [sflag:s1], $0x4F0  }
0x2a: {  	[sflag:s1] =	ssyncset.done $0x0  }
0x2b: {  	s2 =	simm.s32 $0x0;
	[sflag:s1] =	ssyncadd.s32 $0xFFFFFB10;
	s1 =	simm.s32 $0x40  }
.LBB2_2:
0x2c: {  	p0 =	sne.s32 s1, $0x13C0;
	[tilespmem:s2+$0x17960] =	vst v0;
	s3 =	smov.u32 s1;
	s1 =	sadd.s32 $0x40, s1  }
.Ltmp0:
0x2d: {  	[tilespmem:s2+$0x17E60] =	vst v0;
	(pc) =	sbr.rel @p0 .LBB2_2-.Ltmp0, $2  }
0x2e: {  	_ =	sdelay $0x2  }
0x2f: {  	s2 =	sshra.s32 s3, $0x2  }
0x30: {  	[tilespmem:s2+$0x17960] =	vst v0  }
0x31: {  	[tilespmem:s2+$0x17E60] =	vst v0  }
0x32: {  	[bflag:$0x0] =	sbarrier.arrive $0xFFFF  }
0x33: {  	s5 =	simm.s32 $0x0;
	s0 =	rddreg [dreg:$0xa]  }
0x34: {  	[tilespmem:s24], [sflag:$0x5] =	stream.linear.gather [hbm4b:s0+s5], $0x50, $0x38;
	[tilespmem:$0x1D360] =	vst v63  }
0x35: {  	s1 =	simm.s32 $0x17820;
	s18 =	rddreg [dreg:$0xb]  }
0x36: {  	[tilespmem:s1], [sflag:$0x5] =	stream.linear.gather [hbm4b:s18+s5], $0x50, $0x38;
	[tilespmem:$0x1D360] =	vst v63  }
0x37: {  	_ =	swait.ge [sflag:s26], $0x50  }
0x38: {  	[sflag:s26] =	ssyncset.done $0x0  }
0x39: {  	[sflag:s26] =	ssyncadd.s32 $0xFFFFFFB0  }
0x3a: {  	_ =	swait.ge [sflag:s26], $0x50  }
0x3b: {  	[sflag:s26] =	ssyncset.done $0x0  }
0x3c: {  	s19 =	simm.s32 $0x18360;
	[sflag:s26] =	ssyncadd.s32 $0xFFFFFFB0  }
0x3d: {  	[tilespmem:s19], [sflag:$0x1] =	stream.indirect.gather [hbm4b:s17+s28], $0x80, s24, s28, $0xb8;
	[tilespmem:$0x1D360] =	vst v63  }
0x3e: {  	_ = 	snop  }
0x3f: {  	[tilespmem:s30], [sflag:$0x3] =	stream.indirect.gather [hbm4b:s6+s28], $0x10, s24, s28, $0xb8;
	[tilespmem:$0x1D360] =	vst v63  }
0x40: {  	_ = 	snop  }
0x41: {  	[tilespmem:s31], [sflag:$0x3] =	stream.indirect.gather [hbm4b:s6+s28], $0x10, s1, s28, $0xb8;
	[tilespmem:$0x1D360] =	vst v63  }
0x42: {  	s20 =	rddreg [dreg:$0xc]  }
0x43: {  	[tilespmem:s4], [sflag:$0x6] =	stream.linear.gather [hbm4b:s20+s5], $0x50, $0x38;
	[tilespmem:$0x1D360] =	vst v63  }
0x44: {  	s3 =	simm.s32 $0x0;
	s29 =	rddreg [dreg:$0xd]  }
0x45: {  	[tilespmem:s10], [sflag:$0x6] =	stream.linear.gather [hbm4b:s29+s5], $0x50, $0x38;
	[tilespmem:$0x1D360] =	vst v63  }
.LBB2_4:
0x46: {  	_ =	swait.ge [sflag:s9], $0x50  }
0x47: {  	[sflag:s9] =	ssyncset.done $0x0  }
0x48: {  	[sflag:s9] =	ssyncadd.s32 $0xFFFFFFB0  }
0x49: {  	_ =	swait.ge [sflag:s9], $0x50  }
0x4a: {  	p0 =	seq.s32 s3, $0x0;
	[sflag:s9] =	ssyncset.done $0x0  }
0x4b: {  	s1 =	simm.s32 @!p0 $0x8;
	[sflag:s9] =	ssyncadd.s32 $0xFFFFFFB0  }
0x4c: {  	_ =	swait.ge @!p0 [sflag:s1], $0x500  }
0x4d: {  	[sflag:s1] =	ssyncset.done @!p0 $0x0  }
0x4e: {  	[sflag:s1] =	ssyncadd.s32 @!p0 $0xFFFFFB00  }
0x4f: {  	_ =	swait.ge @!p0 [sflag:s1], $0x2800  }
0x50: {  	[sflag:s1] =	ssyncset.done @!p0 $0x0  }
0x51: {  	[sflag:s1] =	ssyncadd.s32 @!p0 $0xFFFFD800  }
0x52: {  	[tilespmem:s11], [sflag:$0x2] =	stream.indirect.gather [hbm4b:s17+s28], $0x80, s4, s28, $0xb8;
	[tilespmem:$0x1D360] =	vst v63  }
0x53: {  	_ = 	snop  }
0x54: {  	[tilespmem:s12], [sflag:$0x4] =	stream.indirect.gather [hbm4b:s6+s28], $0x10, s4, s28, $0xb8;
	[tilespmem:$0x1D360] =	vst v63  }
0x55: {  	_ = 	snop  }
0x56: {  	[tilespmem:s13], [sflag:$0x4] =	stream.indirect.gather [hbm4b:s6+s28], $0x10, s10, s28, $0xb8;
	[tilespmem:$0x1D360] =	vst v63  }
0x57: {  	_ =	swait.ge [sflag:s14], $0x2800  }
0x58: {  	s0 =	simm.s32 $0x0;
	[sflag:s14] =	ssyncset.done $0x0  }
0x59: {  	v2 =	vmov s0;
	[sflag:s14] =	ssyncadd.s32 $0xFFFFD800  }
0x5a: {  	v2 =	vshll.u32 v2, $0x4;
	_ =	swait.ge [sflag:s15], $0x500  }
0x5b: {  	v3 =	vor.u32 v1, v2;
	[sflag:s15] =	ssyncset.done $0x0  }
0x5c: {  	v2 =	vor.u32 $0x8, v3;
	[sflag:s15] =	ssyncadd.s32 $0xFFFFFB00  }
0x5d: {  	_ =	swait.ge [sflag:s15], $0x500  }
0x5e: {  	[sflag:s15] =	ssyncset.done $0x0  }
0x5f: {  	[sflag:s15] =	ssyncadd.s32 $0xFFFFFB00  }
0x60: {  	v7 =	vor.u32 $0x9, v3;
	v6 =	vld.idx.msk [tilespmem:v3+s30+$0x0], $0xffff  }
0x61: {  	v9 =	vor.u32 $0xA, v3;
	v8 =	vld.idx.msk [tilespmem:v2+s31+$0x0], $0xffff  }
0x62: {  	v5 =	vor.u32 $0x1, v3  }
0x63: {  	v2 =	vor.u32 $0x2, v3  }
0x64: {  	v4 =	vor.u32 $0x3, v3  }
0x65: {  	v10 =	vor.u32 $0xB, v3;
	v7 =	vld.idx.msk [tilespmem:v7+s31+$0x0], $0xffff  }
0x66: {  	v58 =	vld.idx.msk [tilespmem:v9+s31+$0x0], $0xffff;
	v6 =	vadd.f32 v8, v6  }
0x67: {  	v12 =	vld.idx.msk [tilespmem:v5+s30+$0x0], $0xffff  }
0x68: {  	v59 =	vld.idx.msk [tilespmem:v2+s30+$0x0], $0xffff;
	v11 =	vmul.f32 $2.000000030e-01, v6  }
0x69: {  	v13 =	vld.idx.msk [tilespmem:v4+s30+$0x0], $0xffff  }
0x6a: {  	v10 =	vld.idx.msk [tilespmem:v10+s31+$0x0], $0xffff;
	v6 =	vmax.f32 v6, v11  }
0x6b: {  	v6 =	vmul.f32 $1.442695020e+00, v6;
	_ =	sdelay $0x1  }
0x6c: {  	(erf) = vpow2.f32 v6;
	v6 =	vadd.f32 v7, v12;
	v7 =	vadd.f32 v58, v59;
	_ =	sdelay $0x1  }
0x6d: {  	v61 =	vadd.f32 v10, v13;
	v60 =	vmul.f32 $2.000000030e-01, v6;
	v62 =	vmul.f32 $2.000000030e-01, v7;
	_ =	sdelay $0x1  }
0x6e: {  	v63 =	vmul.f32 $2.000000030e-01, v61;
	v6 =	vmax.f32 v6, v60;
	v7 =	vmax.f32 v7, v62  }
0x6f: {  	v6 =	vmul.f32 $1.442695020e+00, v6;
	v7 =	vmul.f32 $1.442695020e+00, v7  }
0x70: {  	v8 =	vmax.f32 v61, v63  }
0x71: {  	v8 =	vmul.f32 $1.442695020e+00, v8;
	(erf) = vpow2.f32 v6  }
0x72: {  	(erf) = vpow2.f32 v7  }
0x73: {  	v7 =	vpop (erf);
	(erf) = vpow2.f32 v8;
	_ =	sdelay $0x2  }
0x74: {  	s29 =	simm.s32 $0x10  }
0x75: {  	v6 =	vmov s29  }
0x76: {  	v6 =	vshll.u32 v6, $0x4  }
0x77: {  	s20 =	smov.u32 s17;
	s1 =	simm.s32 $0x20;
	[tilespmem:v3+s16+$0x0] =	vst.idx.msk $0xffff, v7;
	v3 =	vor.u32 v1, v6  }
.LBB2_5:
0x78: {  	p0 =	sne.s32 s1, $0x40;
	v6 =	vor.u32 $0x8, v3;
	v7 =	vpop (erf);
	s2 =	smov.u32 s1;
	s1 =	sadd.s32 $0x10, s1  }
0x79: {  	v8 =	vor.u32 $0x9, v3;
	[tilespmem:v5+s16+$0x0] =	vst.idx.msk $0xffff, v7;
	v5 =	vor.u32 $0x1, v3;
	v7 =	vpop (erf)  }
0x7a: {  	v9 =	vor.u32 $0xA, v3;
	[tilespmem:v2+s16+$0x0] =	vst.idx.msk $0xffff, v7;
	v2 =	vor.u32 $0x2, v3;
	v7 =	vpop (erf)  }
0x7b: {  	[tilespmem:v4+s16+$0x0] =	vst.idx.msk $0xffff, v7  }
0x7c: {  	v7 =	vld.idx.msk [tilespmem:v3+s30+$0x0], $0xffff  }
0x7d: {  	v10 =	vor.u32 $0xB, v3;
	v4 =	vor.u32 $0x3, v3;
	v6 =	vld.idx.msk [tilespmem:v6+s31+$0x0], $0xffff  }
0x7e: {  	v8 =	vld.idx.msk [tilespmem:v8+s31+$0x0], $0xffff  }
0x7f: {  	v9 =	vld.idx.msk [tilespmem:v9+s31+$0x0], $0xffff  }
0x80: {  	v11 =	vld.idx.msk [tilespmem:v2+s30+$0x0], $0xffff  }
0x81: {  	v12 =	vld.idx.msk [tilespmem:v5+s30+$0x0], $0xffff  }
0x82: {  	v13 =	vld.idx.msk [tilespmem:v4+s30+$0x0], $0xffff  }
0x83: {  	v6 =	vadd.f32 v6, v7;
	v7 =	vld.idx.msk [tilespmem:v10+s31+$0x0], $0xffff;
	_ =	sdelay $0x1  }
0x84: {  	v10 =	vmul.f32 $2.000000030e-01, v6  }
0x85: {  	v9 =	vadd.f32 v9, v11  }
0x86: {  	v6 =	vmax.f32 v6, v10;
	v8 =	vadd.f32 v8, v12  }
0x87: {  	v10 =	vmul.f32 $2.000000030e-01, v9;
	v6 =	vmul.f32 $1.442695020e+00, v6  }
0x88: {  	v11 =	vmul.f32 $2.000000030e-01, v8;
	v7 =	vadd.f32 v7, v13  }
0x89: {  	v9 =	vmax.f32 v9, v10;
	(erf) = vpow2.f32 v6  }
0x8a: {  	v6 =	vmax.f32 v8, v11;
	v8 =	vmul.f32 $2.000000030e-01, v7;
	v9 =	vmul.f32 $1.442695020e+00, v9  }
0x8b: {  	v6 =	vmul.f32 $1.442695020e+00, v6  }
0x8c: {  	v7 =	vmax.f32 v7, v8  }
0x8d: {  	v7 =	vmul.f32 $1.442695020e+00, v7;
	(erf) = vpow2.f32 v6  }
0x8e: {  	(erf) = vpow2.f32 v9  }
0x8f: {  	(erf) = vpow2.f32 v7;
	_ =	sdelay $0x1  }
.Ltmp1:
0x90: {  	(pc) =	sbr.rel @p0 .LBB2_5-.Ltmp1, $4  }
0x91: {  	v6 =	vpop (erf)  }
0x92: {  	v7 =	vmov s2;
	[tilespmem:v3+s16+$0x0] =	vst.idx.msk $0xffff, v6  }
0x93: {  	v3 =	vshll.u32 v7, $0x4  }
0x94: {  	v3 =	vor.u32 v1, v3  }
0x95: {  	_ =	sdelay $0x2  }
0x96: {  	v6 =	vor.u32 $0x8, v3;
	v7 =	vpop (erf)  }
0x97: {  	v8 =	vor.u32 $0x9, v3;
	[tilespmem:v5+s16+$0x0] =	vst.idx.msk $0xffff, v7;
	v5 =	vpop (erf)  }
0x98: {  	v9 =	vor.u32 $0x3, v3;
	[tilespmem:v2+s16+$0x0] =	vst.idx.msk $0xffff, v5;
	v2 =	vpop (erf)  }
0x99: {  	v7 =	vor.u32 $0xA, v3;
	[tilespmem:v4+s16+$0x0] =	vst.idx.msk $0xffff, v2  }
0x9a: {  	v2 =	vor.u32 $0x1, v3;
	v4 =	vld.idx.msk [tilespmem:v3+s30+$0x0], $0xffff  }
0x9b: {  	v5 =	vor.u32 $0x2, v3;
	v6 =	vld.idx.msk [tilespmem:v6+s31+$0x0], $0xffff  }
0x9c: {  	v10 =	vor.u32 $0xB, v3;
	v8 =	vld.idx.msk [tilespmem:v8+s31+$0x0], $0xffff  }
0x9d: {  	v13 =	vld.idx.msk [tilespmem:v9+s30+$0x0], $0xffff  }
0x9e: {  	v7 =	vld.idx.msk [tilespmem:v7+s31+$0x0], $0xffff  }
0x9f: {  	v12 =	vld.idx.msk [tilespmem:v2+s30+$0x0], $0xffff  }
0xa0: {  	v11 =	vld.idx.msk [tilespmem:v5+s30+$0x0], $0xffff  }
0xa1: {  	v10 =	vld.idx.msk [tilespmem:v10+s31+$0x0], $0xffff;
	_ =	sdelay $0x1  }
0xa2: {  	v4 =	vadd.f32 v6, v4  }
0xa3: {  	v6 =	vadd.f32 v8, v12  }
0xa4: {  	v7 =	vadd.f32 v7, v11;
	v8 =	vmul.f32 $2.000000030e-01, v4  }
0xa5: {  	v10 =	vadd.f32 v10, v13;
	v11 =	vmul.f32 $2.000000030e-01, v6  }
0xa6: {  	v4 =	vmax.f32 v4, v8;
	v8 =	vmul.f32 $2.000000030e-01, v7  }
0xa7: {  	v4 =	vmul.f32 $1.442695020e+00, v4;
	v6 =	vmax.f32 v6, v11;
	v11 =	vmul.f32 $2.000000030e-01, v10  }
0xa8: {  	v7 =	vmax.f32 v7, v8;
	v6 =	vmul.f32 $1.442695020e+00, v6  }
0xa9: {  	(erf) = vpow2.f32 v4;
	v4 =	vmul.f32 $1.442695020e+00, v7;
	v7 =	vmax.f32 v10, v11  }
0xaa: {  	v7 =	vmul.f32 $1.442695020e+00, v7;
	(erf) = vpow2.f32 v6  }
0xab: {  	(erf) = vpow2.f32 v4  }
0xac: {  	(erf) = vpow2.f32 v7;
	_ =	sdelay $0x5  }
0xad: {  	v4 =	vpop (erf)  }
0xae: {  	[tilespmem:v3+s16+$0x0] =	vst.idx.msk $0xffff, v4;
	v3 =	vpop (erf)  }
0xaf: {  	s1 =	simm.s32 $0x0;
	[tilespmem:v2+s16+$0x0] =	vst.idx.msk $0xffff, v3;
	v2 =	vpop (erf)  }
0xb0: {  	v3 =	vmov s1;
	[tilespmem:v5+s16+$0x0] =	vst.idx.msk $0xffff, v2;
	v2 =	vpop (erf)  }
0xb1: {  	s4 =	simm.s32 $0x18560;
	v4 =	vor.u32 $0x2, v3;
	[tilespmem:v9+s16+$0x0] =	vst.idx.msk $0xffff, v2  }
0xb2: {  	v6 =	vld [tilespmem:s4+$0xFFFFFE50]  }
0xb3: {  	v2 =	vor.u32 $0x1, v3;
	v7 =	vld [tilespmem:s4+$0xFFFFFE30]  }
0xb4: {  	v9 =	vld [tilespmem:s4+$0xFFFFFE20]  }
0xb5: {  	v8 =	vor.u32 $0x3, v3;
	v10 =	vld [tilespmem:s4+$0xFFFFFE40]  }
0xb6: {  	v4 =	vld.idx.msk [tilespmem:v4+s16+$0x0], $0xffff  }
0xb7: {  	v11 =	vld [tilespmem:s4+$0xFFFFFE70]  }
0xb8: {  	v2 =	vld.idx.msk [tilespmem:v2+s16+$0x0], $0xffff  }
0xb9: {  	v12 =	vld [tilespmem:s4+$0xFFFFFE60]  }
0xba: {  	v8 =	vld.idx.msk [tilespmem:v8+s16+$0x0], $0xffff  }
0xbb: {  	v13 =	vld [tilespmem:s4+$0xFFFFFE00];
	v6 =	vmul.f32 v6, v4  }
0xbc: {  	v3 =	vld.idx.msk [tilespmem:v3+s16+$0x0], $0xffff;
	v4 =	vmul.f32 v10, v4  }
0xbd: {  	v5 =	vld [tilespmem:s4+$0xFFFFFE10];
	v9 =	vmul.f32 v9, v2;
	[tilespmem:s4+$0xFFFFFE50] =	vst v6  }
0xbe: {  	v2 =	vmul.f32 v7, v2;
	[tilespmem:s4+$0xFFFFFE40] =	vst v4  }
0xbf: {  	s17 =	simm.s32 $0x10;
	v7 =	vmul.f32 v11, v8;
	[tilespmem:s4+$0xFFFFFE20] =	vst v9  }
0xc0: {  	v4 =	vmul.f32 v12, v8;
	v6 =	vmov s17;
	[tilespmem:s4+$0xFFFFFE30] =	vst v2  }
0xc1: {  	v10 =	vld [tilespmem:s4+$0xFFFFFEF0];
	v8 =	vor.u32 $0x3, v6;
	v9 =	vmul.f32 v13, v3;
	[tilespmem:s4+$0xFFFFFE70] =	vst v7  }
0xc2: {  	v2 =	vld [tilespmem:s4+$0xFFFFFE90];
	v3 =	vmul.f32 v5, v3;
	[tilespmem:s4+$0xFFFFFE60] =	vst v4  }
0xc3: {  	v5 =	vld [tilespmem:s4+$0xFFFFFEC0];
	v7 =	vor.u32 $0x1, v6;
	[tilespmem:s4+$0xFFFFFE00] =	vst v9  }
0xc4: {  	v9 =	vor.u32 $0x2, v6;
	[tilespmem:s4+$0xFFFFFE10] =	vst v3;
	v3 =	vld [tilespmem:s4+$0xFFFFFEE0]  }
0xc5: {  	v6 =	vld.idx.msk [tilespmem:v6+s16+$0x0], $0xffff  }
0xc6: {  	v8 =	vld.idx.msk [tilespmem:v8+s16+$0x0], $0xffff  }
0xc7: {  	v4 =	vld [tilespmem:s4+$0xFFFFFEB0]  }
0xc8: {  	v7 =	vld.idx.msk [tilespmem:v7+s16+$0x0], $0xffff  }
0xc9: {  	v9 =	vld.idx.msk [tilespmem:v9+s16+$0x0], $0xffff  }
0xca: {  	v11 =	vld [tilespmem:s4+$0xFFFFFEA0];
	v2 =	vmul.f32 v2, v6  }
0xcb: {  	v12 =	vld [tilespmem:s4+$0xFFFFFED0];
	v3 =	vmul.f32 v3, v8  }
0xcc: {  	v8 =	vmul.f32 v10, v8;
	v10 =	vld [tilespmem:s4+$0xFFFFFE80];
	[tilespmem:s4+$0xFFFFFE90] =	vst v2  }
0xcd: {  	[tilespmem:s4+$0xFFFFFEE0] =	vst v3;
	v3 =	vmul.f32 v4, v7  }
0xce: {  	s18 =	simm.s32 $0x20;
	[tilespmem:s4+$0xFFFFFEF0] =	vst v8;
	v4 =	vmul.f32 v5, v9  }
0xcf: {  	v2 =	vmov s18;
	v5 =	vmul.f32 v11, v7;
	[tilespmem:s4+$0xFFFFFEB0] =	vst v3  }
0xd0: {  	v7 =	vmul.f32 v12, v9;
	v11 =	vld [tilespmem:s4+$0xFFFFFF10];
	[tilespmem:s4+$0xFFFFFEC0] =	vst v4  }
0xd1: {  	v12 =	vld [tilespmem:s4+$0xFFFFFF60];
	v3 =	vor.u32 $0x1, v2;
	[tilespmem:s4+$0xFFFFFEA0] =	vst v5;
	v4 =	vmul.f32 v10, v6  }
0xd2: {  	v5 =	vld [tilespmem:s4+$0xFFFFFF00];
	[tilespmem:s4+$0xFFFFFED0] =	vst v7  }
0xd3: {  	v9 =	vor.u32 $0x2, v2;
	v10 =	vld [tilespmem:s4+$0xFFFFFF30];
	[tilespmem:s4+$0xFFFFFE80] =	vst v4  }
0xd4: {  	v7 =	vor.u32 $0x3, v2;
	v2 =	vld.idx.msk [tilespmem:v2+s16+$0x0], $0xffff  }
0xd5: {  	v4 =	vld [tilespmem:s4+$0xFFFFFF20]  }
0xd6: {  	v3 =	vld.idx.msk [tilespmem:v3+s16+$0x0], $0xffff  }
0xd7: {  	v6 =	vld [tilespmem:s4+$0xFFFFFF40]  }
0xd8: {  	v9 =	vld.idx.msk [tilespmem:v9+s16+$0x0], $0xffff  }
0xd9: {  	v7 =	vld.idx.msk [tilespmem:v7+s16+$0x0], $0xffff;
	v5 =	vmul.f32 v5, v2  }
0xda: {  	v8 =	vld [tilespmem:s4+$0xFFFFFF50];
	v2 =	vmul.f32 v11, v2  }
0xdb: {  	v4 =	vmul.f32 v4, v3;
	v3 =	vmul.f32 v10, v3;
	v10 =	vld [tilespmem:s4+$0xFFFFFF70];
	[tilespmem:s4+$0xFFFFFF00] =	vst v5  }
0xdc: {  	s19 =	simm.s32 $0x30;
	[tilespmem:s4+$0xFFFFFF10] =	vst v2  }
0xdd: {  	v5 =	vmul.f32 v6, v9;
	[tilespmem:s4+$0xFFFFFF30] =	vst v3;
	v3 =	vmov s19  }
0xde: {  	v6 =	vmul.f32 v12, v7;
	[tilespmem:s4+$0xFFFFFF20] =	vst v4;
	v2 =	vor.u32 $0x2, v3  }
0xdf: {  	v13 =	vld [tilespmem:s4+$0xFFFFFFA0];
	v4 =	vmul.f32 v8, v9;
	[tilespmem:s4+$0xFFFFFF40] =	vst v5  }
0xe0: {  	v9 =	vld [tilespmem:s4+$0xFFFFFF90];
	[tilespmem:s4+$0xFFFFFF60] =	vst v6;
	v7 =	vmul.f32 v10, v7  }
0xe1: {  	v5 =	vld [tilespmem:s4+$0xFFFFFFC0];
	[tilespmem:s4+$0xFFFFFF50] =	vst v4;
	v4 =	vor.u32 $0x3, v3  }
0xe2: {  	v6 =	vld [tilespmem:s4+$0xFFFFFFE0];
	[tilespmem:s4+$0xFFFFFF70] =	vst v7  }
0xe3: {  	v2 =	vld.idx.msk [tilespmem:v2+s16+$0x0], $0xffff  }
0xe4: {  	v7 =	vor.u32 $0x1, v3;
	v3 =	vld.idx.msk [tilespmem:v3+s16+$0x0], $0xffff  }
0xe5: {  	v10 =	vld [tilespmem:s4+$0xFFFFFF80]  }
0xe6: {  	v4 =	vld.idx.msk [tilespmem:v4+s16+$0x0], $0xffff  }
0xe7: {  	v12 =	vld [tilespmem:s4+$0xFFFFFFF0]  }
0xe8: {  	v11 =	vld [tilespmem:s4+$0xFFFFFFD0];
	v5 =	vmul.f32 v5, v2  }
0xe9: {  	v7 =	vld.idx.msk [tilespmem:v7+s16+$0x0], $0xffff;
	v9 =	vmul.f32 v9, v3  }
0xea: {  	v8 =	vld [tilespmem:s4+$0xFFFFFFB0];
	v10 =	vmul.f32 v10, v3;
	[tilespmem:s4+$0xFFFFFFC0] =	vst v5  }
0xeb: {  	v3 =	vld [tilespmem:s4+$0x0];
	v6 =	vmul.f32 v6, v4;
	[tilespmem:s4+$0xFFFFFF90] =	vst v9  }
0xec: {  	s29 =	simm.s32 $0x40;
	v4 =	vmul.f32 v12, v4;
	v5 =	vld [tilespmem:s4+$0x20];
	[tilespmem:s4+$0xFFFFFF80] =	vst v10  }
0xed: {  	v9 =	vmov s29;
	[tilespmem:s4+$0xFFFFFFE0] =	vst v6;
	v6 =	vmul.f32 v11, v2;
	v2 =	vld [tilespmem:s4+$0x70]  }
0xee: {  	v11 =	vor.u32 $0x1, v9;
	[tilespmem:s4+$0xFFFFFFF0] =	vst v4;
	v4 =	vld [tilespmem:s4+$0x40];
	v12 =	vmul.f32 v13, v7  }
0xef: {  	v10 =	vor.u32 $0x2, v9;
	v7 =	vmul.f32 v8, v7;
	v8 =	vld [tilespmem:s4+$0x10];
	[tilespmem:s4+$0xFFFFFFD0] =	vst v6  }
0xf0: {  	v14 =	vor.u32 $0x3, v9;
	v6 =	vld [tilespmem:s4+$0x30];
	[tilespmem:s4+$0xFFFFFFA0] =	vst v12  }
0xf1: {  	[tilespmem:s4+$0xFFFFFFB0] =	vst v7;
	v7 =	vld [tilespmem:s4+$0x50]  }
0xf2: {  	v12 =	vld.idx.msk [tilespmem:v9+s16+$0x0], $0xffff  }
0xf3: {  	v13 =	vld.idx.msk [tilespmem:v11+s16+$0x0], $0xffff  }
0xf4: {  	v10 =	vld.idx.msk [tilespmem:v10+s16+$0x0], $0xffff  }
0xf5: {  	s10 =	simm.s32 $0x50;
	s5 =	simm.s32 $0x18560;
	v9 =	vld.idx.msk [tilespmem:v14+s16+$0x0], $0xffff  }
0xf6: {  	s1 =	simm.s32 $0x70;
	s18 =	simm.s32 $0x8;
	s19 =	simm.s32 $0x60;
	v11 =	vld [tilespmem:s4+$0x60]  }
.LBB2_7:
0xf7: {  	p0 =	slt.u32 s18, $0x48  }
0xf8: {  	s4 =	sadd.s32 $0x400, s4;
	s11 =	smov.u32 s18;
	s18 =	sadd.s32 $0x8, s18  }
0xf9: {  	v5 =	vmul.f32 v5, v13;
	v6 =	vmul.f32 v6, v13  }
0xfa: {  	v3 =	vmul.f32 v3, v12;
	v8 =	vmul.f32 v8, v12  }
0xfb: {  	v4 =	vmul.f32 v4, v10;
	[tilespmem:s5+$0x20] =	vst v5;
	v5 =	vmul.f32 v7, v10  }
0xfc: {  	v2 =	vmul.f32 v2, v9;
	[tilespmem:s5+$0x0] =	vst v3;
	v3 =	vmul.f32 v11, v9  }
0xfd: {  	[tilespmem:s5+$0x30] =	vst v6;
	v6 =	vmov s10;
	v7 =	vld [tilespmem:s5+$0x80]  }
0xfe: {  	[tilespmem:s5+$0x70] =	vst v2;
	v2 =	vor.u32 $0x2, v6;
	v9 =	vld [tilespmem:s5+$0xA0]  }
0xff: {  	[tilespmem:s5+$0x10] =	vst v8;
	v8 =	vor.u32 $0x1, v6;
	v10 =	vld [tilespmem:s5+$0x90]  }
0x100: {  	[tilespmem:s5+$0x40] =	vst v4;
	v4 =	vld [tilespmem:s5+$0xC0]  }
0x101: {  	[tilespmem:s5+$0x50] =	vst v5;
	v5 =	vor.u32 $0x3, v6;
	v11 =	vld [tilespmem:s5+$0xB0]  }
0x102: {  	[tilespmem:s5+$0x60] =	vst v3;
	v3 =	vld [tilespmem:s5+$0xD0]  }
0x103: {  	v2 =	vld.idx.msk [tilespmem:v2+s16+$0x0], $0xffff  }
0x104: {  	v8 =	vld.idx.msk [tilespmem:v8+s16+$0x0], $0xffff  }
0x105: {  	v6 =	vld.idx.msk [tilespmem:v6+s16+$0x0], $0xffff  }
0x106: {  	v5 =	vld.idx.msk [tilespmem:v5+s16+$0x0], $0xffff  }
0x107: {  	v12 =	vld [tilespmem:s5+$0xF0];
	_ =	sdelay $0x1  }
0x108: {  	v4 =	vmul.f32 v4, v2;
	v2 =	vmul.f32 v3, v2;
	v3 =	vld [tilespmem:s5+$0xE0]  }
0x109: {  	v9 =	vmul.f32 v9, v8;
	v8 =	vmul.f32 v11, v8  }
0x10a: {  	v7 =	vmul.f32 v7, v6;
	v6 =	vmul.f32 v10, v6;
	[tilespmem:s5+$0xC0] =	vst v4  }
0x10b: {  	[tilespmem:s5+$0xA0] =	vst v9;
	v4 =	vmul.f32 v12, v5;
	v9 =	vld [tilespmem:s5+$0x140]  }
0x10c: {  	[tilespmem:s5+$0x80] =	vst v7;
	v7 =	vld [tilespmem:s5+$0x120]  }
0x10d: {  	[tilespmem:s5+$0x90] =	vst v6;
	v3 =	vmul.f32 v3, v5;
	v5 =	vmov s19;
	v6 =	vld [tilespmem:s5+$0x170]  }
0x10e: {  	[tilespmem:s5+$0xD0] =	vst v2;
	v2 =	vor.u32 $0x1, v5;
	v10 =	vld [tilespmem:s5+$0x110]  }
0x10f: {  	[tilespmem:s5+$0xB0] =	vst v8;
	v8 =	vor.u32 $0x2, v5;
	v11 =	vld [tilespmem:s5+$0x150]  }
0x110: {  	[tilespmem:s5+$0xE0] =	vst v3;
	v3 =	vor.u32 $0x3, v5;
	v12 =	vld [tilespmem:s5+$0x130]  }
0x111: {  	[tilespmem:s5+$0xF0] =	vst v4;
	v4 =	vld [tilespmem:s5+$0x100]  }
0x112: {  	v5 =	vld.idx.msk [tilespmem:v5+s16+$0x0], $0xffff  }
0x113: {  	v2 =	vld.idx.msk [tilespmem:v2+s16+$0x0], $0xffff  }
0x114: {  	v8 =	vld.idx.msk [tilespmem:v8+s16+$0x0], $0xffff  }
0x115: {  	v3 =	vld.idx.msk [tilespmem:v3+s16+$0x0], $0xffff  }
0x116: {  	v13 =	vld [tilespmem:s5+$0x160];
	_ =	sdelay $0x1  }
0x117: {  	v4 =	vmul.f32 v4, v5;
	v5 =	vmul.f32 v10, v5  }
0x118: {  	v7 =	vmul.f32 v7, v2;
	v2 =	vmul.f32 v12, v2  }
0x119: {  	[tilespmem:s5+$0x110] =	vst v5;
	v5 =	vmul.f32 v9, v8;
	v8 =	vmul.f32 v11, v8  }
0x11a: {  	[tilespmem:s5+$0x120] =	vst v7;
	v7 =	vmul.f32 v13, v3;
	v3 =	vmul.f32 v6, v3;
	v6 =	vld [tilespmem:s5+$0x1A0]  }
0x11b: {  	[tilespmem:s5+$0x140] =	vst v5;
	v5 =	vld [tilespmem:s5+$0x180]  }
0x11c: {  	[tilespmem:s5+$0x170] =	vst v3;
	v3 =	vmov s1;
	v9 =	vld [tilespmem:s5+$0x1E0]  }
0x11d: {  	[tilespmem:s5+$0x100] =	vst v4;
	v4 =	vor.u32 $0x1, v3;
	v10 =	vld [tilespmem:s5+$0x1D0]  }
0x11e: {  	[tilespmem:s5+$0x130] =	vst v2;
	v2 =	vor.u32 $0x2, v3;
	v11 =	vld [tilespmem:s5+$0x1C0]  }
0x11f: {  	[tilespmem:s5+$0x150] =	vst v8;
	v8 =	vor.u32 $0x3, v3;
	v12 =	vld [tilespmem:s5+$0x190]  }
0x120: {  	[tilespmem:s5+$0x160] =	vst v7;
	v7 =	vld [tilespmem:s5+$0x1B0]  }
0x121: {  	v3 =	vld.idx.msk [tilespmem:v3+s16+$0x0], $0xffff  }
0x122: {  	v4 =	vld.idx.msk [tilespmem:v4+s16+$0x0], $0xffff  }
0x123: {  	v2 =	vld.idx.msk [tilespmem:v2+s16+$0x0], $0xffff  }
0x124: {  	v8 =	vld.idx.msk [tilespmem:v8+s16+$0x0], $0xffff  }
0x125: {  	v13 =	vld [tilespmem:s5+$0x1F0];
	_ =	sdelay $0x1  }
0x126: {  	v5 =	vmul.f32 v5, v3;
	v3 =	vmul.f32 v12, v3  }
0x127: {  	v6 =	vmul.f32 v6, v4;
	v4 =	vmul.f32 v7, v4  }
0x128: {  	s1 =	sshll.u32 s11, $0x4;
	[tilespmem:s5+$0x180] =	vst v5;
	v5 =	vmul.f32 v11, v2;
	v2 =	vmul.f32 v10, v2  }
0x129: {  	s2 =	sadd.s32 $0x10, s1;
	s29 =	sadd.s32 $0x20, s1;
	s11 =	sadd.s32 $0x30, s1;
	v7 =	vmov s1;
	[tilespmem:s5+$0x1A0] =	vst v6;
	v6 =	vmul.f32 v9, v8;
	v8 =	vmul.f32 v13, v8  }
0x12a: {  	s17 =	sadd.s32 $0x40, s1;
	s10 =	sadd.s32 $0x50, s1;
	s19 =	sadd.s32 $0x60, s1;
	v10 =	vor.u32 $0x2, v7;
	v11 =	vor.u32 $0x3, v7;
	v9 =	vor.u32 $0x1, v7;
	[tilespmem:s5+$0x190] =	vst v3  }
0x12b: {  	s1 =	sadd.s32 $0x70, s1;
	[tilespmem:s5+$0x1D0] =	vst v2  }
0x12c: {  	v2 =	vld [tilespmem:s4+$0xFFFFFE10];
	[tilespmem:s5+$0x1C0] =	vst v5  }
0x12d: {  	v3 =	vld [tilespmem:s4+$0xFFFFFE50];
	[tilespmem:s5+$0x1E0] =	vst v6  }
0x12e: {  	v5 =	vld [tilespmem:s4+$0xFFFFFE30];
	[tilespmem:s5+$0x1B0] =	vst v4  }
0x12f: {  	v4 =	vld [tilespmem:s4+$0xFFFFFE20];
	[tilespmem:s5+$0x1F0] =	vst v8;
	s5 =	smov.u32 s4  }
0x130: {  	v6 =	vld.idx.msk [tilespmem:v9+s16+$0x0], $0xffff  }
0x131: {  	v8 =	vld.idx.msk [tilespmem:v10+s16+$0x0], $0xffff  }
0x132: {  	v9 =	vld [tilespmem:s4+$0xFFFFFE40]  }
0x133: {  	v10 =	vld [tilespmem:s4+$0xFFFFFE70]  }
0x134: {  	v11 =	vld.idx.msk [tilespmem:v11+s16+$0x0], $0xffff  }
0x135: {  	v12 =	vld [tilespmem:s4+$0xFFFFFE60]  }
0x136: {  	v4 =	vmul.f32 v4, v6;
	v5 =	vmul.f32 v5, v6;
	v7 =	vld.idx.msk [tilespmem:v7+s16+$0x0], $0xffff  }
0x137: {  	v3 =	vmul.f32 v3, v8;
	v6 =	vld [tilespmem:s4+$0xFFFFFE00];
	v9 =	vmul.f32 v9, v8  }
0x138: {  	[tilespmem:s4+$0xFFFFFE20] =	vst v4  }
0x139: {  	[tilespmem:s4+$0xFFFFFE50] =	vst v3  }
0x13a: {  	v8 =	vmov s2;
	v4 =	vmul.f32 v10, v11;
	[tilespmem:s4+$0xFFFFFE40] =	vst v9;
	v3 =	vmul.f32 v12, v11;
	v9 =	vld [tilespmem:s4+$0xFFFFFEB0]  }
0x13b: {  	[tilespmem:s4+$0xFFFFFE30] =	vst v5;
	v5 =	vor.u32 $0x2, v8;
	v10 =	vld [tilespmem:s4+$0xFFFFFE90]  }
0x13c: {  	v2 =	vmul.f32 v2, v7;
	v6 =	vmul.f32 v6, v7;
	[tilespmem:s4+$0xFFFFFE60] =	vst v3;
	v3 =	vor.u32 $0x3, v8;
	v7 =	vld [tilespmem:s4+$0xFFFFFED0]  }
0x13d: {  	[tilespmem:s4+$0xFFFFFE70] =	vst v4;
	v4 =	vld [tilespmem:s4+$0xFFFFFEC0]  }
0x13e: {  	[tilespmem:s4+$0xFFFFFE00] =	vst v6;
	v6 =	vor.u32 $0x1, v8;
	v11 =	vld [tilespmem:s4+$0xFFFFFEF0]  }
0x13f: {  	[tilespmem:s4+$0xFFFFFE10] =	vst v2;
	v2 =	vld [tilespmem:s4+$0xFFFFFEE0]  }
0x140: {  	v5 =	vld.idx.msk [tilespmem:v5+s16+$0x0], $0xffff  }
0x141: {  	v3 =	vld.idx.msk [tilespmem:v3+s16+$0x0], $0xffff  }
0x142: {  	v8 =	vld.idx.msk [tilespmem:v8+s16+$0x0], $0xffff  }
0x143: {  	v6 =	vld.idx.msk [tilespmem:v6+s16+$0x0], $0xffff  }
0x144: {  	v12 =	vld [tilespmem:s4+$0xFFFFFE80]  }
0x145: {  	v13 =	vld [tilespmem:s4+$0xFFFFFEA0];
	_ =	sdelay $0x1  }
0x146: {  	v2 =	vmul.f32 v2, v3;
	v3 =	vmul.f32 v11, v3  }
0x147: {  	v4 =	vmul.f32 v4, v5;
	v5 =	vmul.f32 v7, v5  }
0x148: {  	v7 =	vmul.f32 v12, v8;
	v8 =	vmul.f32 v10, v8;
	[tilespmem:s4+$0xFFFFFEE0] =	vst v2  }
0x149: {  	v2 =	vmul.f32 v13, v6;
	v6 =	vmul.f32 v9, v6;
	[tilespmem:s4+$0xFFFFFEF0] =	vst v3;
	v3 =	vld [tilespmem:s4+$0xFFFFFF70]  }
0x14a: {  	[tilespmem:s4+$0xFFFFFE90] =	vst v8;
	v8 =	vmov s29;
	v9 =	vld [tilespmem:s4+$0xFFFFFF50]  }
0x14b: {  	[tilespmem:s4+$0xFFFFFEB0] =	vst v6;
	v6 =	vor.u32 $0x1, v8;
	v10 =	vld [tilespmem:s4+$0xFFFFFF40]  }
0x14c: {  	[tilespmem:s4+$0xFFFFFEC0] =	vst v4;
	v4 =	vld [tilespmem:s4+$0xFFFFFF10]  }
0x14d: {  	[tilespmem:s4+$0xFFFFFEA0] =	vst v2;
	v2 =	vor.u32 $0x2, v8;
	v11 =	vld [tilespmem:s4+$0xFFFFFF00]  }
0x14e: {  	[tilespmem:s4+$0xFFFFFED0] =	vst v5;
	v5 =	vor.u32 $0x3, v8;
	v12 =	vld [tilespmem:s4+$0xFFFFFF30]  }
0x14f: {  	[tilespmem:s4+$0xFFFFFE80] =	vst v7;
	v7 =	vld [tilespmem:s4+$0xFFFFFF20]  }
0x150: {  	v6 =	vld.idx.msk [tilespmem:v6+s16+$0x0], $0xffff  }
0x151: {  	v8 =	vld.idx.msk [tilespmem:v8+s16+$0x0], $0xffff  }
0x152: {  	v2 =	vld.idx.msk [tilespmem:v2+s16+$0x0], $0xffff  }
0x153: {  	v5 =	vld.idx.msk [tilespmem:v5+s16+$0x0], $0xffff  }
0x154: {  	v13 =	vld [tilespmem:s4+$0xFFFFFF60];
	_ =	sdelay $0x1  }
0x155: {  	v7 =	vmul.f32 v7, v6;
	v6 =	vmul.f32 v12, v6  }
0x156: {  	v11 =	vmul.f32 v11, v8;
	v4 =	vmul.f32 v4, v8  }
0x157: {  	[tilespmem:s4+$0xFFFFFF20] =	vst v7;
	v7 =	vmul.f32 v10, v2;
	v2 =	vmul.f32 v9, v2  }
0x158: {  	v3 =	vmul.f32 v3, v5;
	[tilespmem:s4+$0xFFFFFF30] =	vst v6;
	v6 =	vmul.f32 v13, v5;
	v5 =	vld [tilespmem:s4+$0xFFFFFFB0]  }
0x159: {  	v8 =	vmov s11;
	[tilespmem:s4+$0xFFFFFF00] =	vst v11;
	v9 =	vld [tilespmem:s4+$0xFFFFFF90]  }
0x15a: {  	[tilespmem:s4+$0xFFFFFF50] =	vst v2;
	v2 =	vor.u32 $0x3, v8;
	v10 =	vld [tilespmem:s4+$0xFFFFFF80]  }
0x15b: {  	[tilespmem:s4+$0xFFFFFF10] =	vst v4;
	v4 =	vor.u32 $0x2, v8;
	v11 =	vld [tilespmem:s4+$0xFFFFFFD0]  }
0x15c: {  	[tilespmem:s4+$0xFFFFFF40] =	vst v7;
	v7 =	vld [tilespmem:s4+$0xFFFFFFC0]  }
0x15d: {  	[tilespmem:s4+$0xFFFFFF60] =	vst v6;
	v6 =	vor.u32 $0x1, v8;
	v12 =	vld [tilespmem:s4+$0xFFFFFFF0]  }
0x15e: {  	[tilespmem:s4+$0xFFFFFF70] =	vst v3;
	v3 =	vld [tilespmem:s4+$0xFFFFFFE0]  }
0x15f: {  	v2 =	vld.idx.msk [tilespmem:v2+s16+$0x0], $0xffff  }
0x160: {  	v4 =	vld.idx.msk [tilespmem:v4+s16+$0x0], $0xffff  }
0x161: {  	v8 =	vld.idx.msk [tilespmem:v8+s16+$0x0], $0xffff  }
0x162: {  	v6 =	vld.idx.msk [tilespmem:v6+s16+$0x0], $0xffff  }
0x163: {  	v13 =	vld [tilespmem:s4+$0xFFFFFFA0];
	_ =	sdelay $0x1  }
0x164: {  	v3 =	vmul.f32 v3, v2;
	v12 =	vmul.f32 v12, v2  }
0x165: {  	v2 =	vmul.f32 v7, v4;
	v4 =	vmul.f32 v11, v4  }
0x166: {  	v7 =	vmul.f32 v10, v8;
	v8 =	vmul.f32 v9, v8;
	[tilespmem:s4+$0xFFFFFFE0] =	vst v3  }
0x167: {  	v10 =	vmul.f32 v5, v6;
	v9 =	vmul.f32 v13, v6;
	[tilespmem:s4+$0xFFFFFFC0] =	vst v2;
	v2 =	vld [tilespmem:s4+$0x70]  }
0x168: {  	v11 =	vmov s17;
	[tilespmem:s4+$0xFFFFFF90] =	vst v8;
	v3 =	vld [tilespmem:s4+$0x0]  }
0x169: {  	v13 =	vor.u32 $0x1, v11;
	[tilespmem:s4+$0xFFFFFFD0] =	vst v4;
	v5 =	vld [tilespmem:s4+$0x20]  }
0x16a: {  	[tilespmem:s4+$0xFFFFFF80] =	vst v7;
	v6 =	vld [tilespmem:s4+$0x30]  }
0x16b: {  	v14 =	vor.u32 $0x2, v11;
	[tilespmem:s4+$0xFFFFFFF0] =	vst v12;
	v4 =	vld [tilespmem:s4+$0x40]  }
0x16c: {  	[tilespmem:s4+$0xFFFFFFA0] =	vst v9;
	v9 =	vor.u32 $0x3, v11;
	v8 =	vld [tilespmem:s4+$0x10]  }
0x16d: {  	[tilespmem:s4+$0xFFFFFFB0] =	vst v10;
	v7 =	vld [tilespmem:s4+$0x50]  }
.Ltmp2:
0x16e: {  	v13 =	vld.idx.msk [tilespmem:v13+s16+$0x0], $0xffff;
	(pc) =	sbr.rel @p0 .LBB2_7-.Ltmp2, $4  }
0x16f: {  	v12 =	vld.idx.msk [tilespmem:v11+s16+$0x0], $0xffff  }
0x170: {  	v10 =	vld.idx.msk [tilespmem:v14+s16+$0x0], $0xffff  }
0x171: {  	v9 =	vld.idx.msk [tilespmem:v9+s16+$0x0], $0xffff  }
0x172: {  	v11 =	vld [tilespmem:s4+$0x60]  }
0x173: {  	v5 =	vmul.f32 v5, v13  }
0x174: {  	v6 =	vmul.f32 v6, v13  }
0x175: {  	v3 =	vmul.f32 v3, v12;
	[tilespmem:s5+$0x20] =	vst v5  }
0x176: {  	[tilespmem:s5+$0x30] =	vst v6;
	v4 =	vmul.f32 v4, v10  }
0x177: {  	[tilespmem:s5+$0x0] =	vst v3;
	v2 =	vmul.f32 v2, v9  }
0x178: {  	v32 =	vld [tilespmem:s5+$0xA0];
	v5 =	vmov s10;
	v7 =	vmul.f32 v7, v10;
	[tilespmem:s5+$0x40] =	vst v4  }
0x179: {  	v34 =	vld [tilespmem:s5+$0x90];
	v3 =	vmul.f32 v8, v12;
	[tilespmem:s5+$0x70] =	vst v2;
	v2 =	vor.u32 $0x2, v5  }
0x17a: {  	v38 =	vld [tilespmem:s5+$0xE0];
	v33 =	vmul.f32 v11, v9;
	[tilespmem:s5+$0x50] =	vst v7;
	v7 =	vor.u32 $0x3, v5  }
0x17b: {  	v6 =	vld [tilespmem:s5+$0x80];
	[tilespmem:s5+$0x10] =	vst v3  }
0x17c: {  	v4 =	vld [tilespmem:s5+$0xC0];
	[tilespmem:s5+$0x60] =	vst v33  }
0x17d: {  	v3 =	vor.u32 $0x1, v5;
	v5 =	vld.idx.msk [tilespmem:v5+s16+$0x0], $0xffff  }
0x17e: {  	v2 =	vld.idx.msk [tilespmem:v2+s16+$0x0], $0xffff  }
0x17f: {  	v7 =	vld.idx.msk [tilespmem:v7+s16+$0x0], $0xffff  }
0x180: {  	v35 =	vld [tilespmem:s5+$0xB0]  }
0x181: {  	v37 =	vld [tilespmem:s5+$0xF0]  }
0x182: {  	v36 =	vld [tilespmem:s5+$0xD0];
	v6 =	vmul.f32 v6, v5  }
0x183: {  	v3 =	vld.idx.msk [tilespmem:v3+s16+$0x0], $0xffff;
	v4 =	vmul.f32 v4, v2  }
0x184: {  	[tilespmem:s5+$0x80] =	vst v6;
	v6 =	vmul.f32 v38, v7  }
0x185: {  	[tilespmem:s5+$0xC0] =	vst v4;
	v4 =	vmul.f32 v34, v5  }
0x186: {  	v7 =	vmul.f32 v37, v7;
	[tilespmem:s5+$0xE0] =	vst v6  }
0x187: {  	v2 =	vmul.f32 v36, v2;
	[tilespmem:s5+$0x90] =	vst v4;
	v4 =	vmov s19  }
0x188: {  	v39 =	vld [tilespmem:s5+$0x110];
	v8 =	vmul.f32 v32, v3;
	v3 =	vmul.f32 v35, v3;
	[tilespmem:s5+$0xF0] =	vst v7  }
0x189: {  	v40 =	vld [tilespmem:s5+$0x120];
	[tilespmem:s5+$0xD0] =	vst v2;
	v2 =	vor.u32 $0x1, v4  }
0x18a: {  	v41 =	vld [tilespmem:s5+$0x170];
	[tilespmem:s5+$0xB0] =	vst v3;
	v3 =	vor.u32 $0x2, v4  }
0x18b: {  	v7 =	vld [tilespmem:s5+$0x100];
	[tilespmem:s5+$0xA0] =	vst v8;
	v6 =	vor.u32 $0x3, v4  }
0x18c: {  	v4 =	vld.idx.msk [tilespmem:v4+s16+$0x0], $0xffff  }
0x18d: {  	v5 =	vld [tilespmem:s5+$0x140]  }
0x18e: {  	v2 =	vld.idx.msk [tilespmem:v2+s16+$0x0], $0xffff  }
0x18f: {  	v3 =	vld.idx.msk [tilespmem:v3+s16+$0x0], $0xffff  }
0x190: {  	v6 =	vld.idx.msk [tilespmem:v6+s16+$0x0], $0xffff  }
0x191: {  	v42 =	vld [tilespmem:s5+$0x130];
	v8 =	vmul.f32 v39, v4  }
0x192: {  	v43 =	vld [tilespmem:s5+$0x150];
	v4 =	vmul.f32 v7, v4  }
0x193: {  	v44 =	vld [tilespmem:s5+$0x160];
	v9 =	vmul.f32 v40, v2;
	[tilespmem:s5+$0x110] =	vst v8  }
0x194: {  	v5 =	vmul.f32 v5, v3;
	[tilespmem:s5+$0x100] =	vst v4  }
0x195: {  	v45 =	vmul.f32 v41, v6;
	[tilespmem:s5+$0x120] =	vst v9  }
0x196: {  	v7 =	vmov s1;
	v2 =	vmul.f32 v42, v2;
	[tilespmem:s5+$0x140] =	vst v5  }
0x197: {  	v46 =	vld [tilespmem:s5+$0x1A0];
	v3 =	vmul.f32 v43, v3;
	[tilespmem:s5+$0x170] =	vst v45  }
0x198: {  	v47 =	vld [tilespmem:s5+$0x1E0];
	v6 =	vmul.f32 v44, v6;
	v4 =	vor.u32 $0x1, v7;
	[tilespmem:s5+$0x130] =	vst v2  }
0x199: {  	v48 =	vld [tilespmem:s5+$0x1D0];
	[tilespmem:s5+$0x150] =	vst v3  }
0x19a: {  	v5 =	vld [tilespmem:s5+$0x180];
	v2 =	vor.u32 $0x2, v7;
	[tilespmem:s5+$0x160] =	vst v6  }
0x19b: {  	v6 =	vor.u32 $0x3, v7;
	v7 =	vld.idx.msk [tilespmem:v7+s16+$0x0], $0xffff  }
0x19c: {  	v3 =	vld [tilespmem:s5+$0x190]  }
0x19d: {  	v4 =	vld.idx.msk [tilespmem:v4+s16+$0x0], $0xffff  }
0x19e: {  	v50 =	vld [tilespmem:s5+$0x1B0]  }
0x19f: {  	v2 =	vld.idx.msk [tilespmem:v2+s16+$0x0], $0xffff  }
0x1a0: {  	v49 =	vld [tilespmem:s5+$0x1C0];
	v5 =	vmul.f32 v5, v7  }
0x1a1: {  	v6 =	vld.idx.msk [tilespmem:v6+s16+$0x0], $0xffff;
	v3 =	vmul.f32 v3, v7  }
0x1a2: {  	v51 =	vld [tilespmem:s5+$0x1F0];
	v9 =	vmul.f32 v46, v4;
	[tilespmem:s5+$0x180] =	vst v5  }
0x1a3: {  	[tilespmem:s5+$0x190] =	vst v3;
	v4 =	vmul.f32 v50, v4  }
0x1a4: {  	v5 =	vmul.f32 v48, v2;
	[tilespmem:s5+$0x1A0] =	vst v9  }
0x1a5: {  	v2 =	vmul.f32 v49, v2;
	[tilespmem:s5+$0x1B0] =	vst v4  }
0x1a6: {  	v3 =	vmul.f32 v47, v6;
	[tilespmem:s5+$0x1D0] =	vst v5  }
0x1a7: {  	[tilespmem:s5+$0x1C0] =	vst v2;
	v2 =	vmul.f32 v51, v6  }
0x1a8: {  	[tilespmem:s5+$0x1E0] =	vst v3  }
0x1a9: {  	[tilespmem:s5+$0x1F0] =	vst v2  }
0x1aa: {  	v2 =	vld [tilespmem:$0x17820]  }
0x1ab: {  	v3 =	vld [tilespmem:$0x17830]  }
0x1ac: {  	v4 =	vld [tilespmem:$0x17840]  }
0x1ad: {  	v5 =	vld [tilespmem:$0x17850]  }
0x1ae: {  	v6 =	vld [tilespmem:$0x17860]  }
0x1af: {  	s4 =	smul.u32 $0xA0, s3;
	[tilespmem:$0x178C0] =	vst v2  }
0x1b0: {  	s11 =	rddreg [dreg:$0xe];
	[tilespmem:$0x178D0] =	vst v3  }
0x1b1: {  	s1 =	sadd.s32 s4, s11;
	[tilespmem:$0x178E0] =	vst v4  }
0x1b2: {  	p0 =	slt.s32 s1, $0x9C3B0;
	[tilespmem:$0x178F0] =	vst v5  }
0x1b3: {  	s0 =	rddreg [dreg:$0x3];
	s2 =	simm.s32 $0x178C0;
	s1 =	simm.s32 @!p0 $0x9C3B0;
	[tilespmem:$0x17900] =	vst v6  }
0x1b4: {  	[spmem:s0] =	stream.indirect.scatter.add.f32 [tilespmem:s16], [sflag:$0x7], $0x10, s2, s28, $0xb8;
	[tilespmem:$0x1D360] =	vst v63  }
0x1b5: {  	s10 =	simm.s32 $0x18360;
	s1 =	sshrl.u32 s1, $0x3  }
0x1b6: {  	[spmem:s25] =	stream.indirect.scatter.add.f32 [tilespmem:s10], [sflag:$0x7], $0x80, s2, s28, $0xb8;
	[tilespmem:$0x1D360] =	vst v63  }
0x1b7: {  	s18 =	simm.s32 $0x0;
	s17 =	sadd.s32 s7, s1  }
0x1b8: {  	[tilespmem:s24], [sflag:$0x5] =	stream.linear.gather [hbm4b:s17+s18], $0x50, $0x38;
	[tilespmem:$0x1D360] =	vst v63  }
0x1b9: {  	s19 =	simm.s32 $0x17820;
	s1 =	sadd.s32 s8, s1  }
0x1ba: {  	[tilespmem:s19], [sflag:$0x5] =	stream.linear.gather [hbm4b:s1+s18], $0x50, $0x38;
	[tilespmem:$0x1D360] =	vst v63  }
0x1bb: {  	_ =	swait.ge [sflag:s26], $0x50  }
0x1bc: {  	[sflag:s26] =	ssyncset.done $0x0  }
0x1bd: {  	[sflag:s26] =	ssyncadd.s32 $0xFFFFFFB0  }
0x1be: {  	_ =	swait.ge [sflag:s26], $0x50  }
0x1bf: {  	[sflag:s26] =	ssyncset.done $0x0  }
0x1c0: {  	s0 =	smov.u32 s25;
	s25 =	simm.s32 $0x2;
	[sflag:s26] =	ssyncadd.s32 $0xFFFFFFB0  }
0x1c1: {  	_ =	swait.ge [sflag:s25], $0x2800  }
0x1c2: {  	[sflag:s25] =	ssyncset.done $0x0  }
0x1c3: {  	v2 =	vmov s18;
	[sflag:s25] =	ssyncadd.s32 $0xFFFFD800  }
0x1c4: {  	v2 =	vshll.u32 v2, $0x4;
	_ =	swait.ge [sflag:s21], $0x500  }
0x1c5: {  	v3 =	vor.u32 v1, v2;
	[sflag:s21] =	ssyncset.done $0x0  }
0x1c6: {  	v2 =	vor.u32 $0x8, v3;
	[sflag:s21] =	ssyncadd.s32 $0xFFFFFB00  }
0x1c7: {  	_ =	swait.ge [sflag:s21], $0x500  }
0x1c8: {  	[sflag:s21] =	ssyncset.done $0x0  }
0x1c9: {  	[sflag:s21] =	ssyncadd.s32 $0xFFFFFB00  }
0x1ca: {  	v7 =	vor.u32 $0x9, v3;
	v6 =	vld.idx.msk [tilespmem:v3+s12+$0x0], $0xffff  }
0x1cb: {  	v53 =	vor.u32 $0xA, v3;
	v52 =	vld.idx.msk [tilespmem:v2+s13+$0x0], $0xffff  }
0x1cc: {  	v5 =	vor.u32 $0x1, v3  }
0x1cd: {  	v2 =	vor.u32 $0x2, v3  }
0x1ce: {  	v4 =	vor.u32 $0x3, v3  }
0x1cf: {  	v54 =	vor.u32 $0xB, v3;
	v7 =	vld.idx.msk [tilespmem:v7+s13+$0x0], $0xffff  }
0x1d0: {  	v55 =	vld.idx.msk [tilespmem:v53+s13+$0x0], $0xffff;
	v6 =	vadd.f32 v52, v6  }
0x1d1: {  	v58 =	vld.idx.msk [tilespmem:v5+s12+$0x0], $0xffff  }
0x1d2: {  	v56 =	vld.idx.msk [tilespmem:v2+s12+$0x0], $0xffff;
	v57 =	vmul.f32 $2.000000030e-01, v6  }
0x1d3: {  	v59 =	vld.idx.msk [tilespmem:v4+s12+$0x0], $0xffff  }
0x1d4: {  	v10 =	vld.idx.msk [tilespmem:v54+s13+$0x0], $0xffff;
	v6 =	vmax.f32 v6, v57  }
0x1d5: {  	v6 =	vmul.f32 $1.442695020e+00, v6;
	_ =	sdelay $0x1  }
0x1d6: {  	(erf) = vpow2.f32 v6;
	v6 =	vadd.f32 v7, v58;
	v7 =	vadd.f32 v55, v56;
	_ =	sdelay $0x1  }
0x1d7: {  	v61 =	vadd.f32 v10, v59;
	v60 =	vmul.f32 $2.000000030e-01, v6;
	v62 =	vmul.f32 $2.000000030e-01, v7;
	_ =	sdelay $0x1  }
0x1d8: {  	v63 =	vmul.f32 $2.000000030e-01, v61;
	v6 =	vmax.f32 v6, v60;
	v7 =	vmax.f32 v7, v62  }
0x1d9: {  	v6 =	vmul.f32 $1.442695020e+00, v6;
	v7 =	vmul.f32 $1.442695020e+00, v7  }
0x1da: {  	v8 =	vmax.f32 v61, v63  }
0x1db: {  	v8 =	vmul.f32 $1.442695020e+00, v8;
	(erf) = vpow2.f32 v6  }
0x1dc: {  	(erf) = vpow2.f32 v7  }
0x1dd: {  	v7 =	vpop (erf);
	(erf) = vpow2.f32 v8;
	_ =	sdelay $0x2  }
0x1de: {  	s29 =	simm.s32 $0x10  }
0x1df: {  	v6 =	vmov s29  }
0x1e0: {  	v6 =	vshll.u32 v6, $0x4  }
0x1e1: {  	s1 =	simm.s32 $0x20;
	[tilespmem:v3+s22+$0x0] =	vst.idx.msk $0xffff, v7;
	v3 =	vor.u32 v1, v6  }
.LBB2_9:
0x1e2: {  	p0 =	sne.s32 s1, $0x40;
	v6 =	vor.u32 $0x8, v3;
	v7 =	vpop (erf);
	s2 =	smov.u32 s1;
	s1 =	sadd.s32 $0x10, s1  }
0x1e3: {  	v8 =	vor.u32 $0x9, v3;
	[tilespmem:v5+s22+$0x0] =	vst.idx.msk $0xffff, v7;
	v5 =	vor.u32 $0x1, v3;
	v7 =	vpop (erf)  }
0x1e4: {  	v9 =	vor.u32 $0xA, v3;
	[tilespmem:v2+s22+$0x0] =	vst.idx.msk $0xffff, v7;
	v2 =	vor.u32 $0x2, v3;
	v7 =	vpop (erf)  }
0x1e5: {  	[tilespmem:v4+s22+$0x0] =	vst.idx.msk $0xffff, v7  }
0x1e6: {  	v7 =	vld.idx.msk [tilespmem:v3+s12+$0x0], $0xffff  }
0x1e7: {  	v10 =	vor.u32 $0xB, v3;
	v4 =	vor.u32 $0x3, v3;
	v6 =	vld.idx.msk [tilespmem:v6+s13+$0x0], $0xffff  }
0x1e8: {  	v8 =	vld.idx.msk [tilespmem:v8+s13+$0x0], $0xffff  }
0x1e9: {  	v9 =	vld.idx.msk [tilespmem:v9+s13+$0x0], $0xffff  }
0x1ea: {  	v11 =	vld.idx.msk [tilespmem:v2+s12+$0x0], $0xffff  }
0x1eb: {  	v12 =	vld.idx.msk [tilespmem:v5+s12+$0x0], $0xffff  }
0x1ec: {  	v13 =	vld.idx.msk [tilespmem:v4+s12+$0x0], $0xffff  }
0x1ed: {  	v6 =	vadd.f32 v6, v7;
	v7 =	vld.idx.msk [tilespmem:v10+s13+$0x0], $0xffff;
	_ =	sdelay $0x1  }
0x1ee: {  	v10 =	vmul.f32 $2.000000030e-01, v6  }
0x1ef: {  	v9 =	vadd.f32 v9, v11  }
0x1f0: {  	v6 =	vmax.f32 v6, v10;
	v8 =	vadd.f32 v8, v12  }
0x1f1: {  	v10 =	vmul.f32 $2.000000030e-01, v9;
	v6 =	vmul.f32 $1.442695020e+00, v6  }
0x1f2: {  	v11 =	vmul.f32 $2.000000030e-01, v8;
	v7 =	vadd.f32 v7, v13  }
0x1f3: {  	v9 =	vmax.f32 v9, v10;
	(erf) = vpow2.f32 v6  }
0x1f4: {  	v6 =	vmax.f32 v8, v11;
	v8 =	vmul.f32 $2.000000030e-01, v7;
	v9 =	vmul.f32 $1.442695020e+00, v9  }
0x1f5: {  	v6 =	vmul.f32 $1.442695020e+00, v6  }
0x1f6: {  	v7 =	vmax.f32 v7, v8  }
0x1f7: {  	v7 =	vmul.f32 $1.442695020e+00, v7;
	(erf) = vpow2.f32 v6  }
0x1f8: {  	(erf) = vpow2.f32 v9  }
0x1f9: {  	(erf) = vpow2.f32 v7;
	_ =	sdelay $0x1  }
.Ltmp3:
0x1fa: {  	(pc) =	sbr.rel @p0 .LBB2_9-.Ltmp3, $4  }
0x1fb: {  	v6 =	vpop (erf)  }
0x1fc: {  	v7 =	vmov s2;
	[tilespmem:v3+s22+$0x0] =	vst.idx.msk $0xffff, v6  }
0x1fd: {  	v3 =	vshll.u32 v7, $0x4  }
0x1fe: {  	v3 =	vor.u32 v1, v3  }
0x1ff: {  	_ =	sdelay $0x2  }
0x200: {  	v6 =	vor.u32 $0x8, v3;
	v7 =	vpop (erf)  }
0x201: {  	v8 =	vor.u32 $0x9, v3;
	[tilespmem:v5+s22+$0x0] =	vst.idx.msk $0xffff, v7;
	v5 =	vpop (erf)  }
0x202: {  	v9 =	vor.u32 $0x3, v3;
	[tilespmem:v2+s22+$0x0] =	vst.idx.msk $0xffff, v5;
	v2 =	vpop (erf)  }
0x203: {  	v7 =	vor.u32 $0xA, v3;
	[tilespmem:v4+s22+$0x0] =	vst.idx.msk $0xffff, v2  }
0x204: {  	v2 =	vor.u32 $0x1, v3;
	v4 =	vld.idx.msk [tilespmem:v3+s12+$0x0], $0xffff  }
0x205: {  	v5 =	vor.u32 $0x2, v3;
	v6 =	vld.idx.msk [tilespmem:v6+s13+$0x0], $0xffff  }
0x206: {  	v10 =	vor.u32 $0xB, v3;
	v8 =	vld.idx.msk [tilespmem:v8+s13+$0x0], $0xffff  }
0x207: {  	v13 =	vld.idx.msk [tilespmem:v9+s12+$0x0], $0xffff  }
0x208: {  	v7 =	vld.idx.msk [tilespmem:v7+s13+$0x0], $0xffff  }
0x209: {  	v12 =	vld.idx.msk [tilespmem:v2+s12+$0x0], $0xffff  }
0x20a: {  	v11 =	vld.idx.msk [tilespmem:v5+s12+$0x0], $0xffff  }
0x20b: {  	v10 =	vld.idx.msk [tilespmem:v10+s13+$0x0], $0xffff;
	_ =	sdelay $0x1  }
0x20c: {  	v4 =	vadd.f32 v6, v4  }
0x20d: {  	v6 =	vadd.f32 v8, v12  }
0x20e: {  	v7 =	vadd.f32 v7, v11;
	v8 =	vmul.f32 $2.000000030e-01, v4  }
0x20f: {  	v10 =	vadd.f32 v10, v13;
	v11 =	vmul.f32 $2.000000030e-01, v6  }
0x210: {  	v4 =	vmax.f32 v4, v8;
	v8 =	vmul.f32 $2.000000030e-01, v7  }
0x211: {  	v4 =	vmul.f32 $1.442695020e+00, v4;
	v6 =	vmax.f32 v6, v11;
	v11 =	vmul.f32 $2.000000030e-01, v10  }
0x212: {  	v7 =	vmax.f32 v7, v8;
	v6 =	vmul.f32 $1.442695020e+00, v6  }
0x213: {  	(erf) = vpow2.f32 v4;
	v4 =	vmul.f32 $1.442695020e+00, v7;
	v7 =	vmax.f32 v10, v11  }
0x214: {  	v7 =	vmul.f32 $1.442695020e+00, v7;
	(erf) = vpow2.f32 v6  }
0x215: {  	(erf) = vpow2.f32 v4  }
0x216: {  	(erf) = vpow2.f32 v7;
	_ =	sdelay $0x5  }
0x217: {  	v4 =	vpop (erf)  }
0x218: {  	[tilespmem:v3+s22+$0x0] =	vst.idx.msk $0xffff, v4;
	v3 =	vpop (erf)  }
0x219: {  	s1 =	simm.s32 $0x0;
	[tilespmem:v2+s22+$0x0] =	vst.idx.msk $0xffff, v3;
	v2 =	vpop (erf)  }
0x21a: {  	v3 =	vmov s1;
	[tilespmem:v5+s22+$0x0] =	vst.idx.msk $0xffff, v2;
	v2 =	vpop (erf)  }
0x21b: {  	s5 =	simm.s32 $0x1AD60;
	v4 =	vor.u32 $0x2, v3;
	[tilespmem:v9+s22+$0x0] =	vst.idx.msk $0xffff, v2  }
0x21c: {  	v6 =	vld [tilespmem:s5+$0xFFFFFE50]  }
0x21d: {  	v2 =	vor.u32 $0x1, v3;
	v7 =	vld [tilespmem:s5+$0xFFFFFE30]  }
0x21e: {  	v9 =	vld [tilespmem:s5+$0xFFFFFE20]  }
0x21f: {  	v8 =	vor.u32 $0x3, v3;
	v10 =	vld [tilespmem:s5+$0xFFFFFE40]  }
0x220: {  	v4 =	vld.idx.msk [tilespmem:v4+s22+$0x0], $0xffff  }
0x221: {  	v11 =	vld [tilespmem:s5+$0xFFFFFE70]  }
0x222: {  	v2 =	vld.idx.msk [tilespmem:v2+s22+$0x0], $0xffff  }
0x223: {  	v12 =	vld [tilespmem:s5+$0xFFFFFE60]  }
0x224: {  	v8 =	vld.idx.msk [tilespmem:v8+s22+$0x0], $0xffff  }
0x225: {  	v13 =	vld [tilespmem:s5+$0xFFFFFE00];
	v6 =	vmul.f32 v6, v4  }
0x226: {  	v3 =	vld.idx.msk [tilespmem:v3+s22+$0x0], $0xffff;
	v4 =	vmul.f32 v10, v4  }
0x227: {  	v5 =	vld [tilespmem:s5+$0xFFFFFE10];
	v9 =	vmul.f32 v9, v2;
	[tilespmem:s5+$0xFFFFFE50] =	vst v6  }
0x228: {  	v2 =	vmul.f32 v7, v2;
	[tilespmem:s5+$0xFFFFFE40] =	vst v4  }
0x229: {  	s18 =	simm.s32 $0x10;
	v7 =	vmul.f32 v11, v8;
	[tilespmem:s5+$0xFFFFFE20] =	vst v9  }
0x22a: {  	v4 =	vmul.f32 v12, v8;
	v6 =	vmov s18;
	[tilespmem:s5+$0xFFFFFE30] =	vst v2  }
0x22b: {  	v10 =	vld [tilespmem:s5+$0xFFFFFEF0];
	v8 =	vor.u32 $0x3, v6;
	v9 =	vmul.f32 v13, v3;
	[tilespmem:s5+$0xFFFFFE70] =	vst v7  }
0x22c: {  	v2 =	vld [tilespmem:s5+$0xFFFFFE90];
	v3 =	vmul.f32 v5, v3;
	[tilespmem:s5+$0xFFFFFE60] =	vst v4  }
0x22d: {  	v5 =	vld [tilespmem:s5+$0xFFFFFEC0];
	v7 =	vor.u32 $0x1, v6;
	[tilespmem:s5+$0xFFFFFE00] =	vst v9  }
0x22e: {  	v9 =	vor.u32 $0x2, v6;
	[tilespmem:s5+$0xFFFFFE10] =	vst v3;
	v3 =	vld [tilespmem:s5+$0xFFFFFEE0]  }
0x22f: {  	v6 =	vld.idx.msk [tilespmem:v6+s22+$0x0], $0xffff  }
0x230: {  	v8 =	vld.idx.msk [tilespmem:v8+s22+$0x0], $0xffff  }
0x231: {  	v4 =	vld [tilespmem:s5+$0xFFFFFEB0]  }
0x232: {  	v7 =	vld.idx.msk [tilespmem:v7+s22+$0x0], $0xffff  }
0x233: {  	v9 =	vld.idx.msk [tilespmem:v9+s22+$0x0], $0xffff  }
0x234: {  	v11 =	vld [tilespmem:s5+$0xFFFFFEA0];
	v2 =	vmul.f32 v2, v6  }
0x235: {  	v12 =	vld [tilespmem:s5+$0xFFFFFED0];
	v3 =	vmul.f32 v3, v8  }
0x236: {  	v8 =	vmul.f32 v10, v8;
	v10 =	vld [tilespmem:s5+$0xFFFFFE80];
	[tilespmem:s5+$0xFFFFFE90] =	vst v2  }
0x237: {  	[tilespmem:s5+$0xFFFFFEE0] =	vst v3;
	v3 =	vmul.f32 v4, v7  }
0x238: {  	s19 =	simm.s32 $0x20;
	[tilespmem:s5+$0xFFFFFEF0] =	vst v8;
	v4 =	vmul.f32 v5, v9  }
0x239: {  	v2 =	vmov s19;
	v5 =	vmul.f32 v11, v7;
	[tilespmem:s5+$0xFFFFFEB0] =	vst v3  }
0x23a: {  	v7 =	vmul.f32 v12, v9;
	v11 =	vld [tilespmem:s5+$0xFFFFFF10];
	[tilespmem:s5+$0xFFFFFEC0] =	vst v4  }
0x23b: {  	v12 =	vld [tilespmem:s5+$0xFFFFFF60];
	v3 =	vor.u32 $0x1, v2;
	[tilespmem:s5+$0xFFFFFEA0] =	vst v5;
	v4 =	vmul.f32 v10, v6  }
0x23c: {  	v5 =	vld [tilespmem:s5+$0xFFFFFF00];
	[tilespmem:s5+$0xFFFFFED0] =	vst v7  }
0x23d: {  	v9 =	vor.u32 $0x2, v2;
	v10 =	vld [tilespmem:s5+$0xFFFFFF30];
	[tilespmem:s5+$0xFFFFFE80] =	vst v4  }
0x23e: {  	v7 =	vor.u32 $0x3, v2;
	v2 =	vld.idx.msk [tilespmem:v2+s22+$0x0], $0xffff  }
0x23f: {  	v4 =	vld [tilespmem:s5+$0xFFFFFF20]  }
0x240: {  	v3 =	vld.idx.msk [tilespmem:v3+s22+$0x0], $0xffff  }
0x241: {  	v6 =	vld [tilespmem:s5+$0xFFFFFF40]  }
0x242: {  	v9 =	vld.idx.msk [tilespmem:v9+s22+$0x0], $0xffff  }
0x243: {  	v7 =	vld.idx.msk [tilespmem:v7+s22+$0x0], $0xffff;
	v5 =	vmul.f32 v5, v2  }
0x244: {  	v8 =	vld [tilespmem:s5+$0xFFFFFF50];
	v2 =	vmul.f32 v11, v2  }
0x245: {  	v4 =	vmul.f32 v4, v3;
	v3 =	vmul.f32 v10, v3;
	v10 =	vld [tilespmem:s5+$0xFFFFFF70];
	[tilespmem:s5+$0xFFFFFF00] =	vst v5  }
0x246: {  	s25 =	simm.s32 $0x30;
	[tilespmem:s5+$0xFFFFFF10] =	vst v2  }
0x247: {  	v5 =	vmul.f32 v6, v9;
	[tilespmem:s5+$0xFFFFFF30] =	vst v3;
	v3 =	vmov s25  }
0x248: {  	v6 =	vmul.f32 v12, v7;
	[tilespmem:s5+$0xFFFFFF20] =	vst v4;
	v2 =	vor.u32 $0x2, v3  }
0x249: {  	v13 =	vld [tilespmem:s5+$0xFFFFFFA0];
	v4 =	vmul.f32 v8, v9;
	[tilespmem:s5+$0xFFFFFF40] =	vst v5  }
0x24a: {  	v9 =	vld [tilespmem:s5+$0xFFFFFF90];
	[tilespmem:s5+$0xFFFFFF60] =	vst v6;
	v7 =	vmul.f32 v10, v7  }
0x24b: {  	v5 =	vld [tilespmem:s5+$0xFFFFFFC0];
	[tilespmem:s5+$0xFFFFFF50] =	vst v4;
	v4 =	vor.u32 $0x3, v3  }
0x24c: {  	v6 =	vld [tilespmem:s5+$0xFFFFFFE0];
	[tilespmem:s5+$0xFFFFFF70] =	vst v7  }
0x24d: {  	v2 =	vld.idx.msk [tilespmem:v2+s22+$0x0], $0xffff  }
0x24e: {  	v7 =	vor.u32 $0x1, v3;
	v3 =	vld.idx.msk [tilespmem:v3+s22+$0x0], $0xffff  }
0x24f: {  	v10 =	vld [tilespmem:s5+$0xFFFFFF80]  }
0x250: {  	v4 =	vld.idx.msk [tilespmem:v4+s22+$0x0], $0xffff  }
0x251: {  	v12 =	vld [tilespmem:s5+$0xFFFFFFF0]  }
0x252: {  	v11 =	vld [tilespmem:s5+$0xFFFFFFD0];
	v5 =	vmul.f32 v5, v2  }
0x253: {  	v7 =	vld.idx.msk [tilespmem:v7+s22+$0x0], $0xffff;
	v9 =	vmul.f32 v9, v3  }
0x254: {  	v8 =	vld [tilespmem:s5+$0xFFFFFFB0];
	v10 =	vmul.f32 v10, v3;
	[tilespmem:s5+$0xFFFFFFC0] =	vst v5  }
0x255: {  	v3 =	vld [tilespmem:s5+$0x0];
	v6 =	vmul.f32 v6, v4;
	[tilespmem:s5+$0xFFFFFF90] =	vst v9  }
0x256: {  	s29 =	simm.s32 $0x40;
	v4 =	vmul.f32 v12, v4;
	v5 =	vld [tilespmem:s5+$0x20];
	[tilespmem:s5+$0xFFFFFF80] =	vst v10  }
0x257: {  	v9 =	vmov s29;
	[tilespmem:s5+$0xFFFFFFE0] =	vst v6;
	v6 =	vmul.f32 v11, v2;
	v2 =	vld [tilespmem:s5+$0x70]  }
0x258: {  	v11 =	vor.u32 $0x1, v9;
	[tilespmem:s5+$0xFFFFFFF0] =	vst v4;
	v4 =	vld [tilespmem:s5+$0x40];
	v12 =	vmul.f32 v13, v7  }
0x259: {  	v10 =	vor.u32 $0x2, v9;
	v7 =	vmul.f32 v8, v7;
	v8 =	vld [tilespmem:s5+$0x10];
	[tilespmem:s5+$0xFFFFFFD0] =	vst v6  }
0x25a: {  	v14 =	vor.u32 $0x3, v9;
	v6 =	vld [tilespmem:s5+$0x30];
	[tilespmem:s5+$0xFFFFFFA0] =	vst v12  }
0x25b: {  	[tilespmem:s5+$0xFFFFFFB0] =	vst v7;
	v7 =	vld [tilespmem:s5+$0x50]  }
0x25c: {  	v12 =	vld.idx.msk [tilespmem:v9+s22+$0x0], $0xffff  }
0x25d: {  	v13 =	vld.idx.msk [tilespmem:v11+s22+$0x0], $0xffff  }
0x25e: {  	v10 =	vld.idx.msk [tilespmem:v10+s22+$0x0], $0xffff  }
0x25f: {  	s17 =	simm.s32 $0x50;
	s10 =	simm.s32 $0x60;
	v9 =	vld.idx.msk [tilespmem:v14+s22+$0x0], $0xffff  }
0x260: {  	s1 =	simm.s32 $0x1AD60;
	s18 =	simm.s32 $0x70;
	s19 =	simm.s32 $0x8;
	v11 =	vld [tilespmem:s5+$0x60]  }
.LBB2_11:
0x261: {  	p0 =	slt.u32 s19, $0x48  }
0x262: {  	s5 =	sadd.s32 $0x400, s5;
	s11 =	smov.u32 s19;
	s19 =	sadd.s32 $0x8, s19  }
0x263: {  	v5 =	vmul.f32 v5, v13;
	v6 =	vmul.f32 v6, v13  }
0x264: {  	v3 =	vmul.f32 v3, v12;
	v8 =	vmul.f32 v8, v12  }
0x265: {  	v4 =	vmul.f32 v4, v10;
	[tilespmem:s1+$0x20] =	vst v5;
	v5 =	vmul.f32 v7, v10  }
0x266: {  	v2 =	vmul.f32 v2, v9;
	[tilespmem:s1+$0x0] =	vst v3;
	v3 =	vmul.f32 v11, v9  }
0x267: {  	[tilespmem:s1+$0x30] =	vst v6;
	v6 =	vmov s17;
	v7 =	vld [tilespmem:s1+$0x80]  }
0x268: {  	[tilespmem:s1+$0x70] =	vst v2;
	v2 =	vor.u32 $0x2, v6;
	v9 =	vld [tilespmem:s1+$0xA0]  }
0x269: {  	[tilespmem:s1+$0x10] =	vst v8;
	v8 =	vor.u32 $0x1, v6;
	v10 =	vld [tilespmem:s1+$0x90]  }
0x26a: {  	[tilespmem:s1+$0x40] =	vst v4;
	v4 =	vld [tilespmem:s1+$0xC0]  }
0x26b: {  	[tilespmem:s1+$0x50] =	vst v5;
	v5 =	vor.u32 $0x3, v6;
	v11 =	vld [tilespmem:s1+$0xB0]  }
0x26c: {  	[tilespmem:s1+$0x60] =	vst v3;
	v3 =	vld [tilespmem:s1+$0xD0]  }
0x26d: {  	v2 =	vld.idx.msk [tilespmem:v2+s22+$0x0], $0xffff  }
0x26e: {  	v8 =	vld.idx.msk [tilespmem:v8+s22+$0x0], $0xffff  }
0x26f: {  	v6 =	vld.idx.msk [tilespmem:v6+s22+$0x0], $0xffff  }
0x270: {  	v5 =	vld.idx.msk [tilespmem:v5+s22+$0x0], $0xffff  }
0x271: {  	v12 =	vld [tilespmem:s1+$0xF0];
	_ =	sdelay $0x1  }
0x272: {  	v4 =	vmul.f32 v4, v2;
	v2 =	vmul.f32 v3, v2;
	v3 =	vld [tilespmem:s1+$0xE0]  }
0x273: {  	v9 =	vmul.f32 v9, v8;
	v8 =	vmul.f32 v11, v8  }
0x274: {  	v7 =	vmul.f32 v7, v6;
	v6 =	vmul.f32 v10, v6;
	[tilespmem:s1+$0xC0] =	vst v4  }
0x275: {  	[tilespmem:s1+$0xA0] =	vst v9;
	v4 =	vmul.f32 v12, v5;
	v9 =	vld [tilespmem:s1+$0x140]  }
0x276: {  	[tilespmem:s1+$0x80] =	vst v7;
	v7 =	vld [tilespmem:s1+$0x120]  }
0x277: {  	[tilespmem:s1+$0x90] =	vst v6;
	v3 =	vmul.f32 v3, v5;
	v5 =	vmov s10;
	v6 =	vld [tilespmem:s1+$0x170]  }
0x278: {  	[tilespmem:s1+$0xD0] =	vst v2;
	v2 =	vor.u32 $0x1, v5;
	v10 =	vld [tilespmem:s1+$0x110]  }
0x279: {  	[tilespmem:s1+$0xB0] =	vst v8;
	v8 =	vor.u32 $0x2, v5;
	v11 =	vld [tilespmem:s1+$0x150]  }
0x27a: {  	[tilespmem:s1+$0xE0] =	vst v3;
	v3 =	vor.u32 $0x3, v5;
	v12 =	vld [tilespmem:s1+$0x130]  }
0x27b: {  	[tilespmem:s1+$0xF0] =	vst v4;
	v4 =	vld [tilespmem:s1+$0x100]  }
0x27c: {  	v5 =	vld.idx.msk [tilespmem:v5+s22+$0x0], $0xffff  }
0x27d: {  	v2 =	vld.idx.msk [tilespmem:v2+s22+$0x0], $0xffff  }
0x27e: {  	v8 =	vld.idx.msk [tilespmem:v8+s22+$0x0], $0xffff  }
0x27f: {  	v3 =	vld.idx.msk [tilespmem:v3+s22+$0x0], $0xffff  }
0x280: {  	v13 =	vld [tilespmem:s1+$0x160];
	_ =	sdelay $0x1  }
0x281: {  	v4 =	vmul.f32 v4, v5;
	v5 =	vmul.f32 v10, v5  }
0x282: {  	v7 =	vmul.f32 v7, v2;
	v2 =	vmul.f32 v12, v2  }
0x283: {  	[tilespmem:s1+$0x110] =	vst v5;
	v5 =	vmul.f32 v9, v8;
	v8 =	vmul.f32 v11, v8  }
0x284: {  	[tilespmem:s1+$0x120] =	vst v7;
	v7 =	vmul.f32 v13, v3;
	v3 =	vmul.f32 v6, v3;
	v6 =	vld [tilespmem:s1+$0x1A0]  }
0x285: {  	[tilespmem:s1+$0x140] =	vst v5;
	v5 =	vld [tilespmem:s1+$0x180]  }
0x286: {  	[tilespmem:s1+$0x170] =	vst v3;
	v3 =	vmov s18;
	v9 =	vld [tilespmem:s1+$0x1E0]  }
0x287: {  	[tilespmem:s1+$0x100] =	vst v4;
	v4 =	vor.u32 $0x1, v3;
	v10 =	vld [tilespmem:s1+$0x1D0]  }
0x288: {  	[tilespmem:s1+$0x130] =	vst v2;
	v2 =	vor.u32 $0x2, v3;
	v11 =	vld [tilespmem:s1+$0x1C0]  }
0x289: {  	[tilespmem:s1+$0x150] =	vst v8;
	v8 =	vor.u32 $0x3, v3;
	v12 =	vld [tilespmem:s1+$0x190]  }
0x28a: {  	[tilespmem:s1+$0x160] =	vst v7;
	v7 =	vld [tilespmem:s1+$0x1B0]  }
0x28b: {  	v3 =	vld.idx.msk [tilespmem:v3+s22+$0x0], $0xffff  }
0x28c: {  	v4 =	vld.idx.msk [tilespmem:v4+s22+$0x0], $0xffff  }
0x28d: {  	v2 =	vld.idx.msk [tilespmem:v2+s22+$0x0], $0xffff  }
0x28e: {  	v8 =	vld.idx.msk [tilespmem:v8+s22+$0x0], $0xffff  }
0x28f: {  	v13 =	vld [tilespmem:s1+$0x1F0];
	_ =	sdelay $0x1  }
0x290: {  	v5 =	vmul.f32 v5, v3;
	v3 =	vmul.f32 v12, v3  }
0x291: {  	v6 =	vmul.f32 v6, v4;
	v4 =	vmul.f32 v7, v4  }
0x292: {  	s18 =	sshll.u32 s11, $0x4;
	[tilespmem:s1+$0x180] =	vst v5;
	v5 =	vmul.f32 v11, v2;
	v2 =	vmul.f32 v10, v2  }
0x293: {  	s25 =	sadd.s32 $0x10, s18;
	s2 =	sadd.s32 $0x20, s18;
	s29 =	sadd.s32 $0x30, s18;
	v7 =	vmov s18;
	[tilespmem:s1+$0x1A0] =	vst v6;
	v6 =	vmul.f32 v9, v8;
	v8 =	vmul.f32 v13, v8  }
0x294: {  	s11 =	sadd.s32 $0x40, s18;
	s17 =	sadd.s32 $0x50, s18;
	s10 =	sadd.s32 $0x60, s18;
	v10 =	vor.u32 $0x2, v7;
	v11 =	vor.u32 $0x3, v7;
	v9 =	vor.u32 $0x1, v7;
	[tilespmem:s1+$0x190] =	vst v3  }
0x295: {  	s18 =	sadd.s32 $0x70, s18;
	[tilespmem:s1+$0x1D0] =	vst v2  }
0x296: {  	v2 =	vld [tilespmem:s5+$0xFFFFFE10];
	[tilespmem:s1+$0x1C0] =	vst v5  }
0x297: {  	v3 =	vld [tilespmem:s5+$0xFFFFFE50];
	[tilespmem:s1+$0x1E0] =	vst v6  }
0x298: {  	v5 =	vld [tilespmem:s5+$0xFFFFFE30];
	[tilespmem:s1+$0x1B0] =	vst v4  }
0x299: {  	v4 =	vld [tilespmem:s5+$0xFFFFFE20];
	[tilespmem:s1+$0x1F0] =	vst v8;
	s1 =	smov.u32 s5  }
0x29a: {  	v6 =	vld.idx.msk [tilespmem:v9+s22+$0x0], $0xffff  }
0x29b: {  	v8 =	vld.idx.msk [tilespmem:v10+s22+$0x0], $0xffff  }
0x29c: {  	v9 =	vld [tilespmem:s5+$0xFFFFFE40]  }
0x29d: {  	v10 =	vld [tilespmem:s5+$0xFFFFFE70]  }
0x29e: {  	v11 =	vld.idx.msk [tilespmem:v11+s22+$0x0], $0xffff  }
0x29f: {  	v12 =	vld [tilespmem:s5+$0xFFFFFE60]  }
0x2a0: {  	v4 =	vmul.f32 v4, v6;
	v5 =	vmul.f32 v5, v6;
	v7 =	vld.idx.msk [tilespmem:v7+s22+$0x0], $0xffff  }
0x2a1: {  	v3 =	vmul.f32 v3, v8;
	v6 =	vld [tilespmem:s5+$0xFFFFFE00];
	v9 =	vmul.f32 v9, v8  }
0x2a2: {  	[tilespmem:s5+$0xFFFFFE20] =	vst v4  }
0x2a3: {  	[tilespmem:s5+$0xFFFFFE50] =	vst v3  }
0x2a4: {  	v8 =	vmov s25;
	v4 =	vmul.f32 v10, v11;
	[tilespmem:s5+$0xFFFFFE40] =	vst v9;
	v3 =	vmul.f32 v12, v11;
	v9 =	vld [tilespmem:s5+$0xFFFFFEB0]  }
0x2a5: {  	[tilespmem:s5+$0xFFFFFE30] =	vst v5;
	v5 =	vor.u32 $0x2, v8;
	v10 =	vld [tilespmem:s5+$0xFFFFFE90]  }
0x2a6: {  	v2 =	vmul.f32 v2, v7;
	v6 =	vmul.f32 v6, v7;
	[tilespmem:s5+$0xFFFFFE60] =	vst v3;
	v3 =	vor.u32 $0x3, v8;
	v7 =	vld [tilespmem:s5+$0xFFFFFED0]  }
0x2a7: {  	[tilespmem:s5+$0xFFFFFE70] =	vst v4;
	v4 =	vld [tilespmem:s5+$0xFFFFFEC0]  }
0x2a8: {  	[tilespmem:s5+$0xFFFFFE00] =	vst v6;
	v6 =	vor.u32 $0x1, v8;
	v11 =	vld [tilespmem:s5+$0xFFFFFEF0]  }
0x2a9: {  	[tilespmem:s5+$0xFFFFFE10] =	vst v2;
	v2 =	vld [tilespmem:s5+$0xFFFFFEE0]  }
0x2aa: {  	v5 =	vld.idx.msk [tilespmem:v5+s22+$0x0], $0xffff  }
0x2ab: {  	v3 =	vld.idx.msk [tilespmem:v3+s22+$0x0], $0xffff  }
0x2ac: {  	v8 =	vld.idx.msk [tilespmem:v8+s22+$0x0], $0xffff  }
0x2ad: {  	v6 =	vld.idx.msk [tilespmem:v6+s22+$0x0], $0xffff  }
0x2ae: {  	v12 =	vld [tilespmem:s5+$0xFFFFFE80]  }
0x2af: {  	v13 =	vld [tilespmem:s5+$0xFFFFFEA0];
	_ =	sdelay $0x1  }
0x2b0: {  	v2 =	vmul.f32 v2, v3;
	v3 =	vmul.f32 v11, v3  }
0x2b1: {  	v4 =	vmul.f32 v4, v5;
	v5 =	vmul.f32 v7, v5  }
0x2b2: {  	v7 =	vmul.f32 v12, v8;
	v8 =	vmul.f32 v10, v8;
	[tilespmem:s5+$0xFFFFFEE0] =	vst v2  }
0x2b3: {  	v2 =	vmul.f32 v13, v6;
	v6 =	vmul.f32 v9, v6;
	[tilespmem:s5+$0xFFFFFEF0] =	vst v3;
	v3 =	vld [tilespmem:s5+$0xFFFFFF70]  }
0x2b4: {  	[tilespmem:s5+$0xFFFFFE90] =	vst v8;
	v8 =	vmov s2;
	v9 =	vld [tilespmem:s5+$0xFFFFFF50]  }
0x2b5: {  	[tilespmem:s5+$0xFFFFFEB0] =	vst v6;
	v6 =	vor.u32 $0x1, v8;
	v10 =	vld [tilespmem:s5+$0xFFFFFF40]  }
0x2b6: {  	[tilespmem:s5+$0xFFFFFEC0] =	vst v4;
	v4 =	vld [tilespmem:s5+$0xFFFFFF10]  }
0x2b7: {  	[tilespmem:s5+$0xFFFFFEA0] =	vst v2;
	v2 =	vor.u32 $0x2, v8;
	v11 =	vld [tilespmem:s5+$0xFFFFFF00]  }
0x2b8: {  	[tilespmem:s5+$0xFFFFFED0] =	vst v5;
	v5 =	vor.u32 $0x3, v8;
	v12 =	vld [tilespmem:s5+$0xFFFFFF30]  }
0x2b9: {  	[tilespmem:s5+$0xFFFFFE80] =	vst v7;
	v7 =	vld [tilespmem:s5+$0xFFFFFF20]  }
0x2ba: {  	v6 =	vld.idx.msk [tilespmem:v6+s22+$0x0], $0xffff  }
0x2bb: {  	v8 =	vld.idx.msk [tilespmem:v8+s22+$0x0], $0xffff  }
0x2bc: {  	v2 =	vld.idx.msk [tilespmem:v2+s22+$0x0], $0xffff  }
0x2bd: {  	v5 =	vld.idx.msk [tilespmem:v5+s22+$0x0], $0xffff  }
0x2be: {  	v13 =	vld [tilespmem:s5+$0xFFFFFF60];
	_ =	sdelay $0x1  }
0x2bf: {  	v7 =	vmul.f32 v7, v6;
	v6 =	vmul.f32 v12, v6  }
0x2c0: {  	v11 =	vmul.f32 v11, v8;
	v4 =	vmul.f32 v4, v8  }
0x2c1: {  	[tilespmem:s5+$0xFFFFFF20] =	vst v7;
	v7 =	vmul.f32 v10, v2;
	v2 =	vmul.f32 v9, v2  }
0x2c2: {  	v3 =	vmul.f32 v3, v5;
	[tilespmem:s5+$0xFFFFFF30] =	vst v6;
	v6 =	vmul.f32 v13, v5;
	v5 =	vld [tilespmem:s5+$0xFFFFFFB0]  }
0x2c3: {  	v8 =	vmov s29;
	[tilespmem:s5+$0xFFFFFF00] =	vst v11;
	v9 =	vld [tilespmem:s5+$0xFFFFFF90]  }
0x2c4: {  	[tilespmem:s5+$0xFFFFFF50] =	vst v2;
	v2 =	vor.u32 $0x3, v8;
	v10 =	vld [tilespmem:s5+$0xFFFFFF80]  }
0x2c5: {  	[tilespmem:s5+$0xFFFFFF10] =	vst v4;
	v4 =	vor.u32 $0x2, v8;
	v11 =	vld [tilespmem:s5+$0xFFFFFFD0]  }
0x2c6: {  	[tilespmem:s5+$0xFFFFFF40] =	vst v7;
	v7 =	vld [tilespmem:s5+$0xFFFFFFC0]  }
0x2c7: {  	[tilespmem:s5+$0xFFFFFF60] =	vst v6;
	v6 =	vor.u32 $0x1, v8;
	v12 =	vld [tilespmem:s5+$0xFFFFFFF0]  }
0x2c8: {  	[tilespmem:s5+$0xFFFFFF70] =	vst v3;
	v3 =	vld [tilespmem:s5+$0xFFFFFFE0]  }
0x2c9: {  	v2 =	vld.idx.msk [tilespmem:v2+s22+$0x0], $0xffff  }
0x2ca: {  	v4 =	vld.idx.msk [tilespmem:v4+s22+$0x0], $0xffff  }
0x2cb: {  	v8 =	vld.idx.msk [tilespmem:v8+s22+$0x0], $0xffff  }
0x2cc: {  	v6 =	vld.idx.msk [tilespmem:v6+s22+$0x0], $0xffff  }
0x2cd: {  	v13 =	vld [tilespmem:s5+$0xFFFFFFA0];
	_ =	sdelay $0x1  }
0x2ce: {  	v3 =	vmul.f32 v3, v2;
	v12 =	vmul.f32 v12, v2  }
0x2cf: {  	v2 =	vmul.f32 v7, v4;
	v4 =	vmul.f32 v11, v4  }
0x2d0: {  	v7 =	vmul.f32 v10, v8;
	v8 =	vmul.f32 v9, v8;
	[tilespmem:s5+$0xFFFFFFE0] =	vst v3  }
0x2d1: {  	v10 =	vmul.f32 v5, v6;
	v9 =	vmul.f32 v13, v6;
	[tilespmem:s5+$0xFFFFFFC0] =	vst v2;
	v2 =	vld [tilespmem:s5+$0x70]  }
0x2d2: {  	v11 =	vmov s11;
	[tilespmem:s5+$0xFFFFFF90] =	vst v8;
	v3 =	vld [tilespmem:s5+$0x0]  }
0x2d3: {  	v13 =	vor.u32 $0x1, v11;
	[tilespmem:s5+$0xFFFFFFD0] =	vst v4;
	v5 =	vld [tilespmem:s5+$0x20]  }
0x2d4: {  	[tilespmem:s5+$0xFFFFFF80] =	vst v7;
	v6 =	vld [tilespmem:s5+$0x30]  }
0x2d5: {  	v14 =	vor.u32 $0x2, v11;
	[tilespmem:s5+$0xFFFFFFF0] =	vst v12;
	v4 =	vld [tilespmem:s5+$0x40]  }
0x2d6: {  	[tilespmem:s5+$0xFFFFFFA0] =	vst v9;
	v9 =	vor.u32 $0x3, v11;
	v8 =	vld [tilespmem:s5+$0x10]  }
0x2d7: {  	[tilespmem:s5+$0xFFFFFFB0] =	vst v10;
	v7 =	vld [tilespmem:s5+$0x50]  }
.Ltmp4:
0x2d8: {  	v13 =	vld.idx.msk [tilespmem:v13+s22+$0x0], $0xffff;
	(pc) =	sbr.rel @p0 .LBB2_11-.Ltmp4, $4  }
0x2d9: {  	v12 =	vld.idx.msk [tilespmem:v11+s22+$0x0], $0xffff  }
0x2da: {  	v10 =	vld.idx.msk [tilespmem:v14+s22+$0x0], $0xffff  }
0x2db: {  	v9 =	vld.idx.msk [tilespmem:v9+s22+$0x0], $0xffff  }
0x2dc: {  	v11 =	vld [tilespmem:s5+$0x60]  }
0x2dd: {  	v5 =	vmul.f32 v5, v13  }
0x2de: {  	v6 =	vmul.f32 v6, v13  }
0x2df: {  	v3 =	vmul.f32 v3, v12;
	[tilespmem:s1+$0x20] =	vst v5  }
0x2e0: {  	[tilespmem:s1+$0x30] =	vst v6;
	v4 =	vmul.f32 v4, v10  }
0x2e1: {  	v7 =	vmul.f32 v7, v10;
	[tilespmem:s1+$0x0] =	vst v3  }
0x2e2: {  	v28 =	vmov s17;
	v2 =	vmul.f32 v2, v9;
	[tilespmem:s1+$0x40] =	vst v4  }
0x2e3: {  	v29 =	vld [tilespmem:s1+$0x80];
	v3 =	vmul.f32 v8, v12;
	[tilespmem:s1+$0x50] =	vst v7  }
0x2e4: {  	v30 =	vld [tilespmem:s1+$0xA0];
	v34 =	vor.u32 $0x3, v28;
	v31 =	vmul.f32 v11, v9;
	[tilespmem:s1+$0x70] =	vst v2  }
0x2e5: {  	v32 =	vld [tilespmem:s1+$0x90];
	[tilespmem:s1+$0x10] =	vst v3  }
0x2e6: {  	v33 =	vld [tilespmem:s1+$0xC0];
	v2 =	vor.u32 $0x2, v28;
	[tilespmem:s1+$0x60] =	vst v31  }
0x2e7: {  	v3 =	vor.u32 $0x1, v28;
	v5 =	vld.idx.msk [tilespmem:v28+s22+$0x0], $0xffff  }
0x2e8: {  	v38 =	vld [tilespmem:s1+$0xE0]  }
0x2e9: {  	v7 =	vld.idx.msk [tilespmem:v34+s22+$0x0], $0xffff  }
0x2ea: {  	v37 =	vld [tilespmem:s1+$0xF0]  }
0x2eb: {  	v2 =	vld.idx.msk [tilespmem:v2+s22+$0x0], $0xffff  }
0x2ec: {  	v3 =	vld.idx.msk [tilespmem:v3+s22+$0x0], $0xffff;
	v6 =	vmul.f32 v29, v5  }
0x2ed: {  	v36 =	vld [tilespmem:s1+$0xD0];
	v39 =	vmul.f32 v32, v5  }
0x2ee: {  	v35 =	vld [tilespmem:s1+$0xB0];
	v42 =	vmul.f32 v38, v7;
	[tilespmem:s1+$0x80] =	vst v6  }
0x2ef: {  	v7 =	vmul.f32 v37, v7;
	[tilespmem:s1+$0x90] =	vst v39  }
0x2f0: {  	[tilespmem:s1+$0xE0] =	vst v42;
	v4 =	vmul.f32 v33, v2  }
0x2f1: {  	v40 =	vmov s10;
	[tilespmem:s1+$0xF0] =	vst v7;
	v8 =	vmul.f32 v30, v3  }
0x2f2: {  	v41 =	vld [tilespmem:s1+$0x140];
	v45 =	vor.u32 $0x3, v40;
	v2 =	vmul.f32 v36, v2;
	[tilespmem:s1+$0xC0] =	vst v4  }
0x2f3: {  	v43 =	vld [tilespmem:s1+$0x110];
	v3 =	vmul.f32 v35, v3;
	[tilespmem:s1+$0xA0] =	vst v8  }
0x2f4: {  	v44 =	vld [tilespmem:s1+$0x120];
	[tilespmem:s1+$0xD0] =	vst v2  }
0x2f5: {  	v46 =	vld [tilespmem:s1+$0x170];
	v2 =	vor.u32 $0x1, v40;
	[tilespmem:s1+$0xB0] =	vst v3  }
0x2f6: {  	v3 =	vor.u32 $0x2, v40;
	v4 =	vld.idx.msk [tilespmem:v40+s22+$0x0], $0xffff  }
0x2f7: {  	v6 =	vld.idx.msk [tilespmem:v45+s22+$0x0], $0xffff  }
0x2f8: {  	v47 =	vld [tilespmem:s1+$0x100]  }
0x2f9: {  	v50 =	vld [tilespmem:s1+$0x160]  }
0x2fa: {  	v2 =	vld.idx.msk [tilespmem:v2+s22+$0x0], $0xffff  }
0x2fb: {  	v3 =	vld.idx.msk [tilespmem:v3+s22+$0x0], $0xffff;
	v8 =	vmul.f32 v43, v4  }
0x2fc: {  	v48 =	vld [tilespmem:s1+$0x130];
	v51 =	vmul.f32 v46, v6  }
0x2fd: {  	v49 =	vld [tilespmem:s1+$0x150];
	v4 =	vmul.f32 v47, v4;
	[tilespmem:s1+$0x110] =	vst v8  }
0x2fe: {  	v6 =	vmul.f32 v50, v6;
	[tilespmem:s1+$0x170] =	vst v51  }
0x2ff: {  	[tilespmem:s1+$0x100] =	vst v4;
	v9 =	vmul.f32 v44, v2  }
0x300: {  	v52 =	vld [tilespmem:s1+$0x1A0];
	v54 =	vmov s18;
	[tilespmem:s1+$0x160] =	vst v6;
	v5 =	vmul.f32 v41, v3  }
0x301: {  	v53 =	vld [tilespmem:s1+$0x180];
	v55 =	vor.u32 $0x1, v54;
	v2 =	vmul.f32 v48, v2;
	[tilespmem:s1+$0x120] =	vst v9  }
0x302: {  	v56 =	vld [tilespmem:s1+$0x1E0];
	v3 =	vmul.f32 v49, v3;
	[tilespmem:s1+$0x140] =	vst v5  }
0x303: {  	v58 =	vld [tilespmem:s1+$0x1D0];
	[tilespmem:s1+$0x130] =	vst v2  }
0x304: {  	v59 =	vld [tilespmem:s1+$0x1C0];
	v57 =	vor.u32 $0x3, v54;
	[tilespmem:s1+$0x150] =	vst v3  }
0x305: {  	v2 =	vor.u32 $0x2, v54;
	v7 =	vld.idx.msk [tilespmem:v54+s22+$0x0], $0xffff  }
0x306: {  	v4 =	vld.idx.msk [tilespmem:v55+s22+$0x0], $0xffff  }
0x307: {  	v3 =	vld [tilespmem:s1+$0x190]  }
0x308: {  	v60 =	vld [tilespmem:s1+$0x1B0]  }
0x309: {  	v6 =	vld.idx.msk [tilespmem:v57+s22+$0x0], $0xffff  }
0x30a: {  	v2 =	vld.idx.msk [tilespmem:v2+s22+$0x0], $0xffff;
	v5 =	vmul.f32 v53, v7  }
0x30b: {  	v9 =	vmul.f32 v52, v4  }
0x30c: {  	v61 =	vld [tilespmem:s1+$0x1F0];
	v3 =	vmul.f32 v3, v7;
	[tilespmem:s1+$0x180] =	vst v5  }
0x30d: {  	v4 =	vmul.f32 v60, v4;
	[tilespmem:s1+$0x1A0] =	vst v9  }
0x30e: {  	[tilespmem:s1+$0x190] =	vst v3;
	v3 =	vmul.f32 v56, v6  }
0x30f: {  	[tilespmem:s1+$0x1B0] =	vst v4;
	v62 =	vmul.f32 v58, v2;
	v2 =	vmul.f32 v59, v2  }
0x310: {  	[tilespmem:s1+$0x1E0] =	vst v3  }
0x311: {  	[tilespmem:s1+$0x1C0] =	vst v2;
	v2 =	vmul.f32 v61, v6  }
0x312: {  	[tilespmem:s1+$0x1D0] =	vst v62  }
0x313: {  	[tilespmem:s1+$0x1F0] =	vst v2  }
0x314: {  	v2 =	vld [tilespmem:$0x17870]  }
0x315: {  	v3 =	vld [tilespmem:$0x17880]  }
0x316: {  	v4 =	vld [tilespmem:$0x17890]  }
0x317: {  	v5 =	vld [tilespmem:$0x178A0]  }
0x318: {  	v63 =	vld [tilespmem:$0x178B0]  }
0x319: {  	[tilespmem:$0x17910] =	vst v2  }
0x31a: {  	[tilespmem:$0x17920] =	vst v3  }
0x31b: {  	[tilespmem:$0x17930] =	vst v4  }
0x31c: {  	[tilespmem:$0x17940] =	vst v5  }
0x31d: {  	s5 =	rddreg [dreg:$0x3];
	s2 =	simm.s32 $0x17910;
	[tilespmem:$0x17950] =	vst v63  }
0x31e: {  	[spmem:s5] =	stream.indirect.scatter.add.f32 [tilespmem:s22], [sflag:$0x8], $0x10, s2, s28, $0xb8;
	[tilespmem:$0x1D360] =	vst v63  }
0x31f: {  	s11 =	simm.s32 $0x1AB60  }
0x320: {  	[spmem:s0] =	stream.indirect.scatter.add.f32 [tilespmem:s11], [sflag:$0x8], $0x80, s2, s28, $0xb8;
	[tilespmem:$0x1D360] =	vst v63  }
0x321: {  	_ =	swait.ge [sflag:s23], $0x500  }
0x322: {  	[sflag:s23] =	ssyncset.done $0x0  }
0x323: {  	[sflag:s23] =	ssyncadd.s32 $0xFFFFFB00  }
0x324: {  	_ =	swait.ge [sflag:s23], $0x2800  }
0x325: {  	[sflag:s23] =	ssyncset.done $0x0;
	s19 =	rddreg [dreg:$0xf]  }
0x326: {  	s10 =	simm.s32 $0x18360;
	[sflag:s23] =	ssyncadd.s32 $0xFFFFD800;
	s1 =	sadd.s32 s4, s19  }
0x327: {  	[tilespmem:s10], [sflag:$0x1] =	stream.indirect.gather [hbm4b:s20+s28], $0x80, s24, s28, $0xb8;
	[tilespmem:$0x1D360] =	vst v63  }
0x328: {  	s3 =	sadd.s32 $0x1, s3;
	p0 =	slt.s32 s1, $0x9C3B0  }
0x329: {  	[tilespmem:s30], [sflag:$0x3] =	stream.indirect.gather [hbm4b:s6+s28], $0x10, s24, s28, $0xb8;
	[tilespmem:$0x1D360] =	vst v63  }
0x32a: {  	s18 =	simm.s32 $0x17820;
	s1 =	simm.s32 @!p0 $0x9C3B0;
	p0 =	sne.s32 s3, $0x7D  }
0x32b: {  	[tilespmem:s31], [sflag:$0x3] =	stream.indirect.gather [hbm4b:s6+s28], $0x10, s18, s28, $0xb8;
	[tilespmem:$0x1D360] =	vst v63  }
.Ltmp5:
0x32c: {  	s17 =	smov.u32 s20;
	s1 =	sshrl.u32 s1, $0x3;
	(pc) =	sbr.rel @p0 .LBB2_4-.Ltmp5, $4  }
0x32d: {  	s29 =	simm.s32 $0x0;
	s4 =	simm.s32 $0x177D0;
	s20 =	sadd.s32 s7, s1  }
0x32e: {  	[tilespmem:s4], [sflag:$0x6] =	stream.linear.gather [hbm4b:s20+s29], $0x50, $0x38;
	[tilespmem:$0x1D360] =	vst v63  }
0x32f: {  	s25 =	smov.u32 s0;
	s10 =	simm.s32 $0x17870;
	s1 =	sadd.s32 s8, s1  }
0x330: {  	[tilespmem:s10], [sflag:$0x6] =	stream.linear.gather [hbm4b:s1+s29], $0x50, $0x38;
	[tilespmem:$0x1D360] =	vst v63  }
0x331: {  	_ =	swait.ge [sflag:s14], $0x2800  }
0x332: {  	[sflag:s14] =	ssyncset.done $0x0  }
0x333: {  	[sflag:s14] =	ssyncadd.s32 $0xFFFFD800  }
0x334: {  	_ =	swait.ge [sflag:s15], $0x500  }
0x335: {  	[sflag:s15] =	ssyncset.done $0x0  }
0x336: {  	[sflag:s15] =	ssyncadd.s32 $0xFFFFFB00  }
0x337: {  	_ =	swait.ge [sflag:s15], $0x500  }
0x338: {  	[sflag:s15] =	ssyncset.done $0x0  }
0x339: {  	[sflag:s15] =	ssyncadd.s32 $0xFFFFFB00  }
0x33a: {  	_ =	swait.ge [sflag:s9], $0x50  }
0x33b: {  	[sflag:s9] =	ssyncset.done $0x0  }
0x33c: {  	[sflag:s9] =	ssyncadd.s32 $0xFFFFFFB0  }
0x33d: {  	_ =	swait.ge [sflag:s9], $0x50  }
0x33e: {  	[sflag:s9] =	ssyncset.done $0x0  }
0x33f: {  	s0 =	simm.s32 $0x8;
	[sflag:s9] =	ssyncadd.s32 $0xFFFFFFB0  }
0x340: {  	_ =	swait.ge [sflag:s0], $0x500  }
0x341: {  	[sflag:s0] =	ssyncset.done $0x0  }
0x342: {  	[sflag:s0] =	ssyncadd.s32 $0xFFFFFB00  }
0x343: {  	_ =	swait.ge [sflag:s0], $0x2800  }
0x344: {  	[sflag:s0] =	ssyncset.done $0x0  }
0x345: {  	[sflag:s0] =	ssyncadd.s32 $0xFFFFD800  }
0x346: {  	[bflag:$0x0] =	sbarrier.arrive $0xFFFF  }
0x347: {  	s5 =	rddreg [dreg:$0x7]  }
0x348: {  	s18 =	rddreg [dreg:$0x10]  }
0x349: {  	s1 =	rddreg [dreg:$0x14]  }
0x34a: {  	[hbm:s18], [sflag:s5] =	dma.local [spmem:s1], $0x2780  }
0x34b: {  	s1 =	simm.s32 $0x9  }
0x34c: {  	_ =	swait.ge [sflag:s1], $0x2780  }
0x34d: {  	[sflag:s1] =	ssyncset.done $0x0;
	s19 =	rddreg [dreg:$0x11]  }
0x34e: {  	s2 =	rddreg [dreg:$0x15];
	[sflag:s1] =	ssyncadd.s32 $0xFFFFD880  }
0x34f: {  	[hbm:s19], [sflag:s5] =	dma.local [spmem:s2], $0x4F0  }
0x350: {  	_ =	swait.ge [sflag:s1], $0x4F0  }
0x351: {  	s20 =	rddreg [dreg:$0x13]  }
0x352: {  	s29 =	rddreg [dreg:$0x12];
	s2 =	sadd.s32 $0x1, s20  }
0x353: {  	p0 =	sne.s32 s2, s29  }
.Ltmp6:
0x354: {  	_ = 	snop;
	(pc) =	sbr.rel @p0 .LBB2_1-.Ltmp6, $3  }
0x355: {  	_ =	sdelay $0x1  }
0x356: {  	[sflag:s1] =	ssyncset.done $0x0  }
0x357: {  	[sflag:s1] =	ssyncadd.s32 $0xFFFFFB10  }
0x358: {  	_ =	sfence.sel $0x180000  }
0x359: {  	[bflag:$0x0] =	sbarrier.arrive $0xFFFF  }
0x35a: {  	_ =	strace $0x90000047  }
0x35b: {  	s0 =	stileid.u32;
	[bflag:$0x2] =	sbarrier.arrive $0xFFFF  }
0x35c: {  	p0 =	sne.s32 s0, $0x0;
	s0 =	rddreg [dreg:$0x4]  }
0x35d: {  	s0 =	sadd.s32 @!p0 $0x100000, s0  }
0x35e: {  	[sflag:s0] =	ssyncadd.tile.s32 @!p0 $0x1;
	_ =	shalt  }
.Lfunc_end2:
_tile_overlayer_lowered:
.L_overlay_start_2:
0x35f: {  	(tag) =	ssettag $0x2  }
0x360: {  	s0 =	rddreg [dreg:$0x0];
	s2 =	stileid.u32  }
0x361: {  	s1 =	rddreg [dreg:$0x1];
	p0 =	sne.s32 s2, $0x0  }
0x362: {  	s3 =	rddreg [dreg:$0x2];
	[bflag:$0x3] =	sbarrier.arrive $0xFFFF;
	s2 =	simm.s32 @!p0 $0x1C09  }
0x363: {  	[timem:s3], [sflag:s2] =	dma.local @!p0 [hbm:s0], s1  }
0x364: {  	s0 =	simm.s32 @!p0 $0x9  }
0x365: {  	_ =	swait.ge @!p0 [sflag:s0], s1  }
0x366: {  	s1 =	ssub.s32 @!p0 $0x0, s1;
	[sflag:s0] =	ssyncset.done @!p0 $0x0  }
0x367: {  	[sflag:s0] =	ssyncadd.s32 @!p0 s1  }
0x368: {  	[bflag:$0x3] =	sbarrier.arrive $0xFFFF  }
0x369: {  	_ =	shalt  }

</sc_bundles>
